<compile_context>
chip_gen: v7x
topology: tpu7x:2x2x1
jax: 0.10.2.dev20260603
libtpu: 0.0.44.dev20260713+nightly
codegen_flags: <defaults>
</compile_context>

<pallas_src>
import dataclasses
import functools

import jax
import jax.numpy as jnp
from jax import lax
from jax.experimental import pallas as pl
from jax.experimental.pallas import tpu as pltpu
from jax.experimental.pallas import tpu_sc as plsc

_CP = pltpu.CompilerParams()
if "needs_layout_passes" in pltpu.CompilerParams.__dataclass_fields__:
    _CP = dataclasses.replace(_CP, needs_layout_passes=False)

_B, _F, _V, _K = 4096, 26, 100000, 32
_NC, _NS = 2, 16
_VSEG = 1536
_NSEG = 66
_FLMAX = 14
_TMAX = (_NSEG + _NS - 1) // _NS
_TS0 = 98560


def _body(tt_hbm, tailp_hbm, inpT_hbm, out_hbm,
          ridx_t, fidx_t, vlist, slabs, h1_pk, hb_pk,
          hbufs, sibufs, ring, sems, ssem, vsem):
    c = lax.axis_index("c")
    s = lax.axis_index("s")
    iota16 = lax.broadcasted_iota(jnp.int32, (16,), 0)

    fl_n = jnp.where(c == 0, 12, 14)
    f_base = jnp.where(c == 0, 0, 12)
    dump = _F * _B + c * _NS + s

    ring[0] = 0
    for j in range(4):
        ring[1 + j] = 0

    @pl.loop(0, _F)
    def _gen(f):
        ridx_t[f, pl.ds(0, 16)] = f * _K + iota16
        ridx_t[f, pl.ds(16, 16)] = f * _K + 16 + iota16

    def fetch(gf, t, buf):
        seg = s + t * _NS
        s0 = pl.multiple_of(seg * _VSEG, 128)

        @pl.when(seg < _NSEG - 1)
        def _():
            pltpu.async_copy(
                tt_hbm.at[ridx_t.at[gf], pl.ds(s0, _VSEG)],
                slabs.at[buf],
                sems.at[buf],
            )

        @pl.when(seg == _NSEG - 1)
        def _():
            pltpu.async_copy(
                tt_hbm.at[ridx_t.at[gf], pl.ds(pl.multiple_of(_TS0, 128), 1408)],
                slabs.at[buf].at[:, pl.ds(0, 1408)],
                sems.at[buf],
            )
            pltpu.async_copy(
                tailp_hbm.at[ridx_t.at[gf], pl.ds(0, 128)],
                slabs.at[buf].at[:, pl.ds(1408, 128)],
                sems.at[buf],
            )

    def wait_slab(buf):
        pltpu.make_async_copy(
            tt_hbm.at[ridx_t.at[0], pl.ds(0, _VSEG)],
            slabs.at[buf],
            sems.at[buf],
        ).wait()

    def issue_vlist(gf):
        fidx_t[pl.ds(0, 16)] = jnp.broadcast_to(gf, (16,))
        pltpu.async_copy(inpT_hbm.at[fidx_t.at[pl.ds(0, 1)]], vlist, vsem)

    def wait_vlist():
        pltpu.make_async_copy(
            inpT_hbm.at[fidx_t.at[pl.ds(0, 1)]], vlist, vsem
        ).wait()

    def ring_wait(bi):
        @pl.when(ring[1 + bi] == 1)
        def _():
            pltpu.make_async_copy(
                hbufs.at[bi],
                out_hbm.at[sibufs.at[bi]],
                ssem.at[bi],
            ).wait()

    def process_seg(fl, seg, n1, buf):
        s0 = seg * _VSEG
        s0c = jnp.where(seg == _NSEG - 1, _TS0, s0)

        def scan2(j, off):
            pk = h1_pk[pl.ds(j * 16, 16)]
            vv = pk & 131071
            m = (vv >= s0) & (vv < s0 + _VSEG)
            cnt = plsc.all_reduce_population_count(m)[0]

            @pl.when(cnt > 0)
            def _():
                pk2 = ((pk >> 17) << 11) | (vv - s0c)
                plsc.store_compressed(hb_pk.at[pl.ds(off, 16)], pk2, mask=m)

            return off + cnt

        n2 = lax.fori_loop(0, 17, scan2, 0, unroll=4)
        n2 = lax.fori_loop(17, (n1 + 15) >> 4, scan2, n2)
        hb_pk[pl.ds(n2, 16)] = jnp.broadcast_to(_B << 11, (16,))

        wait_slab(buf)

        def batch_step(g, _):
            pk2 = hb_pk[pl.ds(g * 16, 16)]
            bb = pk2 >> 11
            vv = pk2 & 2047
            sidx = jnp.where(bb >= _B, dump, bb * _F + f_base + fl)
            bi = ring[0] & 3
            ring_wait(bi)
            sibufs[bi, pl.ds(0, 16)] = sidx
            for lane in range(16):
                col = jnp.broadcast_to(vv[lane], (16,))
                lo = plsc.load_gather(slabs.at[buf], [iota16, col])
                hi = plsc.load_gather(slabs.at[buf], [iota16 + 16, col])
                hbufs[bi, lane, pl.ds(0, 16)] = lo
                hbufs[bi, lane, pl.ds(16, 16)] = hi

            pltpu.async_copy(hbufs.at[bi], out_hbm.at[sibufs.at[bi]],
                             ssem.at[bi])

            ring[1 + bi] = 1
            ring[0] = ring[0] + 1
            return 0

        lax.fori_loop(0, (n2 + 15) >> 4, batch_step, 0)

    issue_vlist(f_base)

    @pl.loop(0, _FLMAX)
    def _field(fl):
        @pl.when(fl < fl_n)
        def _():
            gf = f_base + fl
            fetch(gf, 0, 0)
            wait_vlist()

            def scan1(j, off):
                x = vlist[0, pl.ds(j * 16, 16)]
                seg_of = ((x >> 9) * 21846) >> 16
                m = (seg_of & (_NS - 1)) == s
                cnt = plsc.all_reduce_population_count(m)[0]

                @pl.when(cnt > 0)
                def _():
                    plsc.store_compressed(h1_pk.at[pl.ds(off, 16)],
                                          ((j * 16 + iota16) << 17) | x,
                                          mask=m)

                return off + cnt

            @pl.loop(0, 18)
            def _prefill(j):
                h1_pk[pl.ds(j * 16, 16)] = jnp.broadcast_to(
                    jnp.int32((_B << 17) | 131071), (16,))

            n1 = lax.fori_loop(0, _B // 16, scan1, 0, unroll=4)
            h1_pk[pl.ds(n1, 16)] = jnp.broadcast_to(
                jnp.int32((_B << 17) | 131071), (16,))

            @pl.when(fl + 1 < fl_n)
            def _():
                issue_vlist(gf + 1)

            @pl.loop(0, _TMAX)
            def _t(t):
                seg = s + t * _NS

                @pl.when(seg < _NSEG)
                def _():
                    @pl.when(seg + _NS < _NSEG)
                    def _():
                        fetch(gf, t + 1, (t + 1) & 1)

                    process_seg(fl, seg, n1, t & 1)

    for j in range(4):

        @pl.when(ring[1 + j] == 1)
        def _(j=j):
            pltpu.make_async_copy(
                hbufs.at[j],
                out_hbm.at[sibufs.at[j]],
                ssem.at[j],
            ).wait()


@jax.jit
def kernel(inputs, tables):
    f, voc, k = tables.shape
    b = inputs.shape[0]
    tt = jnp.transpose(tables, (0, 2, 1)).reshape(f * k, voc)
    tailp = jnp.pad(tt[:, _TS0 + 1408 :], ((0, 0), (0, 96)))
    inpT = jnp.transpose(inputs)
    mesh = plsc.VectorSubcoreMesh(core_axis_name="c", subcore_axis_name="s")
    run = functools.partial(
        pl.kernel,
        mesh=mesh,
        out_type=jax.ShapeDtypeStruct((b * f + 32, 128), jnp.float32),
        compiler_params=_CP,
        scratch_types=[
            pltpu.VMEM((_F, _K), jnp.int32),
            pltpu.VMEM((16,), jnp.int32),
            pltpu.VMEM((1, _B), jnp.int32),
            pltpu.VMEM((2, _K, _VSEG), jnp.float32),
            pltpu.VMEM((_B + 16,), jnp.int32),
            pltpu.VMEM((_B + 16,), jnp.int32),
            pltpu.VMEM((4, 16, 128), jnp.float32),
            pltpu.VMEM((4, 16), jnp.int32),
            pltpu.SMEM((16,), jnp.int32),
            pltpu.SemaphoreType.DMA((2,)),
            pltpu.SemaphoreType.DMA((4,)),
            pltpu.SemaphoreType.DMA,
        ],
    )(_body)
    out2 = run(tt, tailp, inpT)
    return out2[: b * f, :k].reshape(b, f, k).reshape(b, f * k)

# --- scband reference (transcript-rebuilt; emitter-appended) ---
"""Pipeline reference for scband-embed-layer-22144851378671 (READ-ONLY COPY).

The authoritative reference and input builder live on the scoring server;
editing this copy changes nothing except your own understanding.
"""

import jax, jax.numpy as jnp
import numpy as np

B = 4096
F = 26
VOCAB = 100000
K = 32


def setup_inputs(seed: int = 0) -> dict:
    key = jax.random.key(seed)
    k1, k2 = jax.random.split(key)
    inputs = jax.random.randint(k1, (B, F), 0, VOCAB, dtype=jnp.int32)
    # 26 independent embedding tables, stacked into one array [F, VOCAB, K]
    tables = jax.random.normal(k2, (F, VOCAB, K), dtype=jnp.float32) * 0.05
    return {"inputs": inputs, "tables": tables}


def reference(inputs, tables):
    # inputs: int[B, F]; tables: float[F, VOCAB, K]
    # For each field i, look up inputs[:, i] in tables[i], then concat across fields.
    b, f = inputs.shape
    field_idx = jnp.arange(f)[None, :]            # [1, F]
    emb = tables[field_idx, inputs]               # gather -> [B, F, K]
    out = emb.reshape(b, f * tables.shape[-1])    # [B, F*K]
    return out

if __name__ == "__main__":
    import jax
    _d = setup_inputs()
    print(jax.jit(kernel)(*tuple(_d.values())))

</pallas_src>

<mosaic_0001>
#map = affine_map<(d0, d1) -> (0, 0)>
module attributes {stable_mosaic.version = 14 : i64} {
  func.func @_body(%arg0: i32, %arg1: i32, %arg2: memref<832x100000xf32, #tpu.memory_space<hbm>>, %arg3: memref<832x128xf32, #tpu.memory_space<hbm>>, %arg4: memref<26x4096xi32, #tpu.memory_space<hbm>>, %arg5: memref<106528x128xf32, #tpu.memory_space<hbm>>, %arg6: memref<26x32xi32, #tpu.memory_space<vmem>>, %arg7: memref<16xi32, #tpu.memory_space<vmem>>, %arg8: memref<1x4096xi32, #tpu.memory_space<vmem>>, %arg9: memref<2x32x1536xf32, #tpu.memory_space<vmem>>, %arg10: memref<4112xi32, #tpu.memory_space<vmem>>, %arg11: memref<4112xi32, #tpu.memory_space<vmem>>, %arg12: memref<4x16x128xf32, #tpu.memory_space<vmem>>, %arg13: memref<4x16xi32, #tpu.memory_space<vmem>>, %arg14: memref<16xi32, #tpu.memory_space<smem>>, %arg15: memref<2x!tpu.dma_semaphore, #tpu.memory_space<semaphore_mem>>, %arg16: memref<4x!tpu.dma_semaphore, #tpu.memory_space<semaphore_mem>>, %arg17: memref<!tpu.dma_semaphore, #tpu.memory_space<semaphore_mem>>) attributes {dimension_semantics = [#tpu.dimension_semantics<core_parallel>, #tpu.dimension_semantics<subcore_parallel>], iteration_bounds = array<i64: 2, 16>, scalar_prefetch = 0 : i64, scratch_operands = 12 : i64, tpu.core_type = #tpu.core_type<sc_vector_subcore>, window_params = [{transform_indices = #map}, {transform_indices = #map}, {transform_indices = #map}, {transform_indices = #map}]} {
    %iota3A = tpu.iota {dimensions = array<i32: 0>} : vector<16xi32>
    %eq3A = arith.constant 0 : i32
    %eq3A_0 = arith.cmpi eq, %arg0, %eq3A : i32
    %jit3A = arith.constant 12 : i32
    %jit3A_1 = arith.constant 14 : i32
    %select_n3A = arith.select %eq3A_0, %jit3A, %jit3A_1 : i32
    %eq3A_2 = arith.constant 0 : i32
    %eq3A_3 = arith.cmpi eq, %arg0, %eq3A_2 : i32
    %jit3A_4 = arith.constant 0 : i32
    %jit3A_5 = arith.constant 12 : i32
    %select_n3A_6 = arith.select %eq3A_3, %jit3A_4, %jit3A_5 : i32
    %mul3A = arith.constant 16 : i32
    %mul3A_7 = arith.muli %arg0, %mul3A : i32
    %add3A = arith.constant 106496 : i32
    %add3A_8 = arith.addi %add3A, %mul3A_7 : i32
    %add3A_9 = arith.addi %add3A_8, %arg1 : i32
    %swap3A = arith.constant 0 : i32
    %swap3A_10 = arith.constant 0 : i32
    %swap3A_11 = arith.index_cast %swap3A_10 : i32 to index
    %swap3A_12 = memref.load %arg14[%swap3A_11] : memref<16xi32, #tpu.memory_space<smem>>
    memref.store %swap3A, %arg14[%swap3A_11] : memref<16xi32, #tpu.memory_space<smem>>
    %swap3A_13 = arith.constant 0 : i32
    %swap3A_14 = arith.constant 1 : i32
    %swap3A_15 = arith.index_cast %swap3A_14 : i32 to index
    %swap3A_16 = memref.load %arg14[%swap3A_15] : memref<16xi32, #tpu.memory_space<smem>>
    memref.store %swap3A_13, %arg14[%swap3A_15] : memref<16xi32, #tpu.memory_space<smem>>
    %swap3A_17 = arith.constant 0 : i32
    %swap3A_18 = arith.constant 2 : i32
    %swap3A_19 = arith.index_cast %swap3A_18 : i32 to index
    %swap3A_20 = memref.load %arg14[%swap3A_19] : memref<16xi32, #tpu.memory_space<smem>>
    memref.store %swap3A_17, %arg14[%swap3A_19] : memref<16xi32, #tpu.memory_space<smem>>
    %swap3A_21 = arith.constant 0 : i32
    %swap3A_22 = arith.constant 3 : i32
    %swap3A_23 = arith.index_cast %swap3A_22 : i32 to index
    %swap3A_24 = memref.load %arg14[%swap3A_23] : memref<16xi32, #tpu.memory_space<smem>>
    memref.store %swap3A_21, %arg14[%swap3A_23] : memref<16xi32, #tpu.memory_space<smem>>
    %swap3A_25 = arith.constant 0 : i32
    %swap3A_26 = arith.constant 4 : i32
    %swap3A_27 = arith.index_cast %swap3A_26 : i32 to index
    %swap3A_28 = memref.load %arg14[%swap3A_27] : memref<16xi32, #tpu.memory_space<smem>>
    memref.store %swap3A_25, %arg14[%swap3A_27] : memref<16xi32, #tpu.memory_space<smem>>
    %scan3A = arith.constant 0 : i32
    %scan3A_29 = arith.constant 26 : i32
    %scan3A_30 = arith.addi %scan3A, %scan3A_29 : i32
    %scan3A_31 = arith.constant 1 : i32
    scf.for %scan3A_73 = %scan3A to %scan3A_30 step %scan3A_31  : i32 {
      %mul3A_74 = arith.constant 1 : i32
      %mul3A_75 = arith.muli %scan3A_73, %mul3A_74 : i32
      %add3A_76 = arith.constant 0 : i32
      %add3A_77 = arith.addi %add3A_76, %mul3A_75 : i32
      %mul3A_78 = arith.constant 32 : i32
      %mul3A_79 = arith.muli %add3A_77, %mul3A_78 : i32
      %add3A_80 = vector.broadcast %mul3A_79 : i32 to vector<16xi32>
      %add3A_81 = arith.addi %add3A_80, %iota3A : vector<16xi32>
      %swap3A_82 = arith.index_cast %add3A_77 : i32 to index
      %swap3A_83 = arith.constant 0 : index
      %swap3A_84 = tpu.vector_load %arg6[%swap3A_82, %swap3A_83] {strides = array<i32>} : memref<26x32xi32, #tpu.memory_space<vmem>>, vector<16xi32>,
      tpu.vector_store %arg6[%swap3A_82, %swap3A_83], %add3A_81 {strides = array<i32>} : memref<26x32xi32, #tpu.memory_space<vmem>>, vector<16xi32>,
      %mul3A_85 = arith.constant 32 : i32
      %mul3A_86 = arith.muli %add3A_77, %mul3A_85 : i32
      %add3A_87 = arith.constant 16 : i32
      %add3A_88 = arith.addi %mul3A_86, %add3A_87 : i32
      %add3A_89 = vector.broadcast %add3A_88 : i32 to vector<16xi32>
      %add3A_90 = arith.addi %add3A_89, %iota3A : vector<16xi32>
      %swap3A_91 = arith.index_cast %add3A_77 : i32 to index
      %swap3A_92 = arith.constant 16 : index
      %swap3A_93 = tpu.vector_load %arg6[%swap3A_91, %swap3A_92] {strides = array<i32>} : memref<26x32xi32, #tpu.memory_space<vmem>>, vector<16xi32>,
      tpu.vector_store %arg6[%swap3A_91, %swap3A_92], %add3A_90 {strides = array<i32>} : memref<26x32xi32, #tpu.memory_space<vmem>>, vector<16xi32>,
    }
    %scan3A_32 = arith.constant 26 : i32
    %broadcast_in_dim3A = vector.broadcast %select_n3A_6 : i32 to vector<16xi32>
    %swap3A_33 = arith.constant 0 : index
    %swap3A_34 = tpu.vector_load %arg7[%swap3A_33] {strides = array<i32>} : memref<16xi32, #tpu.memory_space<vmem>>, vector<16xi32>,
    tpu.vector_store %arg7[%swap3A_33], %broadcast_in_dim3A {strides = array<i32>} : memref<16xi32, #tpu.memory_space<vmem>>, vector<16xi32>,
    %dma_start3A = arith.constant 0 : i32
    %dma_start3A_35 = tpu.memref_slice %arg7[%dma_start3A] : memref<16xi32, #tpu.memory_space<vmem>> -> memref<1xi32, #tpu.memory_space<vmem>>
    %dma_start3A_36 = arith.constant 0 : i32
    %dma_start3A_37 = arith.constant 0 : i32
    %dma_start3A_38 = tpu.memref_slice %arg4[%dma_start3A_36, %dma_start3A_37] : memref<26x4096xi32, #tpu.memory_space<hbm>> -> memref<26x4096xi32, #tpu.memory_space<hbm>>
    tpu.enqueue_indirect_dma source(%dma_start3A_38 : memref<26x4096xi32, #tpu.memory_space<hbm>>) target(%arg8 : memref<1x4096xi32, #tpu.memory_space<vmem>>) offsets(%dma_start3A_35 : memref<1xi32, #tpu.memory_space<vmem>>) semaphore(%arg17 : memref<!tpu.dma_semaphore, #tpu.memory_space<semaphore_mem>>)
    %scan3A_39 = arith.constant 0 : i32
    %scan3A_40 = arith.constant 14 : i32
    %scan3A_41 = arith.addi %scan3A_39, %scan3A_40 : i32
    %scan3A_42 = arith.constant 1 : i32
    scf.for %scan3A_73 = %scan3A_39 to %scan3A_41 step %scan3A_42  : i32 {
      %mul3A_74 = arith.constant 1 : i32
      %mul3A_75 = arith.muli %scan3A_73, %mul3A_74 : i32
      %add3A_76 = arith.constant 0 : i32
      %add3A_77 = arith.addi %add3A_76, %mul3A_75 : i32
      %lt3A = arith.cmpi slt, %add3A_77, %select_n3A : i32
      %convert_element_type3A_78 = arith.extui %lt3A : i1 to i32
      %cond3A_79 = arith.constant 0 : i32
      %cond3A_80 = arith.cmpi ne, %convert_element_type3A_78, %cond3A_79 : i32
      scf.if %cond3A_80 {
        %add3A_81 = arith.addi %select_n3A_6, %add3A_77 : i32
        %add3A_82 = arith.constant 0 : i32
        %add3A_83 = arith.addi %arg1, %add3A_82 : i32
        %mul3A_84 = arith.constant 1536 : i32
        %mul3A_85 = arith.muli %add3A_83, %mul3A_84 : i32
        %multiple_of3A = tpu.assume_multiple %mul3A_85, 128 : i32
        %lt3A_86 = arith.constant 65 : i32
        %lt3A_87 = arith.cmpi slt, %add3A_83, %lt3A_86 : i32
        %convert_element_type3A_88 = arith.extui %lt3A_87 : i1 to i32
        %cond3A_89 = arith.constant 0 : i32
        %cond3A_90 = arith.cmpi ne, %convert_element_type3A_88, %cond3A_89 : i32
        scf.if %cond3A_90 {
          %dma_start3A_127 = arith.constant 0 : i32
          %dma_start3A_128 = arith.constant 0 : i32
          %dma_start3A_129 = arith.constant 0 : i32
          %dma_start3A_130 = arith.constant 0 : i32
          %dma_start3A_131 = tpu.memref_slice %arg9[%dma_start3A_127, %dma_start3A_129, %dma_start3A_130] : memref<2x32x1536xf32, #tpu.memory_space<vmem>> -> memref<1x32x1536xf32, #tpu.memory_space<vmem>>
          %dma_start3A_132 = tpu.memref_squeeze %dma_start3A_131 : memref<1x32x1536xf32, #tpu.memory_space<vmem>> -> memref<32x1536xf32, #tpu.memory_space<vmem>>
          %dma_start3A_133 = arith.constant 0 : i32
          %dma_start3A_134 = tpu.memref_slice %arg6[%add3A_81, %dma_start3A_133] : memref<26x32xi32, #tpu.memory_space<vmem>> -> memref<1x32xi32, #tpu.memory_space<vmem>>
          %dma_start3A_135 = tpu.memref_squeeze %dma_start3A_134 : memref<1x32xi32, #tpu.memory_space<vmem>> -> memref<32xi32, #tpu.memory_space<vmem>>
          %dma_start3A_136 = arith.constant 0 : i32
          %dma_start3A_137 = tpu.memref_slice %arg2[%dma_start3A_136, %multiple_of3A] : memref<832x100000xf32, #tpu.memory_space<hbm>> -> memref<832x1536xf32, #tpu.memory_space<hbm>>
          %dma_start3A_138 = tpu.memref_slice %arg15[%dma_start3A_128] : memref<2x!tpu.dma_semaphore, #tpu.memory_space<semaphore_mem>> -> memref<1x!tpu.dma_semaphore, #tpu.memory_space<semaphore_mem>>
          %dma_start3A_139 = tpu.memref_squeeze %dma_start3A_138 : memref<1x!tpu.dma_semaphore, #tpu.memory_space<semaphore_mem>> -> memref<!tpu.dma_semaphore, #tpu.memory_space<semaphore_mem>>
          tpu.enqueue_indirect_dma source(%dma_start3A_137 : memref<832x1536xf32, #tpu.memory_space<hbm>>) target(%dma_start3A_132 : memref<32x1536xf32, #tpu.memory_space<vmem>>) offsets(%dma_start3A_135 : memref<32xi32, #tpu.memory_space<vmem>>) semaphore(%dma_start3A_139 : memref<!tpu.dma_semaphore, #tpu.memory_space<semaphore_mem>>)
        } else {
        }
        %eq3A_91 = arith.constant 65 : i32
        %eq3A_92 = arith.cmpi eq, %add3A_83, %eq3A_91 : i32
        %convert_element_type3A_93 = arith.extui %eq3A_92 : i1 to i32
        %cond3A_94 = arith.constant 0 : i32
        %cond3A_95 = arith.cmpi ne, %convert_element_type3A_93, %cond3A_94 : i32
        scf.if %cond3A_95 {
          %multiple_of3A_127 = arith.constant 98560 : i32
          %multiple_of3A_128 = tpu.assume_multiple %multiple_of3A_127, 128 : i32
          %dma_start3A_129 = arith.constant 0 : i32
          %dma_start3A_130 = arith.constant 0 : i32
          %dma_start3A_131 = arith.constant 0 : i32
          %dma_start3A_132 = arith.constant 0 : i32
          %dma_start3A_133 = tpu.memref_slice %arg9[%dma_start3A_129, %dma_start3A_131, %dma_start3A_132] : memref<2x32x1536xf32, #tpu.memory_space<vmem>> -> memref<1x32x1536xf32, #tpu.memory_space<vmem>>
          %dma_start3A_134 = tpu.memref_squeeze %dma_start3A_133 : memref<1x32x1536xf32, #tpu.memory_space<vmem>> -> memref<32x1536xf32, #tpu.memory_space<vmem>>
          %dma_start3A_135 = arith.constant 0 : i32
          %dma_start3A_136 = arith.constant 0 : i32
          %dma_start3A_137 = tpu.memref_slice %dma_start3A_134[%dma_start3A_135, %dma_start3A_136] : memref<32x1536xf32, #tpu.memory_space<vmem>> -> memref<32x1408xf32, #tpu.memory_space<vmem>>
          %dma_start3A_138 = arith.constant 0 : i32
          %dma_start3A_139 = tpu.memref_slice %arg6[%add3A_81, %dma_start3A_138] : memref<26x32xi32, #tpu.memory_space<vmem>> -> memref<1x32xi32, #tpu.memory_space<vmem>>
          %dma_start3A_140 = tpu.memref_squeeze %dma_start3A_139 : memref<1x32xi32, #tpu.memory_space<vmem>> -> memref<32xi32, #tpu.memory_space<vmem>>
          %dma_start3A_141 = arith.constant 0 : i32
          %dma_start3A_142 = tpu.memref_slice %arg2[%dma_start3A_141, %multiple_of3A_128] : memref<832x100000xf32, #tpu.memory_space<hbm>> -> memref<832x1408xf32, #tpu.memory_space<hbm>>
          %dma_start3A_143 = tpu.memref_slice %arg15[%dma_start3A_130] : memref<2x!tpu.dma_semaphore, #tpu.memory_space<semaphore_mem>> -> memref<1x!tpu.dma_semaphore, #tpu.memory_space<semaphore_mem>>
          %dma_start3A_144 = tpu.memref_squeeze %dma_start3A_143 : memref<1x!tpu.dma_semaphore, #tpu.memory_space<semaphore_mem>> -> memref<!tpu.dma_semaphore, #tpu.memory_space<semaphore_mem>>
          tpu.enqueue_indirect_dma source(%dma_start3A_142 : memref<832x1408xf32, #tpu.memory_space<hbm>>) target(%dma_start3A_137 : memref<32x1408xf32, #tpu.memory_space<vmem>>) offsets(%dma_start3A_140 : memref<32xi32, #tpu.memory_space<vmem>>) semaphore(%dma_start3A_144 : memref<!tpu.dma_semaphore, #tpu.memory_space<semaphore_mem>>)
          %dma_start3A_145 = arith.constant 0 : i32
          %dma_start3A_146 = arith.constant 0 : i32
          %dma_start3A_147 = arith.constant 0 : i32
          %dma_start3A_148 = arith.constant 0 : i32
          %dma_start3A_149 = tpu.memref_slice %arg9[%dma_start3A_145, %dma_start3A_147, %dma_start3A_148] : memref<2x32x1536xf32, #tpu.memory_space<vmem>> -> memref<1x32x1536xf32, #tpu.memory_space<vmem>>
          %dma_start3A_150 = tpu.memref_squeeze %dma_start3A_149 : memref<1x32x1536xf32, #tpu.memory_space<vmem>> -> memref<32x1536xf32, #tpu.memory_space<vmem>>
          %dma_start3A_151 = arith.constant 0 : i32
          %dma_start3A_152 = arith.constant 1408 : i32
          %dma_start3A_153 = tpu.memref_slice %dma_start3A_150[%dma_start3A_151, %dma_start3A_152] : memref<32x1536xf32, #tpu.memory_space<vmem>> -> memref<32x128xf32, #tpu.memory_space<vmem>>
          %dma_start3A_154 = arith.constant 0 : i32
          %dma_start3A_155 = tpu.memref_slice %arg6[%add3A_81, %dma_start3A_154] : memref<26x32xi32, #tpu.memory_space<vmem>> -> memref<1x32xi32, #tpu.memory_space<vmem>>
          %dma_start3A_156 = tpu.memref_squeeze %dma_start3A_155 : memref<1x32xi32, #tpu.memory_space<vmem>> -> memref<32xi32, #tpu.memory_space<vmem>>
          %dma_start3A_157 = arith.constant 0 : i32
          %dma_start3A_158 = arith.constant 0 : i32
          %dma_start3A_159 = tpu.memref_slice %arg3[%dma_start3A_157, %dma_start3A_158] : memref<832x128xf32, #tpu.memory_space<hbm>> -> memref<832x128xf32, #tpu.memory_space<hbm>>
          %dma_start3A_160 = tpu.memref_slice %arg15[%dma_start3A_146] : memref<2x!tpu.dma_semaphore, #tpu.memory_space<semaphore_mem>> -> memref<1x!tpu.dma_semaphore, #tpu.memory_space<semaphore_mem>>
          %dma_start3A_161 = tpu.memref_squeeze %dma_start3A_160 : memref<1x!tpu.dma_semaphore, #tpu.memory_space<semaphore_mem>> -> memref<!tpu.dma_semaphore, #tpu.memory_space<semaphore_mem>>
          tpu.enqueue_indirect_dma source(%dma_start3A_159 : memref<832x128xf32, #tpu.memory_space<hbm>>) target(%dma_start3A_153 : memref<32x128xf32, #tpu.memory_space<vmem>>) offsets(%dma_start3A_156 : memref<32xi32, #tpu.memory_space<vmem>>) semaphore(%dma_start3A_161 : memref<!tpu.dma_semaphore, #tpu.memory_space<semaphore_mem>>)
        } else {
        }
        %dma_wait3A = arith.constant 0 : i32
        %dma_wait3A_96 = tpu.memref_slice %arg7[%dma_wait3A] : memref<16xi32, #tpu.memory_space<vmem>> -> memref<1xi32, #tpu.memory_space<vmem>>
        %dma_wait3A_97 = arith.constant 0 : i32
        %dma_wait3A_98 = arith.constant 0 : i32
        %dma_wait3A_99 = tpu.memref_slice %arg4[%dma_wait3A_97, %dma_wait3A_98] : memref<26x4096xi32, #tpu.memory_space<hbm>> -> memref<26x4096xi32, #tpu.memory_space<hbm>>
        tpu.wait_indirect_dma semaphore(%arg17 : memref<!tpu.dma_semaphore, #tpu.memory_space<semaphore_mem>>) src(%dma_wait3A_99 : memref<26x4096xi32, #tpu.memory_space<hbm>>) dst(%arg8 : memref<1x4096xi32, #tpu.memory_space<vmem>>)
        %scan3A_100 = arith.constant 0 : i32
        %scan3A_101 = arith.constant 18 : i32
        %scan3A_102 = arith.addi %scan3A_100, %scan3A_101 : i32
        %scan3A_103 = arith.constant 1 : i32
        scf.for %scan3A_127 = %scan3A_100 to %scan3A_102 step %scan3A_103  : i32 {
          %mul3A_128 = arith.constant 1 : i32
          %mul3A_129 = arith.muli %scan3A_127, %mul3A_128 : i32
          %add3A_130 = arith.constant 0 : i32
          %add3A_131 = arith.addi %add3A_130, %mul3A_129 : i32
          %broadcast_in_dim3A_132 = arith.constant 537001983 : i32
          %broadcast_in_dim3A_133 = vector.broadcast %broadcast_in_dim3A_132 : i32 to vector<16xi32>
          %mul3A_134 = arith.constant 16 : i32
          %mul3A_135 = arith.muli %add3A_131, %mul3A_134 : i32
          %swap3A_136 = arith.index_cast %mul3A_135 : i32 to index
          %swap3A_137 = tpu.vector_load %arg10[%swap3A_136] {strides = array<i32>} : memref<4112xi32, #tpu.memory_space<vmem>>, vector<16xi32>,
          tpu.vector_store %arg10[%swap3A_136], %broadcast_in_dim3A_133 {strides = array<i32>} : memref<4112xi32, #tpu.memory_space<vmem>>, vector<16xi32>,
        }
        %scan3A_104 = arith.constant 18 : i32
        %scan3A_105 = arith.constant 0 : i32
        %scan3A_106 = arith.constant 0 : i32
        %scan3A_107 = arith.constant 256 : i32
        %scan3A_108 = arith.addi %scan3A_106, %scan3A_107 : i32
        %scan3A_109 = arith.constant 4 : i32
        %scan3A_110 = scf.for %scan3A_127 = %scan3A_106 to %scan3A_108 step %scan3A_109 iter_args(%scan3A_128 = %scan3A_105) -> (i32)  : i32 {
          %mul3A_129 = arith.constant 16 : i32
          %mul3A_130 = arith.muli %scan3A_127, %mul3A_129 : i32
          %get3A_131 = arith.constant 0 : i32
          %get3A_132 = arith.index_cast %get3A_131 : i32 to index
          %get3A_133 = arith.index_cast %mul3A_130 : i32 to index
          %get3A_134 = tpu.vector_load %arg8[%get3A_132, %get3A_133] {strides = array<i32>} : memref<1x4096xi32, #tpu.memory_space<vmem>>, vector<16xi32>,
          %shift_right_arithmetic3A = arith.constant 9 : i32
          %shift_right_arithmetic3A_135 = vector.broadcast %shift_right_arithmetic3A : i32 to vector<16xi32>
          %shift_right_arithmetic3A_136 = arith.shrsi %get3A_134, %shift_right_arithmetic3A_135 : vector<16xi32>
          %mul3A_137 = arith.constant 21846 : i32
          %mul3A_138 = vector.broadcast %mul3A_137 : i32 to vector<16xi32>
          %mul3A_139 = arith.muli %shift_right_arithmetic3A_136, %mul3A_138 : vector<16xi32>
          %shift_right_arithmetic3A_140 = arith.constant 16 : i32
          %shift_right_arithmetic3A_141 = vector.broadcast %shift_right_arithmetic3A_140 : i32 to vector<16xi32>
          %shift_right_arithmetic3A_142 = arith.shrsi %mul3A_139, %shift_right_arithmetic3A_141 : vector<16xi32>
          %and3A = arith.constant 15 : i32
          %and3A_143 = vector.broadcast %and3A : i32 to vector<16xi32>
          %and3A_144 = arith.andi %shift_right_arithmetic3A_142, %and3A_143 : vector<16xi32>
          %eq3A_145 = vector.broadcast %arg1 : i32 to vector<16xi32>
          %eq3A_146 = arith.cmpi eq, %and3A_144, %eq3A_145 : vector<16xi32>
          %all_reduce_population_count3A = tpu.all_reduce %eq3A_146 {dim = 0 : i64, kind = #tpu.reduction_kind<sum>} : vector<16xi1> -> vector<16xi32>
          %slice3A = vector.extract_strided_slice %all_reduce_population_count3A {offsets = [0], sizes = [1], strides = [1]} : vector<16xi32> to vector<1xi32>
          %squeeze3A = vector.extract %slice3A[0] : i32 from vector<1xi32>
          %gt3A = arith.constant 0 : i32
          %gt3A_147 = arith.cmpi sgt, %squeeze3A, %gt3A : i32
          %convert_element_type3A_148 = arith.extui %gt3A_147 : i1 to i32
          %cond3A_149 = arith.constant 0 : i32
          %cond3A_150 = arith.cmpi ne, %convert_element_type3A_148, %cond3A_149 : i32
          scf.if %cond3A_150 {
            %mul3A_245 = arith.constant 16 : i32
            %mul3A_246 = arith.muli %scan3A_127, %mul3A_245 : i32
            %add3A_247 = vector.broadcast %mul3A_246 : i32 to vector<16xi32>
            %add3A_248 = arith.addi %add3A_247, %iota3A : vector<16xi32>
            %shift_left3A = arith.constant 17 : i32
            %shift_left3A_249 = vector.broadcast %shift_left3A : i32 to vector<16xi32>
            %shift_left3A_250 = arith.shli %add3A_248, %shift_left3A_249 : vector<16xi32>
            %or3A = arith.ori %shift_left3A_250, %get3A_134 : vector<16xi32>
            %swap3A_251 = arith.index_cast %scan3A_128 : i32 to index
            %swap3A_252 = tpu.vector_load %arg10[%swap3A_251] masked %eq3A_146 {strides = array<i32>} : memref<4112xi32, #tpu.memory_space<vmem>>, vector<16xi32>, vector<16xi1>
            tpu.vector_store %arg10[%swap3A_251], %or3A masked %eq3A_146 {strides = array<i32>} : memref<4112xi32, #tpu.memory_space<vmem>>, vector<16xi32>, vector<16xi1>
          } else {
          }
          %add3A_151 = arith.addi %scan3A_128, %squeeze3A : i32
          %scan3A_152 = arith.constant 1 : i32
          %scan3A_153 = arith.addi %scan3A_127, %scan3A_152 : i32
          %mul3A_154 = arith.constant 16 : i32
          %mul3A_155 = arith.muli %scan3A_153, %mul3A_154 : i32
          %get3A_156 = arith.constant 0 : i32
          %get3A_157 = arith.index_cast %get3A_156 : i32 to index
          %get3A_158 = arith.index_cast %mul3A_155 : i32 to index
          %get3A_159 = tpu.vector_load %arg8[%get3A_157, %get3A_158] {strides = array<i32>} : memref<1x4096xi32, #tpu.memory_space<vmem>>, vector<16xi32>,
          %shift_right_arithmetic3A_160 = arith.constant 9 : i32
          %shift_right_arithmetic3A_161 = vector.broadcast %shift_right_arithmetic3A_160 : i32 to vector<16xi32>
          %shift_right_arithmetic3A_162 = arith.shrsi %get3A_159, %shift_right_arithmetic3A_161 : vector<16xi32>
          %mul3A_163 = arith.constant 21846 : i32
          %mul3A_164 = vector.broadcast %mul3A_163 : i32 to vector<16xi32>
          %mul3A_165 = arith.muli %shift_right_arithmetic3A_162, %mul3A_164 : vector<16xi32>
          %shift_right_arithmetic3A_166 = arith.constant 16 : i32
          %shift_right_arithmetic3A_167 = vector.broadcast %shift_right_arithmetic3A_166 : i32 to vector<16xi32>
          %shift_right_arithmetic3A_168 = arith.shrsi %mul3A_165, %shift_right_arithmetic3A_167 : vector<16xi32>
          %and3A_169 = arith.constant 15 : i32
          %and3A_170 = vector.broadcast %and3A_169 : i32 to vector<16xi32>
          %and3A_171 = arith.andi %shift_right_arithmetic3A_168, %and3A_170 : vector<16xi32>
          %eq3A_172 = vector.broadcast %arg1 : i32 to vector<16xi32>
          %eq3A_173 = arith.cmpi eq, %and3A_171, %eq3A_172 : vector<16xi32>
          %all_reduce_population_count3A_174 = tpu.all_reduce %eq3A_173 {dim = 0 : i64, kind = #tpu.reduction_kind<sum>} : vector<16xi1> -> vector<16xi32>
          %slice3A_175 = vector.extract_strided_slice %all_reduce_population_count3A_174 {offsets = [0], sizes = [1], strides = [1]} : vector<16xi32> to vector<1xi32>
          %squeeze3A_176 = vector.extract %slice3A_175[0] : i32 from vector<1xi32>
          %gt3A_177 = arith.constant 0 : i32
          %gt3A_178 = arith.cmpi sgt, %squeeze3A_176, %gt3A_177 : i32
          %convert_element_type3A_179 = arith.extui %gt3A_178 : i1 to i32
          %cond3A_180 = arith.constant 0 : i32
          %cond3A_181 = arith.cmpi ne, %convert_element_type3A_179, %cond3A_180 : i32
          scf.if %cond3A_181 {
            %mul3A_245 = arith.constant 16 : i32
            %mul3A_246 = arith.muli %scan3A_153, %mul3A_245 : i32
            %add3A_247 = vector.broadcast %mul3A_246 : i32 to vector<16xi32>
            %add3A_248 = arith.addi %add3A_247, %iota3A : vector<16xi32>
            %shift_left3A = arith.constant 17 : i32
            %shift_left3A_249 = vector.broadcast %shift_left3A : i32 to vector<16xi32>
            %shift_left3A_250 = arith.shli %add3A_248, %shift_left3A_249 : vector<16xi32>
            %or3A = arith.ori %shift_left3A_250, %get3A_159 : vector<16xi32>
            %swap3A_251 = arith.index_cast %add3A_151 : i32 to index
            %swap3A_252 = tpu.vector_load %arg10[%swap3A_251] masked %eq3A_173 {strides = array<i32>} : memref<4112xi32, #tpu.memory_space<vmem>>, vector<16xi32>, vector<16xi1>
            tpu.vector_store %arg10[%swap3A_251], %or3A masked %eq3A_173 {strides = array<i32>} : memref<4112xi32, #tpu.memory_space<vmem>>, vector<16xi32>, vector<16xi1>
          } else {
          }
          %add3A_182 = arith.addi %add3A_151, %squeeze3A_176 : i32
          %scan3A_183 = arith.constant 2 : i32
          %scan3A_184 = arith.addi %scan3A_127, %scan3A_183 : i32
          %mul3A_185 = arith.constant 16 : i32
          %mul3A_186 = arith.muli %scan3A_184, %mul3A_185 : i32
          %get3A_187 = arith.constant 0 : i32
          %get3A_188 = arith.index_cast %get3A_187 : i32 to index
          %get3A_189 = arith.index_cast %mul3A_186 : i32 to index
          %get3A_190 = tpu.vector_load %arg8[%get3A_188, %get3A_189] {strides = array<i32>} : memref<1x4096xi32, #tpu.memory_space<vmem>>, vector<16xi32>,
          %shift_right_arithmetic3A_191 = arith.constant 9 : i32
          %shift_right_arithmetic3A_192 = vector.broadcast %shift_right_arithmetic3A_191 : i32 to vector<16xi32>
          %shift_right_arithmetic3A_193 = arith.shrsi %get3A_190, %shift_right_arithmetic3A_192 : vector<16xi32>
          %mul3A_194 = arith.constant 21846 : i32
          %mul3A_195 = vector.broadcast %mul3A_194 : i32 to vector<16xi32>
          %mul3A_196 = arith.muli %shift_right_arithmetic3A_193, %mul3A_195 : vector<16xi32>
          %shift_right_arithmetic3A_197 = arith.constant 16 : i32
          %shift_right_arithmetic3A_198 = vector.broadcast %shift_right_arithmetic3A_197 : i32 to vector<16xi32>
          %shift_right_arithmetic3A_199 = arith.shrsi %mul3A_196, %shift_right_arithmetic3A_198 : vector<16xi32>
          %and3A_200 = arith.constant 15 : i32
          %and3A_201 = vector.broadcast %and3A_200 : i32 to vector<16xi32>
          %and3A_202 = arith.andi %shift_right_arithmetic3A_199, %and3A_201 : vector<16xi32>
          %eq3A_203 = vector.broadcast %arg1 : i32 to vector<16xi32>
          %eq3A_204 = arith.cmpi eq, %and3A_202, %eq3A_203 : vector<16xi32>
          %all_reduce_population_count3A_205 = tpu.all_reduce %eq3A_204 {dim = 0 : i64, kind = #tpu.reduction_kind<sum>} : vector<16xi1> -> vector<16xi32>
          %slice3A_206 = vector.extract_strided_slice %all_reduce_population_count3A_205 {offsets = [0], sizes = [1], strides = [1]} : vector<16xi32> to vector<1xi32>
          %squeeze3A_207 = vector.extract %slice3A_206[0] : i32 from vector<1xi32>
          %gt3A_208 = arith.constant 0 : i32
          %gt3A_209 = arith.cmpi sgt, %squeeze3A_207, %gt3A_208 : i32
          %convert_element_type3A_210 = arith.extui %gt3A_209 : i1 to i32
          %cond3A_211 = arith.constant 0 : i32
          %cond3A_212 = arith.cmpi ne, %convert_element_type3A_210, %cond3A_211 : i32
          scf.if %cond3A_212 {
            %mul3A_245 = arith.constant 16 : i32
            %mul3A_246 = arith.muli %scan3A_184, %mul3A_245 : i32
            %add3A_247 = vector.broadcast %mul3A_246 : i32 to vector<16xi32>
            %add3A_248 = arith.addi %add3A_247, %iota3A : vector<16xi32>
            %shift_left3A = arith.constant 17 : i32
            %shift_left3A_249 = vector.broadcast %shift_left3A : i32 to vector<16xi32>
            %shift_left3A_250 = arith.shli %add3A_248, %shift_left3A_249 : vector<16xi32>
            %or3A = arith.ori %shift_left3A_250, %get3A_190 : vector<16xi32>
            %swap3A_251 = arith.index_cast %add3A_182 : i32 to index
            %swap3A_252 = tpu.vector_load %arg10[%swap3A_251] masked %eq3A_204 {strides = array<i32>} : memref<4112xi32, #tpu.memory_space<vmem>>, vector<16xi32>, vector<16xi1>
            tpu.vector_store %arg10[%swap3A_251], %or3A masked %eq3A_204 {strides = array<i32>} : memref<4112xi32, #tpu.memory_space<vmem>>, vector<16xi32>, vector<16xi1>
          } else {
          }
          %add3A_213 = arith.addi %add3A_182, %squeeze3A_207 : i32
          %scan3A_214 = arith.constant 3 : i32
          %scan3A_215 = arith.addi %scan3A_127, %scan3A_214 : i32
          %mul3A_216 = arith.constant 16 : i32
          %mul3A_217 = arith.muli %scan3A_215, %mul3A_216 : i32
          %get3A_218 = arith.constant 0 : i32
          %get3A_219 = arith.index_cast %get3A_218 : i32 to index
          %get3A_220 = arith.index_cast %mul3A_217 : i32 to index
          %get3A_221 = tpu.vector_load %arg8[%get3A_219, %get3A_220] {strides = array<i32>} : memref<1x4096xi32, #tpu.memory_space<vmem>>, vector<16xi32>,
          %shift_right_arithmetic3A_222 = arith.constant 9 : i32
          %shift_right_arithmetic3A_223 = vector.broadcast %shift_right_arithmetic3A_222 : i32 to vector<16xi32>
          %shift_right_arithmetic3A_224 = arith.shrsi %get3A_221, %shift_right_arithmetic3A_223 : vector<16xi32>
          %mul3A_225 = arith.constant 21846 : i32
          %mul3A_226 = vector.broadcast %mul3A_225 : i32 to vector<16xi32>
          %mul3A_227 = arith.muli %shift_right_arithmetic3A_224, %mul3A_226 : vector<16xi32>
          %shift_right_arithmetic3A_228 = arith.constant 16 : i32
          %shift_right_arithmetic3A_229 = vector.broadcast %shift_right_arithmetic3A_228 : i32 to vector<16xi32>
          %shift_right_arithmetic3A_230 = arith.shrsi %mul3A_227, %shift_right_arithmetic3A_229 : vector<16xi32>
          %and3A_231 = arith.constant 15 : i32
          %and3A_232 = vector.broadcast %and3A_231 : i32 to vector<16xi32>
          %and3A_233 = arith.andi %shift_right_arithmetic3A_230, %and3A_232 : vector<16xi32>
          %eq3A_234 = vector.broadcast %arg1 : i32 to vector<16xi32>
          %eq3A_235 = arith.cmpi eq, %and3A_233, %eq3A_234 : vector<16xi32>
          %all_reduce_population_count3A_236 = tpu.all_reduce %eq3A_235 {dim = 0 : i64, kind = #tpu.reduction_kind<sum>} : vector<16xi1> -> vector<16xi32>
          %slice3A_237 = vector.extract_strided_slice %all_reduce_population_count3A_236 {offsets = [0], sizes = [1], strides = [1]} : vector<16xi32> to vector<1xi32>
          %squeeze3A_238 = vector.extract %slice3A_237[0] : i32 from vector<1xi32>
          %gt3A_239 = arith.constant 0 : i32
          %gt3A_240 = arith.cmpi sgt, %squeeze3A_238, %gt3A_239 : i32
          %convert_element_type3A_241 = arith.extui %gt3A_240 : i1 to i32
          %cond3A_242 = arith.constant 0 : i32
          %cond3A_243 = arith.cmpi ne, %convert_element_type3A_241, %cond3A_242 : i32
          scf.if %cond3A_243 {
            %mul3A_245 = arith.constant 16 : i32
            %mul3A_246 = arith.muli %scan3A_215, %mul3A_245 : i32
            %add3A_247 = vector.broadcast %mul3A_246 : i32 to vector<16xi32>
            %add3A_248 = arith.addi %add3A_247, %iota3A : vector<16xi32>
            %shift_left3A = arith.constant 17 : i32
            %shift_left3A_249 = vector.broadcast %shift_left3A : i32 to vector<16xi32>
            %shift_left3A_250 = arith.shli %add3A_248, %shift_left3A_249 : vector<16xi32>
            %or3A = arith.ori %shift_left3A_250, %get3A_221 : vector<16xi32>
            %swap3A_251 = arith.index_cast %add3A_213 : i32 to index
            %swap3A_252 = tpu.vector_load %arg10[%swap3A_251] masked %eq3A_235 {strides = array<i32>} : memref<4112xi32, #tpu.memory_space<vmem>>, vector<16xi32>, vector<16xi1>
            tpu.vector_store %arg10[%swap3A_251], %or3A masked %eq3A_235 {strides = array<i32>} : memref<4112xi32, #tpu.memory_space<vmem>>, vector<16xi32>, vector<16xi1>
          } else {
          }
          %add3A_244 = arith.addi %add3A_213, %squeeze3A_238 : i32
          scf.yield %add3A_244 : i32
        }
        %scan3A_111 = arith.constant 256 : i32
        %broadcast_in_dim3A_112 = arith.constant 537001983 : i32
        %broadcast_in_dim3A_113 = vector.broadcast %broadcast_in_dim3A_112 : i32 to vector<16xi32>
        %swap3A_114 = arith.index_cast %scan3A_110 : i32 to index
        %swap3A_115 = tpu.vector_load %arg10[%swap3A_114] {strides = array<i32>} : memref<4112xi32, #tpu.memory_space<vmem>>, vector<16xi32>,
        tpu.vector_store %arg10[%swap3A_114], %broadcast_in_dim3A_113 {strides = array<i32>} : memref<4112xi32, #tpu.memory_space<vmem>>, vector<16xi32>,
        %add3A_116 = arith.constant 1 : i32
        %add3A_117 = arith.addi %add3A_77, %add3A_116 : i32
        %lt3A_118 = arith.cmpi slt, %add3A_117, %select_n3A : i32
        %convert_element_type3A_119 = arith.extui %lt3A_118 : i1 to i32
        %cond3A_120 = arith.constant 0 : i32
        %cond3A_121 = arith.cmpi ne, %convert_element_type3A_119, %cond3A_120 : i32
        scf.if %cond3A_121 {
          %add3A_127 = arith.constant 1 : i32
          %add3A_128 = arith.addi %add3A_81, %add3A_127 : i32
          %broadcast_in_dim3A_129 = vector.broadcast %add3A_128 : i32 to vector<16xi32>
          %swap3A_130 = arith.constant 0 : index
          %swap3A_131 = tpu.vector_load %arg7[%swap3A_130] {strides = array<i32>} : memref<16xi32, #tpu.memory_space<vmem>>, vector<16xi32>,
          tpu.vector_store %arg7[%swap3A_130], %broadcast_in_dim3A_129 {strides = array<i32>} : memref<16xi32, #tpu.memory_space<vmem>>, vector<16xi32>,
          %dma_start3A_132 = arith.constant 0 : i32
          %dma_start3A_133 = tpu.memref_slice %arg7[%dma_start3A_132] : memref<16xi32, #tpu.memory_space<vmem>> -> memref<1xi32, #tpu.memory_space<vmem>>
          %dma_start3A_134 = arith.constant 0 : i32
          %dma_start3A_135 = arith.constant 0 : i32
          %dma_start3A_136 = tpu.memref_slice %arg4[%dma_start3A_134, %dma_start3A_135] : memref<26x4096xi32, #tpu.memory_space<hbm>> -> memref<26x4096xi32, #tpu.memory_space<hbm>>
          tpu.enqueue_indirect_dma source(%dma_start3A_136 : memref<26x4096xi32, #tpu.memory_space<hbm>>) target(%arg8 : memref<1x4096xi32, #tpu.memory_space<vmem>>) offsets(%dma_start3A_133 : memref<1xi32, #tpu.memory_space<vmem>>) semaphore(%arg17 : memref<!tpu.dma_semaphore, #tpu.memory_space<semaphore_mem>>)
        } else {
        }
        %scan3A_122 = arith.constant 0 : i32
        %scan3A_123 = arith.constant 5 : i32
        %scan3A_124 = arith.addi %scan3A_122, %scan3A_123 : i32
        %scan3A_125 = arith.constant 1 : i32
        scf.for %scan3A_127 = %scan3A_122 to %scan3A_124 step %scan3A_125  : i32 {
          %mul3A_128 = arith.constant 1 : i32
          %mul3A_129 = arith.muli %scan3A_127, %mul3A_128 : i32
          %add3A_130 = arith.constant 0 : i32
          %add3A_131 = arith.addi %add3A_130, %mul3A_129 : i32
          %mul3A_132 = arith.constant 16 : i32
          %mul3A_133 = arith.muli %add3A_131, %mul3A_132 : i32
          %add3A_134 = arith.addi %arg1, %mul3A_133 : i32
          %lt3A_135 = arith.constant 66 : i32
          %lt3A_136 = arith.cmpi slt, %add3A_134, %lt3A_135 : i32
          %convert_element_type3A_137 = arith.extui %lt3A_136 : i1 to i32
          %cond3A_138 = arith.constant 0 : i32
          %cond3A_139 = arith.cmpi ne, %convert_element_type3A_137, %cond3A_138 : i32
          scf.if %cond3A_139 {
            %add3A_140 = arith.constant 16 : i32
            %add3A_141 = arith.addi %add3A_134, %add3A_140 : i32
            %lt3A_142 = arith.constant 66 : i32
            %lt3A_143 = arith.cmpi slt, %add3A_141, %lt3A_142 : i32
            %convert_element_type3A_144 = arith.extui %lt3A_143 : i1 to i32
            %cond3A_145 = arith.constant 0 : i32
            %cond3A_146 = arith.cmpi ne, %convert_element_type3A_144, %cond3A_145 : i32
            scf.if %cond3A_146 {
              %add3A_227 = arith.constant 1 : i32
              %add3A_228 = arith.addi %add3A_131, %add3A_227 : i32
              %add3A_229 = arith.constant 1 : i32
              %add3A_230 = arith.addi %add3A_131, %add3A_229 : i32
              %and3A_231 = arith.constant 1 : i32
              %and3A_232 = arith.andi %add3A_230, %and3A_231 : i32
              %mul3A_233 = arith.constant 16 : i32
              %mul3A_234 = arith.muli %add3A_228, %mul3A_233 : i32
              %add3A_235 = arith.addi %arg1, %mul3A_234 : i32
              %mul3A_236 = arith.constant 1536 : i32
              %mul3A_237 = arith.muli %add3A_235, %mul3A_236 : i32
              %multiple_of3A_238 = tpu.assume_multiple %mul3A_237, 128 : i32
              %lt3A_239 = arith.constant 65 : i32
              %lt3A_240 = arith.cmpi slt, %add3A_235, %lt3A_239 : i32
              %convert_element_type3A_241 = arith.extui %lt3A_240 : i1 to i32
              %cond3A_242 = arith.constant 0 : i32
              %cond3A_243 = arith.cmpi ne, %convert_element_type3A_241, %cond3A_242 : i32
              scf.if %cond3A_243 {
                %dma_start3A_249 = arith.constant 0 : i32
                %dma_start3A_250 = arith.constant 0 : i32
                %dma_start3A_251 = tpu.memref_slice %arg9[%and3A_232, %dma_start3A_249, %dma_start3A_250] : memref<2x32x1536xf32, #tpu.memory_space<vmem>> -> memref<1x32x1536xf32, #tpu.memory_space<vmem>>
                %dma_start3A_252 = tpu.memref_squeeze %dma_start3A_251 : memref<1x32x1536xf32, #tpu.memory_space<vmem>> -> memref<32x1536xf32, #tpu.memory_space<vmem>>
                %dma_start3A_253 = arith.constant 0 : i32
                %dma_start3A_254 = tpu.memref_slice %arg6[%add3A_81, %dma_start3A_253] : memref<26x32xi32, #tpu.memory_space<vmem>> -> memref<1x32xi32, #tpu.memory_space<vmem>>
                %dma_start3A_255 = tpu.memref_squeeze %dma_start3A_254 : memref<1x32xi32, #tpu.memory_space<vmem>> -> memref<32xi32, #tpu.memory_space<vmem>>
                %dma_start3A_256 = arith.constant 0 : i32
                %dma_start3A_257 = tpu.memref_slice %arg2[%dma_start3A_256, %multiple_of3A_238] : memref<832x100000xf32, #tpu.memory_space<hbm>> -> memref<832x1536xf32, #tpu.memory_space<hbm>>
                %dma_start3A_258 = tpu.memref_slice %arg15[%and3A_232] : memref<2x!tpu.dma_semaphore, #tpu.memory_space<semaphore_mem>> -> memref<1x!tpu.dma_semaphore, #tpu.memory_space<semaphore_mem>>
                %dma_start3A_259 = tpu.memref_squeeze %dma_start3A_258 : memref<1x!tpu.dma_semaphore, #tpu.memory_space<semaphore_mem>> -> memref<!tpu.dma_semaphore, #tpu.memory_space<semaphore_mem>>
                tpu.enqueue_indirect_dma source(%dma_start3A_257 : memref<832x1536xf32, #tpu.memory_space<hbm>>) target(%dma_start3A_252 : memref<32x1536xf32, #tpu.memory_space<vmem>>) offsets(%dma_start3A_255 : memref<32xi32, #tpu.memory_space<vmem>>) semaphore(%dma_start3A_259 : memref<!tpu.dma_semaphore, #tpu.memory_space<semaphore_mem>>)
              } else {
              }
              %eq3A_244 = arith.constant 65 : i32
              %eq3A_245 = arith.cmpi eq, %add3A_235, %eq3A_244 : i32
              %convert_element_type3A_246 = arith.extui %eq3A_245 : i1 to i32
              %cond3A_247 = arith.constant 0 : i32
              %cond3A_248 = arith.cmpi ne, %convert_element_type3A_246, %cond3A_247 : i32
              scf.if %cond3A_248 {
                %multiple_of3A_249 = arith.constant 98560 : i32
                %multiple_of3A_250 = tpu.assume_multiple %multiple_of3A_249, 128 : i32
                %dma_start3A_251 = arith.constant 0 : i32
                %dma_start3A_252 = arith.constant 0 : i32
                %dma_start3A_253 = tpu.memref_slice %arg9[%and3A_232, %dma_start3A_251, %dma_start3A_252] : memref<2x32x1536xf32, #tpu.memory_space<vmem>> -> memref<1x32x1536xf32, #tpu.memory_space<vmem>>
                %dma_start3A_254 = tpu.memref_squeeze %dma_start3A_253 : memref<1x32x1536xf32, #tpu.memory_space<vmem>> -> memref<32x1536xf32, #tpu.memory_space<vmem>>
                %dma_start3A_255 = arith.constant 0 : i32
                %dma_start3A_256 = arith.constant 0 : i32
                %dma_start3A_257 = tpu.memref_slice %dma_start3A_254[%dma_start3A_255, %dma_start3A_256] : memref<32x1536xf32, #tpu.memory_space<vmem>> -> memref<32x1408xf32, #tpu.memory_space<vmem>>
                %dma_start3A_258 = arith.constant 0 : i32
                %dma_start3A_259 = tpu.memref_slice %arg6[%add3A_81, %dma_start3A_258] : memref<26x32xi32, #tpu.memory_space<vmem>> -> memref<1x32xi32, #tpu.memory_space<vmem>>
                %dma_start3A_260 = tpu.memref_squeeze %dma_start3A_259 : memref<1x32xi32, #tpu.memory_space<vmem>> -> memref<32xi32, #tpu.memory_space<vmem>>
                %dma_start3A_261 = arith.constant 0 : i32
                %dma_start3A_262 = tpu.memref_slice %arg2[%dma_start3A_261, %multiple_of3A_250] : memref<832x100000xf32, #tpu.memory_space<hbm>> -> memref<832x1408xf32, #tpu.memory_space<hbm>>
                %dma_start3A_263 = tpu.memref_slice %arg15[%and3A_232] : memref<2x!tpu.dma_semaphore, #tpu.memory_space<semaphore_mem>> -> memref<1x!tpu.dma_semaphore, #tpu.memory_space<semaphore_mem>>
                %dma_start3A_264 = tpu.memref_squeeze %dma_start3A_263 : memref<1x!tpu.dma_semaphore, #tpu.memory_space<semaphore_mem>> -> memref<!tpu.dma_semaphore, #tpu.memory_space<semaphore_mem>>
                tpu.enqueue_indirect_dma source(%dma_start3A_262 : memref<832x1408xf32, #tpu.memory_space<hbm>>) target(%dma_start3A_257 : memref<32x1408xf32, #tpu.memory_space<vmem>>) offsets(%dma_start3A_260 : memref<32xi32, #tpu.memory_space<vmem>>) semaphore(%dma_start3A_264 : memref<!tpu.dma_semaphore, #tpu.memory_space<semaphore_mem>>)
                %dma_start3A_265 = arith.constant 0 : i32
                %dma_start3A_266 = arith.constant 0 : i32
                %dma_start3A_267 = tpu.memref_slice %arg9[%and3A_232, %dma_start3A_265, %dma_start3A_266] : memref<2x32x1536xf32, #tpu.memory_space<vmem>> -> memref<1x32x1536xf32, #tpu.memory_space<vmem>>
                %dma_start3A_268 = tpu.memref_squeeze %dma_start3A_267 : memref<1x32x1536xf32, #tpu.memory_space<vmem>> -> memref<32x1536xf32, #tpu.memory_space<vmem>>
                %dma_start3A_269 = arith.constant 0 : i32
                %dma_start3A_270 = arith.constant 1408 : i32
                %dma_start3A_271 = tpu.memref_slice %dma_start3A_268[%dma_start3A_269, %dma_start3A_270] : memref<32x1536xf32, #tpu.memory_space<vmem>> -> memref<32x128xf32, #tpu.memory_space<vmem>>
                %dma_start3A_272 = arith.constant 0 : i32
                %dma_start3A_273 = tpu.memref_slice %arg6[%add3A_81, %dma_start3A_272] : memref<26x32xi32, #tpu.memory_space<vmem>> -> memref<1x32xi32, #tpu.memory_space<vmem>>
                %dma_start3A_274 = tpu.memref_squeeze %dma_start3A_273 : memref<1x32xi32, #tpu.memory_space<vmem>> -> memref<32xi32, #tpu.memory_space<vmem>>
                %dma_start3A_275 = arith.constant 0 : i32
                %dma_start3A_276 = arith.constant 0 : i32
                %dma_start3A_277 = tpu.memref_slice %arg3[%dma_start3A_275, %dma_start3A_276] : memref<832x128xf32, #tpu.memory_space<hbm>> -> memref<832x128xf32, #tpu.memory_space<hbm>>
                %dma_start3A_278 = tpu.memref_slice %arg15[%and3A_232] : memref<2x!tpu.dma_semaphore, #tpu.memory_space<semaphore_mem>> -> memref<1x!tpu.dma_semaphore, #tpu.memory_space<semaphore_mem>>
                %dma_start3A_279 = tpu.memref_squeeze %dma_start3A_278 : memref<1x!tpu.dma_semaphore, #tpu.memory_space<semaphore_mem>> -> memref<!tpu.dma_semaphore, #tpu.memory_space<semaphore_mem>>
                tpu.enqueue_indirect_dma source(%dma_start3A_277 : memref<832x128xf32, #tpu.memory_space<hbm>>) target(%dma_start3A_271 : memref<32x128xf32, #tpu.memory_space<vmem>>) offsets(%dma_start3A_274 : memref<32xi32, #tpu.memory_space<vmem>>) semaphore(%dma_start3A_279 : memref<!tpu.dma_semaphore, #tpu.memory_space<semaphore_mem>>)
              } else {
              }
            } else {
            }
            %and3A = arith.constant 1 : i32
            %and3A_147 = arith.andi %add3A_131, %and3A : i32
            %mul3A_148 = arith.constant 1536 : i32
            %mul3A_149 = arith.muli %add3A_134, %mul3A_148 : i32
            %eq3A_150 = arith.constant 65 : i32
            %eq3A_151 = arith.cmpi eq, %add3A_134, %eq3A_150 : i32
            %jit3A_152 = arith.constant 98560 : i32
            %select_n3A_153 = arith.select %eq3A_151, %jit3A_152, %mul3A_149 : i32
            %scan3A_154 = arith.constant 0 : i32
            %scan3A_155 = arith.constant 0 : i32
            %scan3A_156 = arith.constant 16 : i32
            %scan3A_157 = arith.addi %scan3A_155, %scan3A_156 : i32
            %scan3A_158 = arith.constant 4 : i32
            %scan3A_159 = scf.for %scan3A_227 = %scan3A_155 to %scan3A_157 step %scan3A_158 iter_args(%scan3A_228 = %scan3A_154) -> (i32)  : i32 {
              %mul3A_229 = arith.constant 16 : i32
              %mul3A_230 = arith.muli %scan3A_227, %mul3A_229 : i32
              %get3A_231 = arith.index_cast %mul3A_230 : i32 to index
              %get3A_232 = tpu.vector_load %arg10[%get3A_231] {strides = array<i32>} : memref<4112xi32, #tpu.memory_space<vmem>>, vector<16xi32>,
              %and3A_233 = arith.constant 131071 : i32
              %and3A_234 = vector.broadcast %and3A_233 : i32 to vector<16xi32>
              %and3A_235 = arith.andi %get3A_232, %and3A_234 : vector<16xi32>
              %ge3A_236 = vector.broadcast %mul3A_149 : i32 to vector<16xi32>
              %ge3A_237 = arith.cmpi sge, %and3A_235, %ge3A_236 : vector<16xi32>
              %add3A_238 = arith.constant 1536 : i32
              %add3A_239 = arith.addi %mul3A_149, %add3A_238 : i32
              %lt3A_240 = vector.broadcast %add3A_239 : i32 to vector<16xi32>
              %lt3A_241 = arith.cmpi slt, %and3A_235, %lt3A_240 : vector<16xi32>
              %and3A_242 = arith.andi %ge3A_237, %lt3A_241 : vector<16xi1>
              %all_reduce_population_count3A_243 = tpu.all_reduce %and3A_242 {dim = 0 : i64, kind = #tpu.reduction_kind<sum>} : vector<16xi1> -> vector<16xi32>
              %slice3A_244 = vector.extract_strided_slice %all_reduce_population_count3A_243 {offsets = [0], sizes = [1], strides = [1]} : vector<16xi32> to vector<1xi32>
              %squeeze3A_245 = vector.extract %slice3A_244[0] : i32 from vector<1xi32>
              %gt3A_246 = arith.constant 0 : i32
              %gt3A_247 = arith.cmpi sgt, %squeeze3A_245, %gt3A_246 : i32
              %convert_element_type3A_248 = arith.extui %gt3A_247 : i1 to i32
              %cond3A_249 = arith.constant 0 : i32
              %cond3A_250 = arith.cmpi ne, %convert_element_type3A_248, %cond3A_249 : i32
              scf.if %cond3A_250 {
                %shift_right_arithmetic3A_327 = arith.constant 17 : i32
                %shift_right_arithmetic3A_328 = vector.broadcast %shift_right_arithmetic3A_327 : i32 to vector<16xi32>
                %shift_right_arithmetic3A_329 = arith.shrsi %get3A_232, %shift_right_arithmetic3A_328 : vector<16xi32>
                %shift_left3A = arith.constant 11 : i32
                %shift_left3A_330 = vector.broadcast %shift_left3A : i32 to vector<16xi32>
                %shift_left3A_331 = arith.shli %shift_right_arithmetic3A_329, %shift_left3A_330 : vector<16xi32>
                %sub3A = vector.broadcast %select_n3A_153 : i32 to vector<16xi32>
                %sub3A_332 = arith.subi %and3A_235, %sub3A : vector<16xi32>
                %or3A = arith.ori %shift_left3A_331, %sub3A_332 : vector<16xi32>
                %swap3A_333 = arith.index_cast %scan3A_228 : i32 to index
                %swap3A_334 = tpu.vector_load %arg11[%swap3A_333] masked %and3A_242 {strides = array<i32>} : memref<4112xi32, #tpu.memory_space<vmem>>, vector<16xi32>, vector<16xi1>
                tpu.vector_store %arg11[%swap3A_333], %or3A masked %and3A_242 {strides = array<i32>} : memref<4112xi32, #tpu.memory_space<vmem>>, vector<16xi32>, vector<16xi1>
              } else {
              }
              %add3A_251 = arith.addi %scan3A_228, %squeeze3A_245 : i32
              %scan3A_252 = arith.constant 1 : i32
              %scan3A_253 = arith.addi %scan3A_227, %scan3A_252 : i32
              %mul3A_254 = arith.constant 16 : i32
              %mul3A_255 = arith.muli %scan3A_253, %mul3A_254 : i32
              %get3A_256 = arith.index_cast %mul3A_255 : i32 to index
              %get3A_257 = tpu.vector_load %arg10[%get3A_256] {strides = array<i32>} : memref<4112xi32, #tpu.memory_space<vmem>>, vector<16xi32>,
              %and3A_258 = arith.constant 131071 : i32
              %and3A_259 = vector.broadcast %and3A_258 : i32 to vector<16xi32>
              %and3A_260 = arith.andi %get3A_257, %and3A_259 : vector<16xi32>
              %ge3A_261 = vector.broadcast %mul3A_149 : i32 to vector<16xi32>
              %ge3A_262 = arith.cmpi sge, %and3A_260, %ge3A_261 : vector<16xi32>
              %add3A_263 = arith.constant 1536 : i32
              %add3A_264 = arith.addi %mul3A_149, %add3A_263 : i32
              %lt3A_265 = vector.broadcast %add3A_264 : i32 to vector<16xi32>
              %lt3A_266 = arith.cmpi slt, %and3A_260, %lt3A_265 : vector<16xi32>
              %and3A_267 = arith.andi %ge3A_262, %lt3A_266 : vector<16xi1>
              %all_reduce_population_count3A_268 = tpu.all_reduce %and3A_267 {dim = 0 : i64, kind = #tpu.reduction_kind<sum>} : vector<16xi1> -> vector<16xi32>
              %slice3A_269 = vector.extract_strided_slice %all_reduce_population_count3A_268 {offsets = [0], sizes = [1], strides = [1]} : vector<16xi32> to vector<1xi32>
              %squeeze3A_270 = vector.extract %slice3A_269[0] : i32 from vector<1xi32>
              %gt3A_271 = arith.constant 0 : i32
              %gt3A_272 = arith.cmpi sgt, %squeeze3A_270, %gt3A_271 : i32
              %convert_element_type3A_273 = arith.extui %gt3A_272 : i1 to i32
              %cond3A_274 = arith.constant 0 : i32
              %cond3A_275 = arith.cmpi ne, %convert_element_type3A_273, %cond3A_274 : i32
              scf.if %cond3A_275 {
                %shift_right_arithmetic3A_327 = arith.constant 17 : i32
                %shift_right_arithmetic3A_328 = vector.broadcast %shift_right_arithmetic3A_327 : i32 to vector<16xi32>
                %shift_right_arithmetic3A_329 = arith.shrsi %get3A_257, %shift_right_arithmetic3A_328 : vector<16xi32>
                %shift_left3A = arith.constant 11 : i32
                %shift_left3A_330 = vector.broadcast %shift_left3A : i32 to vector<16xi32>
                %shift_left3A_331 = arith.shli %shift_right_arithmetic3A_329, %shift_left3A_330 : vector<16xi32>
                %sub3A = vector.broadcast %select_n3A_153 : i32 to vector<16xi32>
                %sub3A_332 = arith.subi %and3A_260, %sub3A : vector<16xi32>
                %or3A = arith.ori %shift_left3A_331, %sub3A_332 : vector<16xi32>
                %swap3A_333 = arith.index_cast %add3A_251 : i32 to index
                %swap3A_334 = tpu.vector_load %arg11[%swap3A_333] masked %and3A_267 {strides = array<i32>} : memref<4112xi32, #tpu.memory_space<vmem>>, vector<16xi32>, vector<16xi1>
                tpu.vector_store %arg11[%swap3A_333], %or3A masked %and3A_267 {strides = array<i32>} : memref<4112xi32, #tpu.memory_space<vmem>>, vector<16xi32>, vector<16xi1>
              } else {
              }
              %add3A_276 = arith.addi %add3A_251, %squeeze3A_270 : i32
              %scan3A_277 = arith.constant 2 : i32
              %scan3A_278 = arith.addi %scan3A_227, %scan3A_277 : i32
              %mul3A_279 = arith.constant 16 : i32
              %mul3A_280 = arith.muli %scan3A_278, %mul3A_279 : i32
              %get3A_281 = arith.index_cast %mul3A_280 : i32 to index
              %get3A_282 = tpu.vector_load %arg10[%get3A_281] {strides = array<i32>} : memref<4112xi32, #tpu.memory_space<vmem>>, vector<16xi32>,
              %and3A_283 = arith.constant 131071 : i32
              %and3A_284 = vector.broadcast %and3A_283 : i32 to vector<16xi32>
              %and3A_285 = arith.andi %get3A_282, %and3A_284 : vector<16xi32>
              %ge3A_286 = vector.broadcast %mul3A_149 : i32 to vector<16xi32>
              %ge3A_287 = arith.cmpi sge, %and3A_285, %ge3A_286 : vector<16xi32>
              %add3A_288 = arith.constant 1536 : i32
              %add3A_289 = arith.addi %mul3A_149, %add3A_288 : i32
              %lt3A_290 = vector.broadcast %add3A_289 : i32 to vector<16xi32>
              %lt3A_291 = arith.cmpi slt, %and3A_285, %lt3A_290 : vector<16xi32>
              %and3A_292 = arith.andi %ge3A_287, %lt3A_291 : vector<16xi1>
              %all_reduce_population_count3A_293 = tpu.all_reduce %and3A_292 {dim = 0 : i64, kind = #tpu.reduction_kind<sum>} : vector<16xi1> -> vector<16xi32>
              %slice3A_294 = vector.extract_strided_slice %all_reduce_population_count3A_293 {offsets = [0], sizes = [1], strides = [1]} : vector<16xi32> to vector<1xi32>
              %squeeze3A_295 = vector.extract %slice3A_294[0] : i32 from vector<1xi32>
              %gt3A_296 = arith.constant 0 : i32
              %gt3A_297 = arith.cmpi sgt, %squeeze3A_295, %gt3A_296 : i32
              %convert_element_type3A_298 = arith.extui %gt3A_297 : i1 to i32
              %cond3A_299 = arith.constant 0 : i32
              %cond3A_300 = arith.cmpi ne, %convert_element_type3A_298, %cond3A_299 : i32
              scf.if %cond3A_300 {
                %shift_right_arithmetic3A_327 = arith.constant 17 : i32
                %shift_right_arithmetic3A_328 = vector.broadcast %shift_right_arithmetic3A_327 : i32 to vector<16xi32>
                %shift_right_arithmetic3A_329 = arith.shrsi %get3A_282, %shift_right_arithmetic3A_328 : vector<16xi32>
                %shift_left3A = arith.constant 11 : i32
                %shift_left3A_330 = vector.broadcast %shift_left3A : i32 to vector<16xi32>
                %shift_left3A_331 = arith.shli %shift_right_arithmetic3A_329, %shift_left3A_330 : vector<16xi32>
                %sub3A = vector.broadcast %select_n3A_153 : i32 to vector<16xi32>
                %sub3A_332 = arith.subi %and3A_285, %sub3A : vector<16xi32>
                %or3A = arith.ori %shift_left3A_331, %sub3A_332 : vector<16xi32>
                %swap3A_333 = arith.index_cast %add3A_276 : i32 to index
                %swap3A_334 = tpu.vector_load %arg11[%swap3A_333] masked %and3A_292 {strides = array<i32>} : memref<4112xi32, #tpu.memory_space<vmem>>, vector<16xi32>, vector<16xi1>
                tpu.vector_store %arg11[%swap3A_333], %or3A masked %and3A_292 {strides = array<i32>} : memref<4112xi32, #tpu.memory_space<vmem>>, vector<16xi32>, vector<16xi1>
              } else {
              }
              %add3A_301 = arith.addi %add3A_276, %squeeze3A_295 : i32
              %scan3A_302 = arith.constant 3 : i32
              %scan3A_303 = arith.addi %scan3A_227, %scan3A_302 : i32
              %mul3A_304 = arith.constant 16 : i32
              %mul3A_305 = arith.muli %scan3A_303, %mul3A_304 : i32
              %get3A_306 = arith.index_cast %mul3A_305 : i32 to index
              %get3A_307 = tpu.vector_load %arg10[%get3A_306] {strides = array<i32>} : memref<4112xi32, #tpu.memory_space<vmem>>, vector<16xi32>,
              %and3A_308 = arith.constant 131071 : i32
              %and3A_309 = vector.broadcast %and3A_308 : i32 to vector<16xi32>
              %and3A_310 = arith.andi %get3A_307, %and3A_309 : vector<16xi32>
              %ge3A_311 = vector.broadcast %mul3A_149 : i32 to vector<16xi32>
              %ge3A_312 = arith.cmpi sge, %and3A_310, %ge3A_311 : vector<16xi32>
              %add3A_313 = arith.constant 1536 : i32
              %add3A_314 = arith.addi %mul3A_149, %add3A_313 : i32
              %lt3A_315 = vector.broadcast %add3A_314 : i32 to vector<16xi32>
              %lt3A_316 = arith.cmpi slt, %and3A_310, %lt3A_315 : vector<16xi32>
              %and3A_317 = arith.andi %ge3A_312, %lt3A_316 : vector<16xi1>
              %all_reduce_population_count3A_318 = tpu.all_reduce %and3A_317 {dim = 0 : i64, kind = #tpu.reduction_kind<sum>} : vector<16xi1> -> vector<16xi32>
              %slice3A_319 = vector.extract_strided_slice %all_reduce_population_count3A_318 {offsets = [0], sizes = [1], strides = [1]} : vector<16xi32> to vector<1xi32>
              %squeeze3A_320 = vector.extract %slice3A_319[0] : i32 from vector<1xi32>
              %gt3A_321 = arith.constant 0 : i32
              %gt3A_322 = arith.cmpi sgt, %squeeze3A_320, %gt3A_321 : i32
              %convert_element_type3A_323 = arith.extui %gt3A_322 : i1 to i32
              %cond3A_324 = arith.constant 0 : i32
              %cond3A_325 = arith.cmpi ne, %convert_element_type3A_323, %cond3A_324 : i32
              scf.if %cond3A_325 {
                %shift_right_arithmetic3A_327 = arith.constant 17 : i32
                %shift_right_arithmetic3A_328 = vector.broadcast %shift_right_arithmetic3A_327 : i32 to vector<16xi32>
                %shift_right_arithmetic3A_329 = arith.shrsi %get3A_307, %shift_right_arithmetic3A_328 : vector<16xi32>
                %shift_left3A = arith.constant 11 : i32
                %shift_left3A_330 = vector.broadcast %shift_left3A : i32 to vector<16xi32>
                %shift_left3A_331 = arith.shli %shift_right_arithmetic3A_329, %shift_left3A_330 : vector<16xi32>
                %sub3A = vector.broadcast %select_n3A_153 : i32 to vector<16xi32>
                %sub3A_332 = arith.subi %and3A_310, %sub3A : vector<16xi32>
                %or3A = arith.ori %shift_left3A_331, %sub3A_332 : vector<16xi32>
                %swap3A_333 = arith.index_cast %add3A_301 : i32 to index
                %swap3A_334 = tpu.vector_load %arg11[%swap3A_333] masked %and3A_317 {strides = array<i32>} : memref<4112xi32, #tpu.memory_space<vmem>>, vector<16xi32>, vector<16xi1>
                tpu.vector_store %arg11[%swap3A_333], %or3A masked %and3A_317 {strides = array<i32>} : memref<4112xi32, #tpu.memory_space<vmem>>, vector<16xi32>, vector<16xi1>
              } else {
              }
              %add3A_326 = arith.addi %add3A_301, %squeeze3A_320 : i32
              scf.yield %add3A_326 : i32
            }
            %scan3A_160 = arith.constant 16 : i32
            %scan3A_161 = arith.addi %scan3A_155, %scan3A_160 : i32
            %mul3A_162 = arith.constant 16 : i32
            %mul3A_163 = arith.muli %scan3A_161, %mul3A_162 : i32
            %get3A_164 = arith.index_cast %mul3A_163 : i32 to index
            %get3A_165 = tpu.vector_load %arg10[%get3A_164] {strides = array<i32>} : memref<4112xi32, #tpu.memory_space<vmem>>, vector<16xi32>,
            %and3A_166 = arith.constant 131071 : i32
            %and3A_167 = vector.broadcast %and3A_166 : i32 to vector<16xi32>
            %and3A_168 = arith.andi %get3A_165, %and3A_167 : vector<16xi32>
            %ge3A = vector.broadcast %mul3A_149 : i32 to vector<16xi32>
            %ge3A_169 = arith.cmpi sge, %and3A_168, %ge3A : vector<16xi32>
            %add3A_170 = arith.constant 1536 : i32
            %add3A_171 = arith.addi %mul3A_149, %add3A_170 : i32
            %lt3A_172 = vector.broadcast %add3A_171 : i32 to vector<16xi32>
            %lt3A_173 = arith.cmpi slt, %and3A_168, %lt3A_172 : vector<16xi32>
            %and3A_174 = arith.andi %ge3A_169, %lt3A_173 : vector<16xi1>
            %all_reduce_population_count3A = tpu.all_reduce %and3A_174 {dim = 0 : i64, kind = #tpu.reduction_kind<sum>} : vector<16xi1> -> vector<16xi32>
            %slice3A = vector.extract_strided_slice %all_reduce_population_count3A {offsets = [0], sizes = [1], strides = [1]} : vector<16xi32> to vector<1xi32>
            %squeeze3A = vector.extract %slice3A[0] : i32 from vector<1xi32>
            %gt3A = arith.constant 0 : i32
            %gt3A_175 = arith.cmpi sgt, %squeeze3A, %gt3A : i32
            %convert_element_type3A_176 = arith.extui %gt3A_175 : i1 to i32
            %cond3A_177 = arith.constant 0 : i32
            %cond3A_178 = arith.cmpi ne, %convert_element_type3A_176, %cond3A_177 : i32
            scf.if %cond3A_178 {
              %shift_right_arithmetic3A_227 = arith.constant 17 : i32
              %shift_right_arithmetic3A_228 = vector.broadcast %shift_right_arithmetic3A_227 : i32 to vector<16xi32>
              %shift_right_arithmetic3A_229 = arith.shrsi %get3A_165, %shift_right_arithmetic3A_228 : vector<16xi32>
              %shift_left3A = arith.constant 11 : i32
              %shift_left3A_230 = vector.broadcast %shift_left3A : i32 to vector<16xi32>
              %shift_left3A_231 = arith.shli %shift_right_arithmetic3A_229, %shift_left3A_230 : vector<16xi32>
              %sub3A = vector.broadcast %select_n3A_153 : i32 to vector<16xi32>
              %sub3A_232 = arith.subi %and3A_168, %sub3A : vector<16xi32>
              %or3A = arith.ori %shift_left3A_231, %sub3A_232 : vector<16xi32>
              %swap3A_233 = arith.index_cast %scan3A_159 : i32 to index
              %swap3A_234 = tpu.vector_load %arg11[%swap3A_233] masked %and3A_174 {strides = array<i32>} : memref<4112xi32, #tpu.memory_space<vmem>>, vector<16xi32>, vector<16xi1>
              tpu.vector_store %arg11[%swap3A_233], %or3A masked %and3A_174 {strides = array<i32>} : memref<4112xi32, #tpu.memory_space<vmem>>, vector<16xi32>, vector<16xi1>
            } else {
            }
            %add3A_179 = arith.addi %scan3A_159, %squeeze3A : i32
            %scan3A_180 = arith.constant 17 : i32
            %add3A_181 = arith.constant 15 : i32
            %add3A_182 = arith.addi %scan3A_110, %add3A_181 : i32
            %shift_right_arithmetic3A = arith.constant 4 : i32
            %shift_right_arithmetic3A_183 = arith.shrsi %add3A_182, %shift_right_arithmetic3A : i32
            %while3A = arith.constant 17 : i32
            %while3A_184 = arith.subi %shift_right_arithmetic3A_183, %while3A : i32
            %while3A_185 = arith.addi %while3A, %while3A_184 : i32
            %while3A_186 = arith.constant 1 : i32
            %while3A_187 = arith.divsi %while3A_184, %while3A_186 : i32
            %while3A_188 = arith.muli %while3A_187, %while3A_186 : i32
            %while3A_189 = arith.addi %while3A, %while3A_188 : i32
            %while3A_190 = arith.constant 1 : i32
            %while3A_191 = scf.for %while3A_227 = %while3A to %while3A_189 step %while3A_190 iter_args(%while3A_228 = %add3A_179) -> (i32)  : i32 {
              %mul3A_229 = arith.constant 16 : i32
              %mul3A_230 = arith.muli %while3A_227, %mul3A_229 : i32
              %get3A_231 = arith.index_cast %mul3A_230 : i32 to index
              %get3A_232 = tpu.vector_load %arg10[%get3A_231] {strides = array<i32>} : memref<4112xi32, #tpu.memory_space<vmem>>, vector<16xi32>,
              %and3A_233 = arith.constant 131071 : i32
              %and3A_234 = vector.broadcast %and3A_233 : i32 to vector<16xi32>
              %and3A_235 = arith.andi %get3A_232, %and3A_234 : vector<16xi32>
              %ge3A_236 = vector.broadcast %mul3A_149 : i32 to vector<16xi32>
              %ge3A_237 = arith.cmpi sge, %and3A_235, %ge3A_236 : vector<16xi32>
              %add3A_238 = arith.constant 1536 : i32
              %add3A_239 = arith.addi %mul3A_149, %add3A_238 : i32
              %lt3A_240 = vector.broadcast %add3A_239 : i32 to vector<16xi32>
              %lt3A_241 = arith.cmpi slt, %and3A_235, %lt3A_240 : vector<16xi32>
              %and3A_242 = arith.andi %ge3A_237, %lt3A_241 : vector<16xi1>
              %all_reduce_population_count3A_243 = tpu.all_reduce %and3A_242 {dim = 0 : i64, kind = #tpu.reduction_kind<sum>} : vector<16xi1> -> vector<16xi32>
              %slice3A_244 = vector.extract_strided_slice %all_reduce_population_count3A_243 {offsets = [0], sizes = [1], strides = [1]} : vector<16xi32> to vector<1xi32>
              %squeeze3A_245 = vector.extract %slice3A_244[0] : i32 from vector<1xi32>
              %gt3A_246 = arith.constant 0 : i32
              %gt3A_247 = arith.cmpi sgt, %squeeze3A_245, %gt3A_246 : i32
              %convert_element_type3A_248 = arith.extui %gt3A_247 : i1 to i32
              %cond3A_249 = arith.constant 0 : i32
              %cond3A_250 = arith.cmpi ne, %convert_element_type3A_248, %cond3A_249 : i32
              scf.if %cond3A_250 {
                %shift_right_arithmetic3A_252 = arith.constant 17 : i32
                %shift_right_arithmetic3A_253 = vector.broadcast %shift_right_arithmetic3A_252 : i32 to vector<16xi32>
                %shift_right_arithmetic3A_254 = arith.shrsi %get3A_232, %shift_right_arithmetic3A_253 : vector<16xi32>
                %shift_left3A = arith.constant 11 : i32
                %shift_left3A_255 = vector.broadcast %shift_left3A : i32 to vector<16xi32>
                %shift_left3A_256 = arith.shli %shift_right_arithmetic3A_254, %shift_left3A_255 : vector<16xi32>
                %sub3A = vector.broadcast %select_n3A_153 : i32 to vector<16xi32>
                %sub3A_257 = arith.subi %and3A_235, %sub3A : vector<16xi32>
                %or3A = arith.ori %shift_left3A_256, %sub3A_257 : vector<16xi32>
                %swap3A_258 = arith.index_cast %while3A_228 : i32 to index
                %swap3A_259 = tpu.vector_load %arg11[%swap3A_258] masked %and3A_242 {strides = array<i32>} : memref<4112xi32, #tpu.memory_space<vmem>>, vector<16xi32>, vector<16xi1>
                tpu.vector_store %arg11[%swap3A_258], %or3A masked %and3A_242 {strides = array<i32>} : memref<4112xi32, #tpu.memory_space<vmem>>, vector<16xi32>, vector<16xi1>
              } else {
              }
              %add3A_251 = arith.addi %while3A_228, %squeeze3A_245 : i32
              scf.yield %add3A_251 : i32
            }
            %while3A_192 = arith.constant 1 : i32
            %while3A_193 = scf.for %while3A_227 = %while3A_189 to %while3A_185 step %while3A_192 iter_args(%while3A_228 = %while3A_191) -> (i32)  : i32 {
              %mul3A_229 = arith.constant 16 : i32
              %mul3A_230 = arith.muli %while3A_227, %mul3A_229 : i32
              %get3A_231 = arith.index_cast %mul3A_230 : i32 to index
              %get3A_232 = tpu.vector_load %arg10[%get3A_231] {strides = array<i32>} : memref<4112xi32, #tpu.memory_space<vmem>>, vector<16xi32>,
              %and3A_233 = arith.constant 131071 : i32
              %and3A_234 = vector.broadcast %and3A_233 : i32 to vector<16xi32>
              %and3A_235 = arith.andi %get3A_232, %and3A_234 : vector<16xi32>
              %ge3A_236 = vector.broadcast %mul3A_149 : i32 to vector<16xi32>
              %ge3A_237 = arith.cmpi sge, %and3A_235, %ge3A_236 : vector<16xi32>
              %add3A_238 = arith.constant 1536 : i32
              %add3A_239 = arith.addi %mul3A_149, %add3A_238 : i32
              %lt3A_240 = vector.broadcast %add3A_239 : i32 to vector<16xi32>
              %lt3A_241 = arith.cmpi slt, %and3A_235, %lt3A_240 : vector<16xi32>
              %and3A_242 = arith.andi %ge3A_237, %lt3A_241 : vector<16xi1>
              %all_reduce_population_count3A_243 = tpu.all_reduce %and3A_242 {dim = 0 : i64, kind = #tpu.reduction_kind<sum>} : vector<16xi1> -> vector<16xi32>
              %slice3A_244 = vector.extract_strided_slice %all_reduce_population_count3A_243 {offsets = [0], sizes = [1], strides = [1]} : vector<16xi32> to vector<1xi32>
              %squeeze3A_245 = vector.extract %slice3A_244[0] : i32 from vector<1xi32>
              %gt3A_246 = arith.constant 0 : i32
              %gt3A_247 = arith.cmpi sgt, %squeeze3A_245, %gt3A_246 : i32
              %convert_element_type3A_248 = arith.extui %gt3A_247 : i1 to i32
              %cond3A_249 = arith.constant 0 : i32
              %cond3A_250 = arith.cmpi ne, %convert_element_type3A_248, %cond3A_249 : i32
              scf.if %cond3A_250 {
                %shift_right_arithmetic3A_252 = arith.constant 17 : i32
                %shift_right_arithmetic3A_253 = vector.broadcast %shift_right_arithmetic3A_252 : i32 to vector<16xi32>
                %shift_right_arithmetic3A_254 = arith.shrsi %get3A_232, %shift_right_arithmetic3A_253 : vector<16xi32>
                %shift_left3A = arith.constant 11 : i32
                %shift_left3A_255 = vector.broadcast %shift_left3A : i32 to vector<16xi32>
                %shift_left3A_256 = arith.shli %shift_right_arithmetic3A_254, %shift_left3A_255 : vector<16xi32>
                %sub3A = vector.broadcast %select_n3A_153 : i32 to vector<16xi32>
                %sub3A_257 = arith.subi %and3A_235, %sub3A : vector<16xi32>
                %or3A = arith.ori %shift_left3A_256, %sub3A_257 : vector<16xi32>
                %swap3A_258 = arith.index_cast %while3A_228 : i32 to index
                %swap3A_259 = tpu.vector_load %arg11[%swap3A_258] masked %and3A_242 {strides = array<i32>} : memref<4112xi32, #tpu.memory_space<vmem>>, vector<16xi32>, vector<16xi1>
                tpu.vector_store %arg11[%swap3A_258], %or3A masked %and3A_242 {strides = array<i32>} : memref<4112xi32, #tpu.memory_space<vmem>>, vector<16xi32>, vector<16xi1>
              } else {
              }
              %add3A_251 = arith.addi %while3A_228, %squeeze3A_245 : i32
              scf.yield %add3A_251 : i32
            }
            %broadcast_in_dim3A_194 = arith.constant 8388608 : i32
            %broadcast_in_dim3A_195 = vector.broadcast %broadcast_in_dim3A_194 : i32 to vector<16xi32>
            %swap3A_196 = arith.index_cast %while3A_193 : i32 to index
            %swap3A_197 = tpu.vector_load %arg11[%swap3A_196] {strides = array<i32>} : memref<4112xi32, #tpu.memory_space<vmem>>, vector<16xi32>,
            tpu.vector_store %arg11[%swap3A_196], %broadcast_in_dim3A_195 {strides = array<i32>} : memref<4112xi32, #tpu.memory_space<vmem>>, vector<16xi32>,
            %dma_wait3A_198 = arith.constant 0 : i32
            %dma_wait3A_199 = arith.constant 0 : i32
            %dma_wait3A_200 = arith.constant 0 : i32
            %dma_wait3A_201 = tpu.memref_slice %arg9[%and3A_147, %dma_wait3A_199, %dma_wait3A_200] : memref<2x32x1536xf32, #tpu.memory_space<vmem>> -> memref<1x32x1536xf32, #tpu.memory_space<vmem>>
            %dma_wait3A_202 = tpu.memref_squeeze %dma_wait3A_201 : memref<1x32x1536xf32, #tpu.memory_space<vmem>> -> memref<32x1536xf32, #tpu.memory_space<vmem>>
            %dma_wait3A_203 = arith.constant 0 : i32
            %dma_wait3A_204 = tpu.memref_slice %arg6[%dma_wait3A_198, %dma_wait3A_203] : memref<26x32xi32, #tpu.memory_space<vmem>> -> memref<1x32xi32, #tpu.memory_space<vmem>>
            %dma_wait3A_205 = tpu.memref_squeeze %dma_wait3A_204 : memref<1x32xi32, #tpu.memory_space<vmem>> -> memref<32xi32, #tpu.memory_space<vmem>>
            %dma_wait3A_206 = arith.constant 0 : i32
            %dma_wait3A_207 = arith.constant 0 : i32
            %dma_wait3A_208 = tpu.memref_slice %arg2[%dma_wait3A_206, %dma_wait3A_207] : memref<832x100000xf32, #tpu.memory_space<hbm>> -> memref<832x1536xf32, #tpu.memory_space<hbm>>
            %dma_wait3A_209 = tpu.memref_slice %arg15[%and3A_147] : memref<2x!tpu.dma_semaphore, #tpu.memory_space<semaphore_mem>> -> memref<1x!tpu.dma_semaphore, #tpu.memory_space<semaphore_mem>>
            %dma_wait3A_210 = tpu.memref_squeeze %dma_wait3A_209 : memref<1x!tpu.dma_semaphore, #tpu.memory_space<semaphore_mem>> -> memref<!tpu.dma_semaphore, #tpu.memory_space<semaphore_mem>>
            tpu.wait_indirect_dma semaphore(%dma_wait3A_210 : memref<!tpu.dma_semaphore, #tpu.memory_space<semaphore_mem>>) src(%dma_wait3A_208 : memref<832x1536xf32, #tpu.memory_space<hbm>>) dst(%dma_wait3A_202 : memref<32x1536xf32, #tpu.memory_space<vmem>>)
            %add3A_211 = arith.constant 15 : i32
            %add3A_212 = arith.addi %while3A_193, %add3A_211 : i32
            %shift_right_arithmetic3A_213 = arith.constant 4 : i32
            %shift_right_arithmetic3A_214 = arith.shrsi %add3A_212, %shift_right_arithmetic3A_213 : i32
            %while3A_215 = arith.constant 0 : i32
            %while3A_216 = arith.constant 0 : i32
            %while3A_217 = arith.subi %shift_right_arithmetic3A_214, %while3A_215 : i32
            %while3A_218 = arith.addi %while3A_215, %while3A_217 : i32
            %while3A_219 = arith.constant 1 : i32
            %while3A_220 = arith.divsi %while3A_217, %while3A_219 : i32
            %while3A_221 = arith.muli %while3A_220, %while3A_219 : i32
            %while3A_222 = arith.addi %while3A_215, %while3A_221 : i32
            %while3A_223 = arith.constant 1 : i32
            %while3A_224 = scf.for %while3A_227 = %while3A_215 to %while3A_222 step %while3A_223 iter_args(%while3A_228 = %while3A_216) -> (i32)  : i32 {
              %mul3A_229 = arith.constant 16 : i32
              %mul3A_230 = arith.muli %while3A_227, %mul3A_229 : i32
              %get3A_231 = arith.index_cast %mul3A_230 : i32 to index
              %get3A_232 = tpu.vector_load %arg11[%get3A_231] {strides = array<i32>} : memref<4112xi32, #tpu.memory_space<vmem>>, vector<16xi32>,
              %shift_right_arithmetic3A_233 = arith.constant 11 : i32
              %shift_right_arithmetic3A_234 = vector.broadcast %shift_right_arithmetic3A_233 : i32 to vector<16xi32>
              %shift_right_arithmetic3A_235 = arith.shrsi %get3A_232, %shift_right_arithmetic3A_234 : vector<16xi32>
              %and3A_236 = arith.constant 2047 : i32
              %and3A_237 = vector.broadcast %and3A_236 : i32 to vector<16xi32>
              %and3A_238 = arith.andi %get3A_232, %and3A_237 : vector<16xi32>
              %ge3A_239 = arith.constant 4096 : i32
              %ge3A_240 = vector.broadcast %ge3A_239 : i32 to vector<16xi32>
              %ge3A_241 = arith.cmpi sge, %shift_right_arithmetic3A_235, %ge3A_240 : vector<16xi32>
              %mul3A_242 = arith.constant 26 : i32
              %mul3A_243 = vector.broadcast %mul3A_242 : i32 to vector<16xi32>
              %mul3A_244 = arith.muli %shift_right_arithmetic3A_235, %mul3A_243 : vector<16xi32>
              %add3A_245 = vector.broadcast %select_n3A_6 : i32 to vector<16xi32>
              %add3A_246 = arith.addi %mul3A_244, %add3A_245 : vector<16xi32>
              %add3A_247 = vector.broadcast %add3A_77 : i32 to vector<16xi32>
              %add3A_248 = arith.addi %add3A_246, %add3A_247 : vector<16xi32>
              %broadcast_in_dim3A_249 = vector.broadcast %add3A_9 : i32 to vector<16xi32>
              %select_n3A_250 = arith.select %ge3A_241, %broadcast_in_dim3A_249, %add3A_248 : vector<16xi1>, vector<16xi32>
              %get3A_251 = arith.constant 0 : i32
              %get3A_252 = arith.index_cast %get3A_251 : i32 to index
              %get3A_253 = memref.load %arg14[%get3A_252] : memref<16xi32, #tpu.memory_space<smem>>
              %and3A_254 = arith.constant 3 : i32
              %and3A_255 = arith.andi %get3A_253, %and3A_254 : i32
              %add3A_256 = arith.constant 1 : i32
              %add3A_257 = arith.addi %add3A_256, %and3A_255 : i32
              %get3A_258 = arith.index_cast %add3A_257 : i32 to index
              %get3A_259 = memref.load %arg14[%get3A_258] : memref<16xi32, #tpu.memory_space<smem>>
              %eq3A_260 = arith.constant 1 : i32
              %eq3A_261 = arith.cmpi eq, %get3A_259, %eq3A_260 : i32
              %convert_element_type3A_262 = arith.extui %eq3A_261 : i1 to i32
              %cond3A_263 = arith.constant 0 : i32
              %cond3A_264 = arith.cmpi ne, %convert_element_type3A_262, %cond3A_263 : i32
              scf.if %cond3A_264 {
                %dma_wait3A_709 = arith.constant 0 : i32
                %dma_wait3A_710 = arith.constant 0 : i32
                %dma_wait3A_711 = tpu.memref_slice %arg12[%and3A_255, %dma_wait3A_709, %dma_wait3A_710] : memref<4x16x128xf32, #tpu.memory_space<vmem>> -> memref<1x16x128xf32, #tpu.memory_space<vmem>>
                %dma_wait3A_712 = tpu.memref_squeeze %dma_wait3A_711 : memref<1x16x128xf32, #tpu.memory_space<vmem>> -> memref<16x128xf32, #tpu.memory_space<vmem>>
                %dma_wait3A_713 = arith.constant 0 : i32
                %dma_wait3A_714 = tpu.memref_slice %arg13[%and3A_255, %dma_wait3A_713] : memref<4x16xi32, #tpu.memory_space<vmem>> -> memref<1x16xi32, #tpu.memory_space<vmem>>
                %dma_wait3A_715 = tpu.memref_squeeze %dma_wait3A_714 : memref<1x16xi32, #tpu.memory_space<vmem>> -> memref<16xi32, #tpu.memory_space<vmem>>
                %dma_wait3A_716 = arith.constant 0 : i32
                %dma_wait3A_717 = arith.constant 0 : i32
                %dma_wait3A_718 = tpu.memref_slice %arg5[%dma_wait3A_716, %dma_wait3A_717] : memref<106528x128xf32, #tpu.memory_space<hbm>> -> memref<106528x128xf32, #tpu.memory_space<hbm>>
                %dma_wait3A_719 = tpu.memref_slice %arg16[%and3A_255] : memref<4x!tpu.dma_semaphore, #tpu.memory_space<semaphore_mem>> -> memref<1x!tpu.dma_semaphore, #tpu.memory_space<semaphore_mem>>
                %dma_wait3A_720 = tpu.memref_squeeze %dma_wait3A_719 : memref<1x!tpu.dma_semaphore, #tpu.memory_space<semaphore_mem>> -> memref<!tpu.dma_semaphore, #tpu.memory_space<semaphore_mem>>
                tpu.wait_indirect_dma semaphore(%dma_wait3A_720 : memref<!tpu.dma_semaphore, #tpu.memory_space<semaphore_mem>>) src(%dma_wait3A_712 : memref<16x128xf32, #tpu.memory_space<vmem>>) dst(%dma_wait3A_718 : memref<106528x128xf32, #tpu.memory_space<hbm>>)
              } else {
              }
              %swap3A_265 = arith.index_cast %and3A_255 : i32 to index
              %swap3A_266 = arith.constant 0 : index
              %swap3A_267 = tpu.vector_load %arg13[%swap3A_265, %swap3A_266] {strides = array<i32>} : memref<4x16xi32, #tpu.memory_space<vmem>>, vector<16xi32>,
              tpu.vector_store %arg13[%swap3A_265, %swap3A_266], %select_n3A_250 {strides = array<i32>} : memref<4x16xi32, #tpu.memory_space<vmem>>, vector<16xi32>,
              %slice3A_268 = vector.extract_strided_slice %and3A_238 {offsets = [0], sizes = [1], strides = [1]} : vector<16xi32> to vector<1xi32>
              %squeeze3A_269 = vector.extract %slice3A_268[0] : i32 from vector<1xi32>
              %broadcast_in_dim3A_270 = vector.broadcast %squeeze3A_269 : i32 to vector<16xi32>
              %gather3A = arith.constant 0 : i32
              %gather3A_271 = arith.constant 0 : i32
              %gather3A_272 = tpu.memref_slice %arg9[%and3A_147, %gather3A, %gather3A_271] : memref<2x32x1536xf32, #tpu.memory_space<vmem>> -> memref<1x32x1536xf32, #tpu.memory_space<vmem>>
              %gather3A_273 = tpu.memref_squeeze %gather3A_272 : memref<1x32x1536xf32, #tpu.memory_space<vmem>> -> memref<32x1536xf32, #tpu.memory_space<vmem>>
              %gather3A_274 = tpu.vector_load_idx %gather3A_273[%iota3A, %broadcast_in_dim3A_270] : memref<32x1536xf32, #tpu.memory_space<vmem>>[vector<16xi32>, vector<16xi32>], vector<16xf32>,
              %add3A_275 = arith.constant 16 : i32
              %add3A_276 = vector.broadcast %add3A_275 : i32 to vector<16xi32>
              %add3A_277 = arith.addi %iota3A, %add3A_276 : vector<16xi32>
              %gather3A_278 = arith.constant 0 : i32
              %gather3A_279 = arith.constant 0 : i32
              %gather3A_280 = tpu.memref_slice %arg9[%and3A_147, %gather3A_278, %gather3A_279] : memref<2x32x1536xf32, #tpu.memory_space<vmem>> -> memref<1x32x1536xf32, #tpu.memory_space<vmem>>
              %gather3A_281 = tpu.memref_squeeze %gather3A_280 : memref<1x32x1536xf32, #tpu.memory_space<vmem>> -> memref<32x1536xf32, #tpu.memory_space<vmem>>
              %gather3A_282 = tpu.vector_load_idx %gather3A_281[%add3A_277, %broadcast_in_dim3A_270] : memref<32x1536xf32, #tpu.memory_space<vmem>>[vector<16xi32>, vector<16xi32>], vector<16xf32>,
              %swap3A_283 = arith.constant 0 : i32
              %swap3A_284 = arith.index_cast %and3A_255 : i32 to index
              %swap3A_285 = arith.index_cast %swap3A_283 : i32 to index
              %swap3A_286 = arith.constant 0 : index
              %swap3A_287 = tpu.vector_load %arg12[%swap3A_284, %swap3A_285, %swap3A_286] {strides = array<i32>} : memref<4x16x128xf32, #tpu.memory_space<vmem>>, vector<16xf32>,
              tpu.vector_store %arg12[%swap3A_284, %swap3A_285, %swap3A_286], %gather3A_274 {strides = array<i32>} : memref<4x16x128xf32, #tpu.memory_space<vmem>>, vector<16xf32>,
              %swap3A_288 = arith.constant 0 : i32
              %swap3A_289 = arith.index_cast %and3A_255 : i32 to index
              %swap3A_290 = arith.index_cast %swap3A_288 : i32 to index
              %swap3A_291 = arith.constant 16 : index
              %swap3A_292 = tpu.vector_load %arg12[%swap3A_289, %swap3A_290, %swap3A_291] {strides = array<i32>} : memref<4x16x128xf32, #tpu.memory_space<vmem>>, vector<16xf32>,
              tpu.vector_store %arg12[%swap3A_289, %swap3A_290, %swap3A_291], %gather3A_282 {strides = array<i32>} : memref<4x16x128xf32, #tpu.memory_space<vmem>>, vector<16xf32>,
              %slice3A_293 = vector.extract_strided_slice %and3A_238 {offsets = [1], sizes = [1], strides = [1]} : vector<16xi32> to vector<1xi32>
              %squeeze3A_294 = vector.extract %slice3A_293[0] : i32 from vector<1xi32>
              %broadcast_in_dim3A_295 = vector.broadcast %squeeze3A_294 : i32 to vector<16xi32>
              %gather3A_296 = arith.constant 0 : i32
              %gather3A_297 = arith.constant 0 : i32
              %gather3A_298 = tpu.memref_slice %arg9[%and3A_147, %gather3A_296, %gather3A_297] : memref<2x32x1536xf32, #tpu.memory_space<vmem>> -> memref<1x32x1536xf32, #tpu.memory_space<vmem>>
              %gather3A_299 = tpu.memref_squeeze %gather3A_298 : memref<1x32x1536xf32, #tpu.memory_space<vmem>> -> memref<32x1536xf32, #tpu.memory_space<vmem>>
              %gather3A_300 = tpu.vector_load_idx %gather3A_299[%iota3A, %broadcast_in_dim3A_295] : memref<32x1536xf32, #tpu.memory_space<vmem>>[vector<16xi32>, vector<16xi32>], vector<16xf32>,
              %add3A_301 = arith.constant 16 : i32
              %add3A_302 = vector.broadcast %add3A_301 : i32 to vector<16xi32>
              %add3A_303 = arith.addi %iota3A, %add3A_302 : vector<16xi32>
              %gather3A_304 = arith.constant 0 : i32
              %gather3A_305 = arith.constant 0 : i32
              %gather3A_306 = tpu.memref_slice %arg9[%and3A_147, %gather3A_304, %gather3A_305] : memref<2x32x1536xf32, #tpu.memory_space<vmem>> -> memref<1x32x1536xf32, #tpu.memory_space<vmem>>
              %gather3A_307 = tpu.memref_squeeze %gather3A_306 : memref<1x32x1536xf32, #tpu.memory_space<vmem>> -> memref<32x1536xf32, #tpu.memory_space<vmem>>
              %gather3A_308 = tpu.vector_load_idx %gather3A_307[%add3A_303, %broadcast_in_dim3A_295] : memref<32x1536xf32, #tpu.memory_space<vmem>>[vector<16xi32>, vector<16xi32>], vector<16xf32>,
              %swap3A_309 = arith.constant 1 : i32
              %swap3A_310 = arith.index_cast %and3A_255 : i32 to index
              %swap3A_311 = arith.index_cast %swap3A_309 : i32 to index
              %swap3A_312 = arith.constant 0 : index
              %swap3A_313 = tpu.vector_load %arg12[%swap3A_310, %swap3A_311, %swap3A_312] {strides = array<i32>} : memref<4x16x128xf32, #tpu.memory_space<vmem>>, vector<16xf32>,
              tpu.vector_store %arg12[%swap3A_310, %swap3A_311, %swap3A_312], %gather3A_300 {strides = array<i32>} : memref<4x16x128xf32, #tpu.memory_space<vmem>>, vector<16xf32>,
              %swap3A_314 = arith.constant 1 : i32
              %swap3A_315 = arith.index_cast %and3A_255 : i32 to index
              %swap3A_316 = arith.index_cast %swap3A_314 : i32 to index
              %swap3A_317 = arith.constant 16 : index
              %swap3A_318 = tpu.vector_load %arg12[%swap3A_315, %swap3A_316, %swap3A_317] {strides = array<i32>} : memref<4x16x128xf32, #tpu.memory_space<vmem>>, vector<16xf32>,
              tpu.vector_store %arg12[%swap3A_315, %swap3A_316, %swap3A_317], %gather3A_308 {strides = array<i32>} : memref<4x16x128xf32, #tpu.memory_space<vmem>>, vector<16xf32>,
              %slice3A_319 = vector.extract_strided_slice %and3A_238 {offsets = [2], sizes = [1], strides = [1]} : vector<16xi32> to vector<1xi32>
              %squeeze3A_320 = vector.extract %slice3A_319[0] : i32 from vector<1xi32>
              %broadcast_in_dim3A_321 = vector.broadcast %squeeze3A_320 : i32 to vector<16xi32>
              %gather3A_322 = arith.constant 0 : i32
              %gather3A_323 = arith.constant 0 : i32
              %gather3A_324 = tpu.memref_slice %arg9[%and3A_147, %gather3A_322, %gather3A_323] : memref<2x32x1536xf32, #tpu.memory_space<vmem>> -> memref<1x32x1536xf32, #tpu.memory_space<vmem>>
              %gather3A_325 = tpu.memref_squeeze %gather3A_324 : memref<1x32x1536xf32, #tpu.memory_space<vmem>> -> memref<32x1536xf32, #tpu.memory_space<vmem>>
              %gather3A_326 = tpu.vector_load_idx %gather3A_325[%iota3A, %broadcast_in_dim3A_321] : memref<32x1536xf32, #tpu.memory_space<vmem>>[vector<16xi32>, vector<16xi32>], vector<16xf32>,
              %add3A_327 = arith.constant 16 : i32
              %add3A_328 = vector.broadcast %add3A_327 : i32 to vector<16xi32>
              %add3A_329 = arith.addi %iota3A, %add3A_328 : vector<16xi32>
              %gather3A_330 = arith.constant 0 : i32
              %gather3A_331 = arith.constant 0 : i32
              %gather3A_332 = tpu.memref_slice %arg9[%and3A_147, %gather3A_330, %gather3A_331] : memref<2x32x1536xf32, #tpu.memory_space<vmem>> -> memref<1x32x1536xf32, #tpu.memory_space<vmem>>
              %gather3A_333 = tpu.memref_squeeze %gather3A_332 : memref<1x32x1536xf32, #tpu.memory_space<vmem>> -> memref<32x1536xf32, #tpu.memory_space<vmem>>
              %gather3A_334 = tpu.vector_load_idx %gather3A_333[%add3A_329, %broadcast_in_dim3A_321] : memref<32x1536xf32, #tpu.memory_space<vmem>>[vector<16xi32>, vector<16xi32>], vector<16xf32>,
              %swap3A_335 = arith.constant 2 : i32
              %swap3A_336 = arith.index_cast %and3A_255 : i32 to index
              %swap3A_337 = arith.index_cast %swap3A_335 : i32 to index
              %swap3A_338 = arith.constant 0 : index
              %swap3A_339 = tpu.vector_load %arg12[%swap3A_336, %swap3A_337, %swap3A_338] {strides = array<i32>} : memref<4x16x128xf32, #tpu.memory_space<vmem>>, vector<16xf32>,
              tpu.vector_store %arg12[%swap3A_336, %swap3A_337, %swap3A_338], %gather3A_326 {strides = array<i32>} : memref<4x16x128xf32, #tpu.memory_space<vmem>>, vector<16xf32>,
              %swap3A_340 = arith.constant 2 : i32
              %swap3A_341 = arith.index_cast %and3A_255 : i32 to index
              %swap3A_342 = arith.index_cast %swap3A_340 : i32 to index
              %swap3A_343 = arith.constant 16 : index
              %swap3A_344 = tpu.vector_load %arg12[%swap3A_341, %swap3A_342, %swap3A_343] {strides = array<i32>} : memref<4x16x128xf32, #tpu.memory_space<vmem>>, vector<16xf32>,
              tpu.vector_store %arg12[%swap3A_341, %swap3A_342, %swap3A_343], %gather3A_334 {strides = array<i32>} : memref<4x16x128xf32, #tpu.memory_space<vmem>>, vector<16xf32>,
              %slice3A_345 = vector.extract_strided_slice %and3A_238 {offsets = [3], sizes = [1], strides = [1]} : vector<16xi32> to vector<1xi32>
              %squeeze3A_346 = vector.extract %slice3A_345[0] : i32 from vector<1xi32>
              %broadcast_in_dim3A_347 = vector.broadcast %squeeze3A_346 : i32 to vector<16xi32>
              %gather3A_348 = arith.constant 0 : i32
              %gather3A_349 = arith.constant 0 : i32
              %gather3A_350 = tpu.memref_slice %arg9[%and3A_147, %gather3A_348, %gather3A_349] : memref<2x32x1536xf32, #tpu.memory_space<vmem>> -> memref<1x32x1536xf32, #tpu.memory_space<vmem>>
              %gather3A_351 = tpu.memref_squeeze %gather3A_350 : memref<1x32x1536xf32, #tpu.memory_space<vmem>> -> memref<32x1536xf32, #tpu.memory_space<vmem>>
              %gather3A_352 = tpu.vector_load_idx %gather3A_351[%iota3A, %broadcast_in_dim3A_347] : memref<32x1536xf32, #tpu.memory_space<vmem>>[vector<16xi32>, vector<16xi32>], vector<16xf32>,
              %add3A_353 = arith.constant 16 : i32
              %add3A_354 = vector.broadcast %add3A_353 : i32 to vector<16xi32>
              %add3A_355 = arith.addi %iota3A, %add3A_354 : vector<16xi32>
              %gather3A_356 = arith.constant 0 : i32
              %gather3A_357 = arith.constant 0 : i32
              %gather3A_358 = tpu.memref_slice %arg9[%and3A_147, %gather3A_356, %gather3A_357] : memref<2x32x1536xf32, #tpu.memory_space<vmem>> -> memref<1x32x1536xf32, #tpu.memory_space<vmem>>
              %gather3A_359 = tpu.memref_squeeze %gather3A_358 : memref<1x32x1536xf32, #tpu.memory_space<vmem>> -> memref<32x1536xf32, #tpu.memory_space<vmem>>
              %gather3A_360 = tpu.vector_load_idx %gather3A_359[%add3A_355, %broadcast_in_dim3A_347] : memref<32x1536xf32, #tpu.memory_space<vmem>>[vector<16xi32>, vector<16xi32>], vector<16xf32>,
              %swap3A_361 = arith.constant 3 : i32
              %swap3A_362 = arith.index_cast %and3A_255 : i32 to index
              %swap3A_363 = arith.index_cast %swap3A_361 : i32 to index
              %swap3A_364 = arith.constant 0 : index
              %swap3A_365 = tpu.vector_load %arg12[%swap3A_362, %swap3A_363, %swap3A_364] {strides = array<i32>} : memref<4x16x128xf32, #tpu.memory_space<vmem>>, vector<16xf32>,
              tpu.vector_store %arg12[%swap3A_362, %swap3A_363, %swap3A_364], %gather3A_352 {strides = array<i32>} : memref<4x16x128xf32, #tpu.memory_space<vmem>>, vector<16xf32>,
              %swap3A_366 = arith.constant 3 : i32
              %swap3A_367 = arith.index_cast %and3A_255 : i32 to index
              %swap3A_368 = arith.index_cast %swap3A_366 : i32 to index
              %swap3A_369 = arith.constant 16 : index
              %swap3A_370 = tpu.vector_load %arg12[%swap3A_367, %swap3A_368, %swap3A_369] {strides = array<i32>} : memref<4x16x128xf32, #tpu.memory_space<vmem>>, vector<16xf32>,
              tpu.vector_store %arg12[%swap3A_367, %swap3A_368, %swap3A_369], %gather3A_360 {strides = array<i32>} : memref<4x16x128xf32, #tpu.memory_space<vmem>>, vector<16xf32>,
              %slice3A_371 = vector.extract_strided_slice %and3A_238 {offsets = [4], sizes = [1], strides = [1]} : vector<16xi32> to vector<1xi32>
              %squeeze3A_372 = vector.extract %slice3A_371[0] : i32 from vector<1xi32>
              %broadcast_in_dim3A_373 = vector.broadcast %squeeze3A_372 : i32 to vector<16xi32>
              %gather3A_374 = arith.constant 0 : i32
              %gather3A_375 = arith.constant 0 : i32
              %gather3A_376 = tpu.memref_slice %arg9[%and3A_147, %gather3A_374, %gather3A_375] : memref<2x32x1536xf32, #tpu.memory_space<vmem>> -> memref<1x32x1536xf32, #tpu.memory_space<vmem>>
              %gather3A_377 = tpu.memref_squeeze %gather3A_376 : memref<1x32x1536xf32, #tpu.memory_space<vmem>> -> memref<32x1536xf32, #tpu.memory_space<vmem>>
              %gather3A_378 = tpu.vector_load_idx %gather3A_377[%iota3A, %broadcast_in_dim3A_373] : memref<32x1536xf32, #tpu.memory_space<vmem>>[vector<16xi32>, vector<16xi32>], vector<16xf32>,
              %add3A_379 = arith.constant 16 : i32
              %add3A_380 = vector.broadcast %add3A_379 : i32 to vector<16xi32>
              %add3A_381 = arith.addi %iota3A, %add3A_380 : vector<16xi32>
              %gather3A_382 = arith.constant 0 : i32
              %gather3A_383 = arith.constant 0 : i32
              %gather3A_384 = tpu.memref_slice %arg9[%and3A_147, %gather3A_382, %gather3A_383] : memref<2x32x1536xf32, #tpu.memory_space<vmem>> -> memref<1x32x1536xf32, #tpu.memory_space<vmem>>
              %gather3A_385 = tpu.memref_squeeze %gather3A_384 : memref<1x32x1536xf32, #tpu.memory_space<vmem>> -> memref<32x1536xf32, #tpu.memory_space<vmem>>
              %gather3A_386 = tpu.vector_load_idx %gather3A_385[%add3A_381, %broadcast_in_dim3A_373] : memref<32x1536xf32, #tpu.memory_space<vmem>>[vector<16xi32>, vector<16xi32>], vector<16xf32>,
              %swap3A_387 = arith.constant 4 : i32
              %swap3A_388 = arith.index_cast %and3A_255 : i32 to index
              %swap3A_389 = arith.index_cast %swap3A_387 : i32 to index
              %swap3A_390 = arith.constant 0 : index
              %swap3A_391 = tpu.vector_load %arg12[%swap3A_388, %swap3A_389, %swap3A_390] {strides = array<i32>} : memref<4x16x128xf32, #tpu.memory_space<vmem>>, vector<16xf32>,
              tpu.vector_store %arg12[%swap3A_388, %swap3A_389, %swap3A_390], %gather3A_378 {strides = array<i32>} : memref<4x16x128xf32, #tpu.memory_space<vmem>>, vector<16xf32>,
              %swap3A_392 = arith.constant 4 : i32
              %swap3A_393 = arith.index_cast %and3A_255 : i32 to index
              %swap3A_394 = arith.index_cast %swap3A_392 : i32 to index
              %swap3A_395 = arith.constant 16 : index
              %swap3A_396 = tpu.vector_load %arg12[%swap3A_393, %swap3A_394, %swap3A_395] {strides = array<i32>} : memref<4x16x128xf32, #tpu.memory_space<vmem>>, vector<16xf32>,
              tpu.vector_store %arg12[%swap3A_393, %swap3A_394, %swap3A_395], %gather3A_386 {strides = array<i32>} : memref<4x16x128xf32, #tpu.memory_space<vmem>>, vector<16xf32>,
              %slice3A_397 = vector.extract_strided_slice %and3A_238 {offsets = [5], sizes = [1], strides = [1]} : vector<16xi32> to vector<1xi32>
              %squeeze3A_398 = vector.extract %slice3A_397[0] : i32 from vector<1xi32>
              %broadcast_in_dim3A_399 = vector.broadcast %squeeze3A_398 : i32 to vector<16xi32>
              %gather3A_400 = arith.constant 0 : i32
              %gather3A_401 = arith.constant 0 : i32
              %gather3A_402 = tpu.memref_slice %arg9[%and3A_147, %gather3A_400, %gather3A_401] : memref<2x32x1536xf32, #tpu.memory_space<vmem>> -> memref<1x32x1536xf32, #tpu.memory_space<vmem>>
              %gather3A_403 = tpu.memref_squeeze %gather3A_402 : memref<1x32x1536xf32, #tpu.memory_space<vmem>> -> memref<32x1536xf32, #tpu.memory_space<vmem>>
              %gather3A_404 = tpu.vector_load_idx %gather3A_403[%iota3A, %broadcast_in_dim3A_399] : memref<32x1536xf32, #tpu.memory_space<vmem>>[vector<16xi32>, vector<16xi32>], vector<16xf32>,
              %add3A_405 = arith.constant 16 : i32
              %add3A_406 = vector.broadcast %add3A_405 : i32 to vector<16xi32>
              %add3A_407 = arith.addi %iota3A, %add3A_406 : vector<16xi32>
              %gather3A_408 = arith.constant 0 : i32
              %gather3A_409 = arith.constant 0 : i32
              %gather3A_410 = tpu.memref_slice %arg9[%and3A_147, %gather3A_408, %gather3A_409] : memref<2x32x1536xf32, #tpu.memory_space<vmem>> -> memref<1x32x1536xf32, #tpu.memory_space<vmem>>
              %gather3A_411 = tpu.memref_squeeze %gather3A_410 : memref<1x32x1536xf32, #tpu.memory_space<vmem>> -> memref<32x1536xf32, #tpu.memory_space<vmem>>
              %gather3A_412 = tpu.vector_load_idx %gather3A_411[%add3A_407, %broadcast_in_dim3A_399] : memref<32x1536xf32, #tpu.memory_space<vmem>>[vector<16xi32>, vector<16xi32>], vector<16xf32>,
              %swap3A_413 = arith.constant 5 : i32
              %swap3A_414 = arith.index_cast %and3A_255 : i32 to index
              %swap3A_415 = arith.index_cast %swap3A_413 : i32 to index
              %swap3A_416 = arith.constant 0 : index
              %swap3A_417 = tpu.vector_load %arg12[%swap3A_414, %swap3A_415, %swap3A_416] {strides = array<i32>} : memref<4x16x128xf32, #tpu.memory_space<vmem>>, vector<16xf32>,
              tpu.vector_store %arg12[%swap3A_414, %swap3A_415, %swap3A_416], %gather3A_404 {strides = array<i32>} : memref<4x16x128xf32, #tpu.memory_space<vmem>>, vector<16xf32>,
              %swap3A_418 = arith.constant 5 : i32
              %swap3A_419 = arith.index_cast %and3A_255 : i32 to index
              %swap3A_420 = arith.index_cast %swap3A_418 : i32 to index
              %swap3A_421 = arith.constant 16 : index
              %swap3A_422 = tpu.vector_load %arg12[%swap3A_419, %swap3A_420, %swap3A_421] {strides = array<i32>} : memref<4x16x128xf32, #tpu.memory_space<vmem>>, vector<16xf32>,
              tpu.vector_store %arg12[%swap3A_419, %swap3A_420, %swap3A_421], %gather3A_412 {strides = array<i32>} : memref<4x16x128xf32, #tpu.memory_space<vmem>>, vector<16xf32>,
              %slice3A_423 = vector.extract_strided_slice %and3A_238 {offsets = [6], sizes = [1], strides = [1]} : vector<16xi32> to vector<1xi32>
              %squeeze3A_424 = vector.extract %slice3A_423[0] : i32 from vector<1xi32>
              %broadcast_in_dim3A_425 = vector.broadcast %squeeze3A_424 : i32 to vector<16xi32>
              %gather3A_426 = arith.constant 0 : i32
              %gather3A_427 = arith.constant 0 : i32
              %gather3A_428 = tpu.memref_slice %arg9[%and3A_147, %gather3A_426, %gather3A_427] : memref<2x32x1536xf32, #tpu.memory_space<vmem>> -> memref<1x32x1536xf32, #tpu.memory_space<vmem>>
              %gather3A_429 = tpu.memref_squeeze %gather3A_428 : memref<1x32x1536xf32, #tpu.memory_space<vmem>> -> memref<32x1536xf32, #tpu.memory_space<vmem>>
              %gather3A_430 = tpu.vector_load_idx %gather3A_429[%iota3A, %broadcast_in_dim3A_425] : memref<32x1536xf32, #tpu.memory_space<vmem>>[vector<16xi32>, vector<16xi32>], vector<16xf32>,
              %add3A_431 = arith.constant 16 : i32
              %add3A_432 = vector.broadcast %add3A_431 : i32 to vector<16xi32>
              %add3A_433 = arith.addi %iota3A, %add3A_432 : vector<16xi32>
              %gather3A_434 = arith.constant 0 : i32
              %gather3A_435 = arith.constant 0 : i32
              %gather3A_436 = tpu.memref_slice %arg9[%and3A_147, %gather3A_434, %gather3A_435] : memref<2x32x1536xf32, #tpu.memory_space<vmem>> -> memref<1x32x1536xf32, #tpu.memory_space<vmem>>
              %gather3A_437 = tpu.memref_squeeze %gather3A_436 : memref<1x32x1536xf32, #tpu.memory_space<vmem>> -> memref<32x1536xf32, #tpu.memory_space<vmem>>
              %gather3A_438 = tpu.vector_load_idx %gather3A_437[%add3A_433, %broadcast_in_dim3A_425] : memref<32x1536xf32, #tpu.memory_space<vmem>>[vector<16xi32>, vector<16xi32>], vector<16xf32>,
              %swap3A_439 = arith.constant 6 : i32
              %swap3A_440 = arith.index_cast %and3A_255 : i32 to index
              %swap3A_441 = arith.index_cast %swap3A_439 : i32 to index
              %swap3A_442 = arith.constant 0 : index
              %swap3A_443 = tpu.vector_load %arg12[%swap3A_440, %swap3A_441, %swap3A_442] {strides = array<i32>} : memref<4x16x128xf32, #tpu.memory_space<vmem>>, vector<16xf32>,
              tpu.vector_store %arg12[%swap3A_440, %swap3A_441, %swap3A_442], %gather3A_430 {strides = array<i32>} : memref<4x16x128xf32, #tpu.memory_space<vmem>>, vector<16xf32>,
              %swap3A_444 = arith.constant 6 : i32
              %swap3A_445 = arith.index_cast %and3A_255 : i32 to index
              %swap3A_446 = arith.index_cast %swap3A_444 : i32 to index
              %swap3A_447 = arith.constant 16 : index
              %swap3A_448 = tpu.vector_load %arg12[%swap3A_445, %swap3A_446, %swap3A_447] {strides = array<i32>} : memref<4x16x128xf32, #tpu.memory_space<vmem>>, vector<16xf32>,
              tpu.vector_store %arg12[%swap3A_445, %swap3A_446, %swap3A_447], %gather3A_438 {strides = array<i32>} : memref<4x16x128xf32, #tpu.memory_space<vmem>>, vector<16xf32>,
              %slice3A_449 = vector.extract_strided_slice %and3A_238 {offsets = [7], sizes = [1], strides = [1]} : vector<16xi32> to vector<1xi32>
              %squeeze3A_450 = vector.extract %slice3A_449[0] : i32 from vector<1xi32>
              %broadcast_in_dim3A_451 = vector.broadcast %squeeze3A_450 : i32 to vector<16xi32>
              %gather3A_452 = arith.constant 0 : i32
              %gather3A_453 = arith.constant 0 : i32
              %gather3A_454 = tpu.memref_slice %arg9[%and3A_147, %gather3A_452, %gather3A_453] : memref<2x32x1536xf32, #tpu.memory_space<vmem>> -> memref<1x32x1536xf32, #tpu.memory_space<vmem>>
              %gather3A_455 = tpu.memref_squeeze %gather3A_454 : memref<1x32x1536xf32, #tpu.memory_space<vmem>> -> memref<32x1536xf32, #tpu.memory_space<vmem>>
              %gather3A_456 = tpu.vector_load_idx %gather3A_455[%iota3A, %broadcast_in_dim3A_451] : memref<32x1536xf32, #tpu.memory_space<vmem>>[vector<16xi32>, vector<16xi32>], vector<16xf32>,
              %add3A_457 = arith.constant 16 : i32
              %add3A_458 = vector.broadcast %add3A_457 : i32 to vector<16xi32>
              %add3A_459 = arith.addi %iota3A, %add3A_458 : vector<16xi32>
              %gather3A_460 = arith.constant 0 : i32
              %gather3A_461 = arith.constant 0 : i32
              %gather3A_462 = tpu.memref_slice %arg9[%and3A_147, %gather3A_460, %gather3A_461] : memref<2x32x1536xf32, #tpu.memory_space<vmem>> -> memref<1x32x1536xf32, #tpu.memory_space<vmem>>
              %gather3A_463 = tpu.memref_squeeze %gather3A_462 : memref<1x32x1536xf32, #tpu.memory_space<vmem>> -> memref<32x1536xf32, #tpu.memory_space<vmem>>
              %gather3A_464 = tpu.vector_load_idx %gather3A_463[%add3A_459, %broadcast_in_dim3A_451] : memref<32x1536xf32, #tpu.memory_space<vmem>>[vector<16xi32>, vector<16xi32>], vector<16xf32>,
              %swap3A_465 = arith.constant 7 : i32
              %swap3A_466 = arith.index_cast %and3A_255 : i32 to index
              %swap3A_467 = arith.index_cast %swap3A_465 : i32 to index
              %swap3A_468 = arith.constant 0 : index
              %swap3A_469 = tpu.vector_load %arg12[%swap3A_466, %swap3A_467, %swap3A_468] {strides = array<i32>} : memref<4x16x128xf32, #tpu.memory_space<vmem>>, vector<16xf32>,
              tpu.vector_store %arg12[%swap3A_466, %swap3A_467, %swap3A_468], %gather3A_456 {strides = array<i32>} : memref<4x16x128xf32, #tpu.memory_space<vmem>>, vector<16xf32>,
              %swap3A_470 = arith.constant 7 : i32
              %swap3A_471 = arith.index_cast %and3A_255 : i32 to index
              %swap3A_472 = arith.index_cast %swap3A_470 : i32 to index
              %swap3A_473 = arith.constant 16 : index
              %swap3A_474 = tpu.vector_load %arg12[%swap3A_471, %swap3A_472, %swap3A_473] {strides = array<i32>} : memref<4x16x128xf32, #tpu.memory_space<vmem>>, vector<16xf32>,
              tpu.vector_store %arg12[%swap3A_471, %swap3A_472, %swap3A_473], %gather3A_464 {strides = array<i32>} : memref<4x16x128xf32, #tpu.memory_space<vmem>>, vector<16xf32>,
              %slice3A_475 = vector.extract_strided_slice %and3A_238 {offsets = [8], sizes = [1], strides = [1]} : vector<16xi32> to vector<1xi32>
              %squeeze3A_476 = vector.extract %slice3A_475[0] : i32 from vector<1xi32>
              %broadcast_in_dim3A_477 = vector.broadcast %squeeze3A_476 : i32 to vector<16xi32>
              %gather3A_478 = arith.constant 0 : i32
              %gather3A_479 = arith.constant 0 : i32
              %gather3A_480 = tpu.memref_slice %arg9[%and3A_147, %gather3A_478, %gather3A_479] : memref<2x32x1536xf32, #tpu.memory_space<vmem>> -> memref<1x32x1536xf32, #tpu.memory_space<vmem>>
              %gather3A_481 = tpu.memref_squeeze %gather3A_480 : memref<1x32x1536xf32, #tpu.memory_space<vmem>> -> memref<32x1536xf32, #tpu.memory_space<vmem>>
              %gather3A_482 = tpu.vector_load_idx %gather3A_481[%iota3A, %broadcast_in_dim3A_477] : memref<32x1536xf32, #tpu.memory_space<vmem>>[vector<16xi32>, vector<16xi32>], vector<16xf32>,
              %add3A_483 = arith.constant 16 : i32
              %add3A_484 = vector.broadcast %add3A_483 : i32 to vector<16xi32>
              %add3A_485 = arith.addi %iota3A, %add3A_484 : vector<16xi32>
              %gather3A_486 = arith.constant 0 : i32
              %gather3A_487 = arith.constant 0 : i32
              %gather3A_488 = tpu.memref_slice %arg9[%and3A_147, %gather3A_486, %gather3A_487] : memref<2x32x1536xf32, #tpu.memory_space<vmem>> -> memref<1x32x1536xf32, #tpu.memory_space<vmem>>
              %gather3A_489 = tpu.memref_squeeze %gather3A_488 : memref<1x32x1536xf32, #tpu.memory_space<vmem>> -> memref<32x1536xf32, #tpu.memory_space<vmem>>
              %gather3A_490 = tpu.vector_load_idx %gather3A_489[%add3A_485, %broadcast_in_dim3A_477] : memref<32x1536xf32, #tpu.memory_space<vmem>>[vector<16xi32>, vector<16xi32>], vector<16xf32>,
              %swap3A_491 = arith.constant 8 : i32
              %swap3A_492 = arith.index_cast %and3A_255 : i32 to index
              %swap3A_493 = arith.index_cast %swap3A_491 : i32 to index
              %swap3A_494 = arith.constant 0 : index
              %swap3A_495 = tpu.vector_load %arg12[%swap3A_492, %swap3A_493, %swap3A_494] {strides = array<i32>} : memref<4x16x128xf32, #tpu.memory_space<vmem>>, vector<16xf32>,
              tpu.vector_store %arg12[%swap3A_492, %swap3A_493, %swap3A_494], %gather3A_482 {strides = array<i32>} : memref<4x16x128xf32, #tpu.memory_space<vmem>>, vector<16xf32>,
              %swap3A_496 = arith.constant 8 : i32
              %swap3A_497 = arith.index_cast %and3A_255 : i32 to index
              %swap3A_498 = arith.index_cast %swap3A_496 : i32 to index
              %swap3A_499 = arith.constant 16 : index
              %swap3A_500 = tpu.vector_load %arg12[%swap3A_497, %swap3A_498, %swap3A_499] {strides = array<i32>} : memref<4x16x128xf32, #tpu.memory_space<vmem>>, vector<16xf32>,
              tpu.vector_store %arg12[%swap3A_497, %swap3A_498, %swap3A_499], %gather3A_490 {strides = array<i32>} : memref<4x16x128xf32, #tpu.memory_space<vmem>>, vector<16xf32>,
              %slice3A_501 = vector.extract_strided_slice %and3A_238 {offsets = [9], sizes = [1], strides = [1]} : vector<16xi32> to vector<1xi32>
              %squeeze3A_502 = vector.extract %slice3A_501[0] : i32 from vector<1xi32>
              %broadcast_in_dim3A_503 = vector.broadcast %squeeze3A_502 : i32 to vector<16xi32>
              %gather3A_504 = arith.constant 0 : i32
              %gather3A_505 = arith.constant 0 : i32
              %gather3A_506 = tpu.memref_slice %arg9[%and3A_147, %gather3A_504, %gather3A_505] : memref<2x32x1536xf32, #tpu.memory_space<vmem>> -> memref<1x32x1536xf32, #tpu.memory_space<vmem>>
              %gather3A_507 = tpu.memref_squeeze %gather3A_506 : memref<1x32x1536xf32, #tpu.memory_space<vmem>> -> memref<32x1536xf32, #tpu.memory_space<vmem>>
              %gather3A_508 = tpu.vector_load_idx %gather3A_507[%iota3A, %broadcast_in_dim3A_503] : memref<32x1536xf32, #tpu.memory_space<vmem>>[vector<16xi32>, vector<16xi32>], vector<16xf32>,
              %add3A_509 = arith.constant 16 : i32
              %add3A_510 = vector.broadcast %add3A_509 : i32 to vector<16xi32>
              %add3A_511 = arith.addi %iota3A, %add3A_510 : vector<16xi32>
              %gather3A_512 = arith.constant 0 : i32
              %gather3A_513 = arith.constant 0 : i32
              %gather3A_514 = tpu.memref_slice %arg9[%and3A_147, %gather3A_512, %gather3A_513] : memref<2x32x1536xf32, #tpu.memory_space<vmem>> -> memref<1x32x1536xf32, #tpu.memory_space<vmem>>
              %gather3A_515 = tpu.memref_squeeze %gather3A_514 : memref<1x32x1536xf32, #tpu.memory_space<vmem>> -> memref<32x1536xf32, #tpu.memory_space<vmem>>
              %gather3A_516 = tpu.vector_load_idx %gather3A_515[%add3A_511, %broadcast_in_dim3A_503] : memref<32x1536xf32, #tpu.memory_space<vmem>>[vector<16xi32>, vector<16xi32>], vector<16xf32>,
              %swap3A_517 = arith.constant 9 : i32
              %swap3A_518 = arith.index_cast %and3A_255 : i32 to index
              %swap3A_519 = arith.index_cast %swap3A_517 : i32 to index
              %swap3A_520 = arith.constant 0 : index
              %swap3A_521 = tpu.vector_load %arg12[%swap3A_518, %swap3A_519, %swap3A_520] {strides = array<i32>} : memref<4x16x128xf32, #tpu.memory_space<vmem>>, vector<16xf32>,
              tpu.vector_store %arg12[%swap3A_518, %swap3A_519, %swap3A_520], %gather3A_508 {strides = array<i32>} : memref<4x16x128xf32, #tpu.memory_space<vmem>>, vector<16xf32>,
              %swap3A_522 = arith.constant 9 : i32
              %swap3A_523 = arith.index_cast %and3A_255 : i32 to index
              %swap3A_524 = arith.index_cast %swap3A_522 : i32 to index
              %swap3A_525 = arith.constant 16 : index
              %swap3A_526 = tpu.vector_load %arg12[%swap3A_523, %swap3A_524, %swap3A_525] {strides = array<i32>} : memref<4x16x128xf32, #tpu.memory_space<vmem>>, vector<16xf32>,
              tpu.vector_store %arg12[%swap3A_523, %swap3A_524, %swap3A_525], %gather3A_516 {strides = array<i32>} : memref<4x16x128xf32, #tpu.memory_space<vmem>>, vector<16xf32>,
              %slice3A_527 = vector.extract_strided_slice %and3A_238 {offsets = [10], sizes = [1], strides = [1]} : vector<16xi32> to vector<1xi32>
              %squeeze3A_528 = vector.extract %slice3A_527[0] : i32 from vector<1xi32>
              %broadcast_in_dim3A_529 = vector.broadcast %squeeze3A_528 : i32 to vector<16xi32>
              %gather3A_530 = arith.constant 0 : i32
              %gather3A_531 = arith.constant 0 : i32
              %gather3A_532 = tpu.memref_slice %arg9[%and3A_147, %gather3A_530, %gather3A_531] : memref<2x32x1536xf32, #tpu.memory_space<vmem>> -> memref<1x32x1536xf32, #tpu.memory_space<vmem>>
              %gather3A_533 = tpu.memref_squeeze %gather3A_532 : memref<1x32x1536xf32, #tpu.memory_space<vmem>> -> memref<32x1536xf32, #tpu.memory_space<vmem>>
              %gather3A_534 = tpu.vector_load_idx %gather3A_533[%iota3A, %broadcast_in_dim3A_529] : memref<32x1536xf32, #tpu.memory_space<vmem>>[vector<16xi32>, vector<16xi32>], vector<16xf32>,
              %add3A_535 = arith.constant 16 : i32
              %add3A_536 = vector.broadcast %add3A_535 : i32 to vector<16xi32>
              %add3A_537 = arith.addi %iota3A, %add3A_536 : vector<16xi32>
              %gather3A_538 = arith.constant 0 : i32
              %gather3A_539 = arith.constant 0 : i32
              %gather3A_540 = tpu.memref_slice %arg9[%and3A_147, %gather3A_538, %gather3A_539] : memref<2x32x1536xf32, #tpu.memory_space<vmem>> -> memref<1x32x1536xf32, #tpu.memory_space<vmem>>
              %gather3A_541 = tpu.memref_squeeze %gather3A_540 : memref<1x32x1536xf32, #tpu.memory_space<vmem>> -> memref<32x1536xf32, #tpu.memory_space<vmem>>
              %gather3A_542 = tpu.vector_load_idx %gather3A_541[%add3A_537, %broadcast_in_dim3A_529] : memref<32x1536xf32, #tpu.memory_space<vmem>>[vector<16xi32>, vector<16xi32>], vector<16xf32>,
              %swap3A_543 = arith.constant 10 : i32
              %swap3A_544 = arith.index_cast %and3A_255 : i32 to index
              %swap3A_545 = arith.index_cast %swap3A_543 : i32 to index
              %swap3A_546 = arith.constant 0 : index
              %swap3A_547 = tpu.vector_load %arg12[%swap3A_544, %swap3A_545, %swap3A_546] {strides = array<i32>} : memref<4x16x128xf32, #tpu.memory_space<vmem>>, vector<16xf32>,
              tpu.vector_store %arg12[%swap3A_544, %swap3A_545, %swap3A_546], %gather3A_534 {strides = array<i32>} : memref<4x16x128xf32, #tpu.memory_space<vmem>>, vector<16xf32>,
              %swap3A_548 = arith.constant 10 : i32
              %swap3A_549 = arith.index_cast %and3A_255 : i32 to index
              %swap3A_550 = arith.index_cast %swap3A_548 : i32 to index
              %swap3A_551 = arith.constant 16 : index
              %swap3A_552 = tpu.vector_load %arg12[%swap3A_549, %swap3A_550, %swap3A_551] {strides = array<i32>} : memref<4x16x128xf32, #tpu.memory_space<vmem>>, vector<16xf32>,
              tpu.vector_store %arg12[%swap3A_549, %swap3A_550, %swap3A_551], %gather3A_542 {strides = array<i32>} : memref<4x16x128xf32, #tpu.memory_space<vmem>>, vector<16xf32>,
              %slice3A_553 = vector.extract_strided_slice %and3A_238 {offsets = [11], sizes = [1], strides = [1]} : vector<16xi32> to vector<1xi32>
              %squeeze3A_554 = vector.extract %slice3A_553[0] : i32 from vector<1xi32>
              %broadcast_in_dim3A_555 = vector.broadcast %squeeze3A_554 : i32 to vector<16xi32>
              %gather3A_556 = arith.constant 0 : i32
              %gather3A_557 = arith.constant 0 : i32
              %gather3A_558 = tpu.memref_slice %arg9[%and3A_147, %gather3A_556, %gather3A_557] : memref<2x32x1536xf32, #tpu.memory_space<vmem>> -> memref<1x32x1536xf32, #tpu.memory_space<vmem>>
              %gather3A_559 = tpu.memref_squeeze %gather3A_558 : memref<1x32x1536xf32, #tpu.memory_space<vmem>> -> memref<32x1536xf32, #tpu.memory_space<vmem>>
              %gather3A_560 = tpu.vector_load_idx %gather3A_559[%iota3A, %broadcast_in_dim3A_555] : memref<32x1536xf32, #tpu.memory_space<vmem>>[vector<16xi32>, vector<16xi32>], vector<16xf32>,
              %add3A_561 = arith.constant 16 : i32
              %add3A_562 = vector.broadcast %add3A_561 : i32 to vector<16xi32>
              %add3A_563 = arith.addi %iota3A, %add3A_562 : vector<16xi32>
              %gather3A_564 = arith.constant 0 : i32
              %gather3A_565 = arith.constant 0 : i32
              %gather3A_566 = tpu.memref_slice %arg9[%and3A_147, %gather3A_564, %gather3A_565] : memref<2x32x1536xf32, #tpu.memory_space<vmem>> -> memref<1x32x1536xf32, #tpu.memory_space<vmem>>
              %gather3A_567 = tpu.memref_squeeze %gather3A_566 : memref<1x32x1536xf32, #tpu.memory_space<vmem>> -> memref<32x1536xf32, #tpu.memory_space<vmem>>
              %gather3A_568 = tpu.vector_load_idx %gather3A_567[%add3A_563, %broadcast_in_dim3A_555] : memref<32x1536xf32, #tpu.memory_space<vmem>>[vector<16xi32>, vector<16xi32>], vector<16xf32>,
              %swap3A_569 = arith.constant 11 : i32
              %swap3A_570 = arith.index_cast %and3A_255 : i32 to index
              %swap3A_571 = arith.index_cast %swap3A_569 : i32 to index
              %swap3A_572 = arith.constant 0 : index
              %swap3A_573 = tpu.vector_load %arg12[%swap3A_570, %swap3A_571, %swap3A_572] {strides = array<i32>} : memref<4x16x128xf32, #tpu.memory_space<vmem>>, vector<16xf32>,
              tpu.vector_store %arg12[%swap3A_570, %swap3A_571, %swap3A_572], %gather3A_560 {strides = array<i32>} : memref<4x16x128xf32, #tpu.memory_space<vmem>>, vector<16xf32>,
              %swap3A_574 = arith.constant 11 : i32
              %swap3A_575 = arith.index_cast %and3A_255 : i32 to index
              %swap3A_576 = arith.index_cast %swap3A_574 : i32 to index
              %swap3A_577 = arith.constant 16 : index
              %swap3A_578 = tpu.vector_load %arg12[%swap3A_575, %swap3A_576, %swap3A_577] {strides = array<i32>} : memref<4x16x128xf32, #tpu.memory_space<vmem>>, vector<16xf32>,
              tpu.vector_store %arg12[%swap3A_575, %swap3A_576, %swap3A_577], %gather3A_568 {strides = array<i32>} : memref<4x16x128xf32, #tpu.memory_space<vmem>>, vector<16xf32>,
              %slice3A_579 = vector.extract_strided_slice %and3A_238 {offsets = [12], sizes = [1], strides = [1]} : vector<16xi32> to vector<1xi32>
              %squeeze3A_580 = vector.extract %slice3A_579[0] : i32 from vector<1xi32>
              %broadcast_in_dim3A_581 = vector.broadcast %squeeze3A_580 : i32 to vector<16xi32>
              %gather3A_582 = arith.constant 0 : i32
              %gather3A_583 = arith.constant 0 : i32
              %gather3A_584 = tpu.memref_slice %arg9[%and3A_147, %gather3A_582, %gather3A_583] : memref<2x32x1536xf32, #tpu.memory_space<vmem>> -> memref<1x32x1536xf32, #tpu.memory_space<vmem>>
              %gather3A_585 = tpu.memref_squeeze %gather3A_584 : memref<1x32x1536xf32, #tpu.memory_space<vmem>> -> memref<32x1536xf32, #tpu.memory_space<vmem>>
              %gather3A_586 = tpu.vector_load_idx %gather3A_585[%iota3A, %broadcast_in_dim3A_581] : memref<32x1536xf32, #tpu.memory_space<vmem>>[vector<16xi32>, vector<16xi32>], vector<16xf32>,
              %add3A_587 = arith.constant 16 : i32
              %add3A_588 = vector.broadcast %add3A_587 : i32 to vector<16xi32>
              %add3A_589 = arith.addi %iota3A, %add3A_588 : vector<16xi32>
              %gather3A_590 = arith.constant 0 : i32
              %gather3A_591 = arith.constant 0 : i32
              %gather3A_592 = tpu.memref_slice %arg9[%and3A_147, %gather3A_590, %gather3A_591] : memref<2x32x1536xf32, #tpu.memory_space<vmem>> -> memref<1x32x1536xf32, #tpu.memory_space<vmem>>
              %gather3A_593 = tpu.memref_squeeze %gather3A_592 : memref<1x32x1536xf32, #tpu.memory_space<vmem>> -> memref<32x1536xf32, #tpu.memory_space<vmem>>
              %gather3A_594 = tpu.vector_load_idx %gather3A_593[%add3A_589, %broadcast_in_dim3A_581] : memref<32x1536xf32, #tpu.memory_space<vmem>>[vector<16xi32>, vector<16xi32>], vector<16xf32>,
              %swap3A_595 = arith.constant 12 : i32
              %swap3A_596 = arith.index_cast %and3A_255 : i32 to index
              %swap3A_597 = arith.index_cast %swap3A_595 : i32 to index
              %swap3A_598 = arith.constant 0 : index
              %swap3A_599 = tpu.vector_load %arg12[%swap3A_596, %swap3A_597, %swap3A_598] {strides = array<i32>} : memref<4x16x128xf32, #tpu.memory_space<vmem>>, vector<16xf32>,
              tpu.vector_store %arg12[%swap3A_596, %swap3A_597, %swap3A_598], %gather3A_586 {strides = array<i32>} : memref<4x16x128xf32, #tpu.memory_space<vmem>>, vector<16xf32>,
              %swap3A_600 = arith.constant 12 : i32
              %swap3A_601 = arith.index_cast %and3A_255 : i32 to index
              %swap3A_602 = arith.index_cast %swap3A_600 : i32 to index
              %swap3A_603 = arith.constant 16 : index
              %swap3A_604 = tpu.vector_load %arg12[%swap3A_601, %swap3A_602, %swap3A_603] {strides = array<i32>} : memref<4x16x128xf32, #tpu.memory_space<vmem>>, vector<16xf32>,
              tpu.vector_store %arg12[%swap3A_601, %swap3A_602, %swap3A_603], %gather3A_594 {strides = array<i32>} : memref<4x16x128xf32, #tpu.memory_space<vmem>>, vector<16xf32>,
              %slice3A_605 = vector.extract_strided_slice %and3A_238 {offsets = [13], sizes = [1], strides = [1]} : vector<16xi32> to vector<1xi32>
              %squeeze3A_606 = vector.extract %slice3A_605[0] : i32 from vector<1xi32>
              %broadcast_in_dim3A_607 = vector.broadcast %squeeze3A_606 : i32 to vector<16xi32>
              %gather3A_608 = arith.constant 0 : i32
              %gather3A_609 = arith.constant 0 : i32
              %gather3A_610 = tpu.memref_slice %arg9[%and3A_147, %gather3A_608, %gather3A_609] : memref<2x32x1536xf32, #tpu.memory_space<vmem>> -> memref<1x32x1536xf32, #tpu.memory_space<vmem>>
              %gather3A_611 = tpu.memref_squeeze %gather3A_610 : memref<1x32x1536xf32, #tpu.memory_space<vmem>> -> memref<32x1536xf32, #tpu.memory_space<vmem>>
              %gather3A_612 = tpu.vector_load_idx %gather3A_611[%iota3A, %broadcast_in_dim3A_607] : memref<32x1536xf32, #tpu.memory_space<vmem>>[vector<16xi32>, vector<16xi32>], vector<16xf32>,
              %add3A_613 = arith.constant 16 : i32
              %add3A_614 = vector.broadcast %add3A_613 : i32 to vector<16xi32>
              %add3A_615 = arith.addi %iota3A, %add3A_614 : vector<16xi32>
              %gather3A_616 = arith.constant 0 : i32
              %gather3A_617 = arith.constant 0 : i32
              %gather3A_618 = tpu.memref_slice %arg9[%and3A_147, %gather3A_616, %gather3A_617] : memref<2x32x1536xf32, #tpu.memory_space<vmem>> -> memref<1x32x1536xf32, #tpu.memory_space<vmem>>
              %gather3A_619 = tpu.memref_squeeze %gather3A_618 : memref<1x32x1536xf32, #tpu.memory_space<vmem>> -> memref<32x1536xf32, #tpu.memory_space<vmem>>
              %gather3A_620 = tpu.vector_load_idx %gather3A_619[%add3A_615, %broadcast_in_dim3A_607] : memref<32x1536xf32, #tpu.memory_space<vmem>>[vector<16xi32>, vector<16xi32>], vector<16xf32>,
              %swap3A_621 = arith.constant 13 : i32
              %swap3A_622 = arith.index_cast %and3A_255 : i32 to index
              %swap3A_623 = arith.index_cast %swap3A_621 : i32 to index
              %swap3A_624 = arith.constant 0 : index
              %swap3A_625 = tpu.vector_load %arg12[%swap3A_622, %swap3A_623, %swap3A_624] {strides = array<i32>} : memref<4x16x128xf32, #tpu.memory_space<vmem>>, vector<16xf32>,
              tpu.vector_store %arg12[%swap3A_622, %swap3A_623, %swap3A_624], %gather3A_612 {strides = array<i32>} : memref<4x16x128xf32, #tpu.memory_space<vmem>>, vector<16xf32>,
              %swap3A_626 = arith.constant 13 : i32
              %swap3A_627 = arith.index_cast %and3A_255 : i32 to index
              %swap3A_628 = arith.index_cast %swap3A_626 : i32 to index
              %swap3A_629 = arith.constant 16 : index
              %swap3A_630 = tpu.vector_load %arg12[%swap3A_627, %swap3A_628, %swap3A_629] {strides = array<i32>} : memref<4x16x128xf32, #tpu.memory_space<vmem>>, vector<16xf32>,
              tpu.vector_store %arg12[%swap3A_627, %swap3A_628, %swap3A_629], %gather3A_620 {strides = array<i32>} : memref<4x16x128xf32, #tpu.memory_space<vmem>>, vector<16xf32>,
              %slice3A_631 = vector.extract_strided_slice %and3A_238 {offsets = [14], sizes = [1], strides = [1]} : vector<16xi32> to vector<1xi32>
              %squeeze3A_632 = vector.extract %slice3A_631[0] : i32 from vector<1xi32>
              %broadcast_in_dim3A_633 = vector.broadcast %squeeze3A_632 : i32 to vector<16xi32>
              %gather3A_634 = arith.constant 0 : i32
              %gather3A_635 = arith.constant 0 : i32
              %gather3A_636 = tpu.memref_slice %arg9[%and3A_147, %gather3A_634, %gather3A_635] : memref<2x32x1536xf32, #tpu.memory_space<vmem>> -> memref<1x32x1536xf32, #tpu.memory_space<vmem>>
              %gather3A_637 = tpu.memref_squeeze %gather3A_636 : memref<1x32x1536xf32, #tpu.memory_space<vmem>> -> memref<32x1536xf32, #tpu.memory_space<vmem>>
              %gather3A_638 = tpu.vector_load_idx %gather3A_637[%iota3A, %broadcast_in_dim3A_633] : memref<32x1536xf32, #tpu.memory_space<vmem>>[vector<16xi32>, vector<16xi32>], vector<16xf32>,
              %add3A_639 = arith.constant 16 : i32
              %add3A_640 = vector.broadcast %add3A_639 : i32 to vector<16xi32>
              %add3A_641 = arith.addi %iota3A, %add3A_640 : vector<16xi32>
              %gather3A_642 = arith.constant 0 : i32
              %gather3A_643 = arith.constant 0 : i32
              %gather3A_644 = tpu.memref_slice %arg9[%and3A_147, %gather3A_642, %gather3A_643] : memref<2x32x1536xf32, #tpu.memory_space<vmem>> -> memref<1x32x1536xf32, #tpu.memory_space<vmem>>
              %gather3A_645 = tpu.memref_squeeze %gather3A_644 : memref<1x32x1536xf32, #tpu.memory_space<vmem>> -> memref<32x1536xf32, #tpu.memory_space<vmem>>
              %gather3A_646 = tpu.vector_load_idx %gather3A_645[%add3A_641, %broadcast_in_dim3A_633] : memref<32x1536xf32, #tpu.memory_space<vmem>>[vector<16xi32>, vector<16xi32>], vector<16xf32>,
              %swap3A_647 = arith.constant 14 : i32
              %swap3A_648 = arith.index_cast %and3A_255 : i32 to index
              %swap3A_649 = arith.index_cast %swap3A_647 : i32 to index
              %swap3A_650 = arith.constant 0 : index
              %swap3A_651 = tpu.vector_load %arg12[%swap3A_648, %swap3A_649, %swap3A_650] {strides = array<i32>} : memref<4x16x128xf32, #tpu.memory_space<vmem>>, vector<16xf32>,
              tpu.vector_store %arg12[%swap3A_648, %swap3A_649, %swap3A_650], %gather3A_638 {strides = array<i32>} : memref<4x16x128xf32, #tpu.memory_space<vmem>>, vector<16xf32>,
              %swap3A_652 = arith.constant 14 : i32
              %swap3A_653 = arith.index_cast %and3A_255 : i32 to index
              %swap3A_654 = arith.index_cast %swap3A_652 : i32 to index
              %swap3A_655 = arith.constant 16 : index
              %swap3A_656 = tpu.vector_load %arg12[%swap3A_653, %swap3A_654, %swap3A_655] {strides = array<i32>} : memref<4x16x128xf32, #tpu.memory_space<vmem>>, vector<16xf32>,
              tpu.vector_store %arg12[%swap3A_653, %swap3A_654, %swap3A_655], %gather3A_646 {strides = array<i32>} : memref<4x16x128xf32, #tpu.memory_space<vmem>>, vector<16xf32>,
              %slice3A_657 = vector.extract_strided_slice %and3A_238 {offsets = [15], sizes = [1], strides = [1]} : vector<16xi32> to vector<1xi32>
              %squeeze3A_658 = vector.extract %slice3A_657[0] : i32 from vector<1xi32>
              %broadcast_in_dim3A_659 = vector.broadcast %squeeze3A_658 : i32 to vector<16xi32>
              %gather3A_660 = arith.constant 0 : i32
              %gather3A_661 = arith.constant 0 : i32
              %gather3A_662 = tpu.memref_slice %arg9[%and3A_147, %gather3A_660, %gather3A_661] : memref<2x32x1536xf32, #tpu.memory_space<vmem>> -> memref<1x32x1536xf32, #tpu.memory_space<vmem>>
              %gather3A_663 = tpu.memref_squeeze %gather3A_662 : memref<1x32x1536xf32, #tpu.memory_space<vmem>> -> memref<32x1536xf32, #tpu.memory_space<vmem>>
              %gather3A_664 = tpu.vector_load_idx %gather3A_663[%iota3A, %broadcast_in_dim3A_659] : memref<32x1536xf32, #tpu.memory_space<vmem>>[vector<16xi32>, vector<16xi32>], vector<16xf32>,
              %add3A_665 = arith.constant 16 : i32
              %add3A_666 = vector.broadcast %add3A_665 : i32 to vector<16xi32>
              %add3A_667 = arith.addi %iota3A, %add3A_666 : vector<16xi32>
              %gather3A_668 = arith.constant 0 : i32
              %gather3A_669 = arith.constant 0 : i32
              %gather3A_670 = tpu.memref_slice %arg9[%and3A_147, %gather3A_668, %gather3A_669] : memref<2x32x1536xf32, #tpu.memory_space<vmem>> -> memref<1x32x1536xf32, #tpu.memory_space<vmem>>
              %gather3A_671 = tpu.memref_squeeze %gather3A_670 : memref<1x32x1536xf32, #tpu.memory_space<vmem>> -> memref<32x1536xf32, #tpu.memory_space<vmem>>
              %gather3A_672 = tpu.vector_load_idx %gather3A_671[%add3A_667, %broadcast_in_dim3A_659] : memref<32x1536xf32, #tpu.memory_space<vmem>>[vector<16xi32>, vector<16xi32>], vector<16xf32>,
              %swap3A_673 = arith.constant 15 : i32
              %swap3A_674 = arith.index_cast %and3A_255 : i32 to index
              %swap3A_675 = arith.index_cast %swap3A_673 : i32 to index
              %swap3A_676 = arith.constant 0 : index
              %swap3A_677 = tpu.vector_load %arg12[%swap3A_674, %swap3A_675, %swap3A_676] {strides = array<i32>} : memref<4x16x128xf32, #tpu.memory_space<vmem>>, vector<16xf32>,
              tpu.vector_store %arg12[%swap3A_674, %swap3A_675, %swap3A_676], %gather3A_664 {strides = array<i32>} : memref<4x16x128xf32, #tpu.memory_space<vmem>>, vector<16xf32>,
              %swap3A_678 = arith.constant 15 : i32
              %swap3A_679 = arith.index_cast %and3A_255 : i32 to index
              %swap3A_680 = arith.index_cast %swap3A_678 : i32 to index
              %swap3A_681 = arith.constant 16 : index
              %swap3A_682 = tpu.vector_load %arg12[%swap3A_679, %swap3A_680, %swap3A_681] {strides = array<i32>} : memref<4x16x128xf32, #tpu.memory_space<vmem>>, vector<16xf32>,
              tpu.vector_store %arg12[%swap3A_679, %swap3A_680, %swap3A_681], %gather3A_672 {strides = array<i32>} : memref<4x16x128xf32, #tpu.memory_space<vmem>>, vector<16xf32>,
              %dma_start3A_683 = arith.constant 0 : i32
              %dma_start3A_684 = arith.constant 0 : i32
              %dma_start3A_685 = tpu.memref_slice %arg12[%and3A_255, %dma_start3A_683, %dma_start3A_684] : memref<4x16x128xf32, #tpu.memory_space<vmem>> -> memref<1x16x128xf32, #tpu.memory_space<vmem>>
              %dma_start3A_686 = tpu.memref_squeeze %dma_start3A_685 : memref<1x16x128xf32, #tpu.memory_space<vmem>> -> memref<16x128xf32, #tpu.memory_space<vmem>>
              %dma_start3A_687 = arith.constant 0 : i32
              %dma_start3A_688 = tpu.memref_slice %arg13[%and3A_255, %dma_start3A_687] : memref<4x16xi32, #tpu.memory_space<vmem>> -> memref<1x16xi32, #tpu.memory_space<vmem>>
              %dma_start3A_689 = tpu.memref_squeeze %dma_start3A_688 : memref<1x16xi32, #tpu.memory_space<vmem>> -> memref<16xi32, #tpu.memory_space<vmem>>
              %dma_start3A_690 = arith.constant 0 : i32
              %dma_start3A_691 = arith.constant 0 : i32
              %dma_start3A_692 = tpu.memref_slice %arg5[%dma_start3A_690, %dma_start3A_691] : memref<106528x128xf32, #tpu.memory_space<hbm>> -> memref<106528x128xf32, #tpu.memory_space<hbm>>
              %dma_start3A_693 = tpu.memref_slice %arg16[%and3A_255] : memref<4x!tpu.dma_semaphore, #tpu.memory_space<semaphore_mem>> -> memref<1x!tpu.dma_semaphore, #tpu.memory_space<semaphore_mem>>
              %dma_start3A_694 = tpu.memref_squeeze %dma_start3A_693 : memref<1x!tpu.dma_semaphore, #tpu.memory_space<semaphore_mem>> -> memref<!tpu.dma_semaphore, #tpu.memory_space<semaphore_mem>>
              tpu.enqueue_indirect_dma source(%dma_start3A_686 : memref<16x128xf32, #tpu.memory_space<vmem>>) target(%dma_start3A_692 : memref<106528x128xf32, #tpu.memory_space<hbm>>) offsets(%dma_start3A_689 : memref<16xi32, #tpu.memory_space<vmem>>) semaphore(%dma_start3A_694 : memref<!tpu.dma_semaphore, #tpu.memory_space<semaphore_mem>>)
              %add3A_695 = arith.constant 1 : i32
              %add3A_696 = arith.addi %add3A_695, %and3A_255 : i32
              %swap3A_697 = arith.constant 1 : i32
              %swap3A_698 = arith.index_cast %add3A_696 : i32 to index
              %swap3A_699 = memref.load %arg14[%swap3A_698] : memref<16xi32, #tpu.memory_space<smem>>
              memref.store %swap3A_697, %arg14[%swap3A_698] : memref<16xi32, #tpu.memory_space<smem>>
              %get3A_700 = arith.constant 0 : i32
              %get3A_701 = arith.index_cast %get3A_700 : i32 to index
              %get3A_702 = memref.load %arg14[%get3A_701] : memref<16xi32, #tpu.memory_space<smem>>
              %add3A_703 = arith.constant 1 : i32
              %add3A_704 = arith.addi %get3A_702, %add3A_703 : i32
              %swap3A_705 = arith.constant 0 : i32
              %swap3A_706 = arith.index_cast %swap3A_705 : i32 to index
              %swap3A_707 = memref.load %arg14[%swap3A_706] : memref<16xi32, #tpu.memory_space<smem>>
              memref.store %add3A_704, %arg14[%swap3A_706] : memref<16xi32, #tpu.memory_space<smem>>
              %while3A_708 = arith.constant 0 : i32
              scf.yield %while3A_708 : i32
            }
            %while3A_225 = arith.constant 1 : i32
            %while3A_226 = scf.for %while3A_227 = %while3A_222 to %while3A_218 step %while3A_225 iter_args(%while3A_228 = %while3A_224) -> (i32)  : i32 {
              %mul3A_229 = arith.constant 16 : i32
              %mul3A_230 = arith.muli %while3A_227, %mul3A_229 : i32
              %get3A_231 = arith.index_cast %mul3A_230 : i32 to index
              %get3A_232 = tpu.vector_load %arg11[%get3A_231] {strides = array<i32>} : memref<4112xi32, #tpu.memory_space<vmem>>, vector<16xi32>,
              %shift_right_arithmetic3A_233 = arith.constant 11 : i32
              %shift_right_arithmetic3A_234 = vector.broadcast %shift_right_arithmetic3A_233 : i32 to vector<16xi32>
              %shift_right_arithmetic3A_235 = arith.shrsi %get3A_232, %shift_right_arithmetic3A_234 : vector<16xi32>
              %and3A_236 = arith.constant 2047 : i32
              %and3A_237 = vector.broadcast %and3A_236 : i32 to vector<16xi32>
              %and3A_238 = arith.andi %get3A_232, %and3A_237 : vector<16xi32>
              %ge3A_239 = arith.constant 4096 : i32
              %ge3A_240 = vector.broadcast %ge3A_239 : i32 to vector<16xi32>
              %ge3A_241 = arith.cmpi sge, %shift_right_arithmetic3A_235, %ge3A_240 : vector<16xi32>
              %mul3A_242 = arith.constant 26 : i32
              %mul3A_243 = vector.broadcast %mul3A_242 : i32 to vector<16xi32>
              %mul3A_244 = arith.muli %shift_right_arithmetic3A_235, %mul3A_243 : vector<16xi32>
              %add3A_245 = vector.broadcast %select_n3A_6 : i32 to vector<16xi32>
              %add3A_246 = arith.addi %mul3A_244, %add3A_245 : vector<16xi32>
              %add3A_247 = vector.broadcast %add3A_77 : i32 to vector<16xi32>
              %add3A_248 = arith.addi %add3A_246, %add3A_247 : vector<16xi32>
              %broadcast_in_dim3A_249 = vector.broadcast %add3A_9 : i32 to vector<16xi32>
              %select_n3A_250 = arith.select %ge3A_241, %broadcast_in_dim3A_249, %add3A_248 : vector<16xi1>, vector<16xi32>
              %get3A_251 = arith.constant 0 : i32
              %get3A_252 = arith.index_cast %get3A_251 : i32 to index
              %get3A_253 = memref.load %arg14[%get3A_252] : memref<16xi32, #tpu.memory_space<smem>>
              %and3A_254 = arith.constant 3 : i32
              %and3A_255 = arith.andi %get3A_253, %and3A_254 : i32
              %add3A_256 = arith.constant 1 : i32
              %add3A_257 = arith.addi %add3A_256, %and3A_255 : i32
              %get3A_258 = arith.index_cast %add3A_257 : i32 to index
              %get3A_259 = memref.load %arg14[%get3A_258] : memref<16xi32, #tpu.memory_space<smem>>
              %eq3A_260 = arith.constant 1 : i32
              %eq3A_261 = arith.cmpi eq, %get3A_259, %eq3A_260 : i32
              %convert_element_type3A_262 = arith.extui %eq3A_261 : i1 to i32
              %cond3A_263 = arith.constant 0 : i32
              %cond3A_264 = arith.cmpi ne, %convert_element_type3A_262, %cond3A_263 : i32
              scf.if %cond3A_264 {
                %dma_wait3A_709 = arith.constant 0 : i32
                %dma_wait3A_710 = arith.constant 0 : i32
                %dma_wait3A_711 = tpu.memref_slice %arg12[%and3A_255, %dma_wait3A_709, %dma_wait3A_710] : memref<4x16x128xf32, #tpu.memory_space<vmem>> -> memref<1x16x128xf32, #tpu.memory_space<vmem>>
                %dma_wait3A_712 = tpu.memref_squeeze %dma_wait3A_711 : memref<1x16x128xf32, #tpu.memory_space<vmem>> -> memref<16x128xf32, #tpu.memory_space<vmem>>
                %dma_wait3A_713 = arith.constant 0 : i32
                %dma_wait3A_714 = tpu.memref_slice %arg13[%and3A_255, %dma_wait3A_713] : memref<4x16xi32, #tpu.memory_space<vmem>> -> memref<1x16xi32, #tpu.memory_space<vmem>>
                %dma_wait3A_715 = tpu.memref_squeeze %dma_wait3A_714 : memref<1x16xi32, #tpu.memory_space<vmem>> -> memref<16xi32, #tpu.memory_space<vmem>>
                %dma_wait3A_716 = arith.constant 0 : i32
                %dma_wait3A_717 = arith.constant 0 : i32
                %dma_wait3A_718 = tpu.memref_slice %arg5[%dma_wait3A_716, %dma_wait3A_717] : memref<106528x128xf32, #tpu.memory_space<hbm>> -> memref<106528x128xf32, #tpu.memory_space<hbm>>
                %dma_wait3A_719 = tpu.memref_slice %arg16[%and3A_255] : memref<4x!tpu.dma_semaphore, #tpu.memory_space<semaphore_mem>> -> memref<1x!tpu.dma_semaphore, #tpu.memory_space<semaphore_mem>>
                %dma_wait3A_720 = tpu.memref_squeeze %dma_wait3A_719 : memref<1x!tpu.dma_semaphore, #tpu.memory_space<semaphore_mem>> -> memref<!tpu.dma_semaphore, #tpu.memory_space<semaphore_mem>>
                tpu.wait_indirect_dma semaphore(%dma_wait3A_720 : memref<!tpu.dma_semaphore, #tpu.memory_space<semaphore_mem>>) src(%dma_wait3A_712 : memref<16x128xf32, #tpu.memory_space<vmem>>) dst(%dma_wait3A_718 : memref<106528x128xf32, #tpu.memory_space<hbm>>)
              } else {
              }
              %swap3A_265 = arith.index_cast %and3A_255 : i32 to index
              %swap3A_266 = arith.constant 0 : index
              %swap3A_267 = tpu.vector_load %arg13[%swap3A_265, %swap3A_266] {strides = array<i32>} : memref<4x16xi32, #tpu.memory_space<vmem>>, vector<16xi32>,
              tpu.vector_store %arg13[%swap3A_265, %swap3A_266], %select_n3A_250 {strides = array<i32>} : memref<4x16xi32, #tpu.memory_space<vmem>>, vector<16xi32>,
              %slice3A_268 = vector.extract_strided_slice %and3A_238 {offsets = [0], sizes = [1], strides = [1]} : vector<16xi32> to vector<1xi32>
              %squeeze3A_269 = vector.extract %slice3A_268[0] : i32 from vector<1xi32>
              %broadcast_in_dim3A_270 = vector.broadcast %squeeze3A_269 : i32 to vector<16xi32>
              %gather3A = arith.constant 0 : i32
              %gather3A_271 = arith.constant 0 : i32
              %gather3A_272 = tpu.memref_slice %arg9[%and3A_147, %gather3A, %gather3A_271] : memref<2x32x1536xf32, #tpu.memory_space<vmem>> -> memref<1x32x1536xf32, #tpu.memory_space<vmem>>
              %gather3A_273 = tpu.memref_squeeze %gather3A_272 : memref<1x32x1536xf32, #tpu.memory_space<vmem>> -> memref<32x1536xf32, #tpu.memory_space<vmem>>
              %gather3A_274 = tpu.vector_load_idx %gather3A_273[%iota3A, %broadcast_in_dim3A_270] : memref<32x1536xf32, #tpu.memory_space<vmem>>[vector<16xi32>, vector<16xi32>], vector<16xf32>,
              %add3A_275 = arith.constant 16 : i32
              %add3A_276 = vector.broadcast %add3A_275 : i32 to vector<16xi32>
              %add3A_277 = arith.addi %iota3A, %add3A_276 : vector<16xi32>
              %gather3A_278 = arith.constant 0 : i32
              %gather3A_279 = arith.constant 0 : i32
              %gather3A_280 = tpu.memref_slice %arg9[%and3A_147, %gather3A_278, %gather3A_279] : memref<2x32x1536xf32, #tpu.memory_space<vmem>> -> memref<1x32x1536xf32, #tpu.memory_space<vmem>>
              %gather3A_281 = tpu.memref_squeeze %gather3A_280 : memref<1x32x1536xf32, #tpu.memory_space<vmem>> -> memref<32x1536xf32, #tpu.memory_space<vmem>>
              %gather3A_282 = tpu.vector_load_idx %gather3A_281[%add3A_277, %broadcast_in_dim3A_270] : memref<32x1536xf32, #tpu.memory_space<vmem>>[vector<16xi32>, vector<16xi32>], vector<16xf32>,
              %swap3A_283 = arith.constant 0 : i32
              %swap3A_284 = arith.index_cast %and3A_255 : i32 to index
              %swap3A_285 = arith.index_cast %swap3A_283 : i32 to index
              %swap3A_286 = arith.constant 0 : index
              %swap3A_287 = tpu.vector_load %arg12[%swap3A_284, %swap3A_285, %swap3A_286] {strides = array<i32>} : memref<4x16x128xf32, #tpu.memory_space<vmem>>, vector<16xf32>,
              tpu.vector_store %arg12[%swap3A_284, %swap3A_285, %swap3A_286], %gather3A_274 {strides = array<i32>} : memref<4x16x128xf32, #tpu.memory_space<vmem>>, vector<16xf32>,
              %swap3A_288 = arith.constant 0 : i32
              %swap3A_289 = arith.index_cast %and3A_255 : i32 to index
              %swap3A_290 = arith.index_cast %swap3A_288 : i32 to index
              %swap3A_291 = arith.constant 16 : index
              %swap3A_292 = tpu.vector_load %arg12[%swap3A_289, %swap3A_290, %swap3A_291] {strides = array<i32>} : memref<4x16x128xf32, #tpu.memory_space<vmem>>, vector<16xf32>,
              tpu.vector_store %arg12[%swap3A_289, %swap3A_290, %swap3A_291], %gather3A_282 {strides = array<i32>} : memref<4x16x128xf32, #tpu.memory_space<vmem>>, vector<16xf32>,
              %slice3A_293 = vector.extract_strided_slice %and3A_238 {offsets = [1], sizes = [1], strides = [1]} : vector<16xi32> to vector<1xi32>
              %squeeze3A_294 = vector.extract %slice3A_293[0] : i32 from vector<1xi32>
              %broadcast_in_dim3A_295 = vector.broadcast %squeeze3A_294 : i32 to vector<16xi32>
              %gather3A_296 = arith.constant 0 : i32
              %gather3A_297 = arith.constant 0 : i32
              %gather3A_298 = tpu.memref_slice %arg9[%and3A_147, %gather3A_296, %gather3A_297] : memref<2x32x1536xf32, #tpu.memory_space<vmem>> -> memref<1x32x1536xf32, #tpu.memory_space<vmem>>
              %gather3A_299 = tpu.memref_squeeze %gather3A_298 : memref<1x32x1536xf32, #tpu.memory_space<vmem>> -> memref<32x1536xf32, #tpu.memory_space<vmem>>
              %gather3A_300 = tpu.vector_load_idx %gather3A_299[%iota3A, %broadcast_in_dim3A_295] : memref<32x1536xf32, #tpu.memory_space<vmem>>[vector<16xi32>, vector<16xi32>], vector<16xf32>,
              %add3A_301 = arith.constant 16 : i32
              %add3A_302 = vector.broadcast %add3A_301 : i32 to vector<16xi32>
              %add3A_303 = arith.addi %iota3A, %add3A_302 : vector<16xi32>
              %gather3A_304 = arith.constant 0 : i32
              %gather3A_305 = arith.constant 0 : i32
              %gather3A_306 = tpu.memref_slice %arg9[%and3A_147, %gather3A_304, %gather3A_305] : memref<2x32x1536xf32, #tpu.memory_space<vmem>> -> memref<1x32x1536xf32, #tpu.memory_space<vmem>>
              %gather3A_307 = tpu.memref_squeeze %gather3A_306 : memref<1x32x1536xf32, #tpu.memory_space<vmem>> -> memref<32x1536xf32, #tpu.memory_space<vmem>>
              %gather3A_308 = tpu.vector_load_idx %gather3A_307[%add3A_303, %broadcast_in_dim3A_295] : memref<32x1536xf32, #tpu.memory_space<vmem>>[vector<16xi32>, vector<16xi32>], vector<16xf32>,
              %swap3A_309 = arith.constant 1 : i32
              %swap3A_310 = arith.index_cast %and3A_255 : i32 to index
              %swap3A_311 = arith.index_cast %swap3A_309 : i32 to index
              %swap3A_312 = arith.constant 0 : index
              %swap3A_313 = tpu.vector_load %arg12[%swap3A_310, %swap3A_311, %swap3A_312] {strides = array<i32>} : memref<4x16x128xf32, #tpu.memory_space<vmem>>, vector<16xf32>,
              tpu.vector_store %arg12[%swap3A_310, %swap3A_311, %swap3A_312], %gather3A_300 {strides = array<i32>} : memref<4x16x128xf32, #tpu.memory_space<vmem>>, vector<16xf32>,
              %swap3A_314 = arith.constant 1 : i32
              %swap3A_315 = arith.index_cast %and3A_255 : i32 to index
              %swap3A_316 = arith.index_cast %swap3A_314 : i32 to index
              %swap3A_317 = arith.constant 16 : index
              %swap3A_318 = tpu.vector_load %arg12[%swap3A_315, %swap3A_316, %swap3A_317] {strides = array<i32>} : memref<4x16x128xf32, #tpu.memory_space<vmem>>, vector<16xf32>,
              tpu.vector_store %arg12[%swap3A_315, %swap3A_316, %swap3A_317], %gather3A_308 {strides = array<i32>} : memref<4x16x128xf32, #tpu.memory_space<vmem>>, vector<16xf32>,
              %slice3A_319 = vector.extract_strided_slice %and3A_238 {offsets = [2], sizes = [1], strides = [1]} : vector<16xi32> to vector<1xi32>
              %squeeze3A_320 = vector.extract %slice3A_319[0] : i32 from vector<1xi32>
              %broadcast_in_dim3A_321 = vector.broadcast %squeeze3A_320 : i32 to vector<16xi32>
              %gather3A_322 = arith.constant 0 : i32
              %gather3A_323 = arith.constant 0 : i32
              %gather3A_324 = tpu.memref_slice %arg9[%and3A_147, %gather3A_322, %gather3A_323] : memref<2x32x1536xf32, #tpu.memory_space<vmem>> -> memref<1x32x1536xf32, #tpu.memory_space<vmem>>
              %gather3A_325 = tpu.memref_squeeze %gather3A_324 : memref<1x32x1536xf32, #tpu.memory_space<vmem>> -> memref<32x1536xf32, #tpu.memory_space<vmem>>
              %gather3A_326 = tpu.vector_load_idx %gather3A_325[%iota3A, %broadcast_in_dim3A_321] : memref<32x1536xf32, #tpu.memory_space<vmem>>[vector<16xi32>, vector<16xi32>], vector<16xf32>,
              %add3A_327 = arith.constant 16 : i32
              %add3A_328 = vector.broadcast %add3A_327 : i32 to vector<16xi32>
              %add3A_329 = arith.addi %iota3A, %add3A_328 : vector<16xi32>
              %gather3A_330 = arith.constant 0 : i32
              %gather3A_331 = arith.constant 0 : i32
              %gather3A_332 = tpu.memref_slice %arg9[%and3A_147, %gather3A_330, %gather3A_331] : memref<2x32x1536xf32, #tpu.memory_space<vmem>> -> memref<1x32x1536xf32, #tpu.memory_space<vmem>>
              %gather3A_333 = tpu.memref_squeeze %gather3A_332 : memref<1x32x1536xf32, #tpu.memory_space<vmem>> -> memref<32x1536xf32, #tpu.memory_space<vmem>>
              %gather3A_334 = tpu.vector_load_idx %gather3A_333[%add3A_329, %broadcast_in_dim3A_321] : memref<32x1536xf32, #tpu.memory_space<vmem>>[vector<16xi32>, vector<16xi32>], vector<16xf32>,
              %swap3A_335 = arith.constant 2 : i32
              %swap3A_336 = arith.index_cast %and3A_255 : i32 to index
              %swap3A_337 = arith.index_cast %swap3A_335 : i32 to index
              %swap3A_338 = arith.constant 0 : index
              %swap3A_339 = tpu.vector_load %arg12[%swap3A_336, %swap3A_337, %swap3A_338] {strides = array<i32>} : memref<4x16x128xf32, #tpu.memory_space<vmem>>, vector<16xf32>,
              tpu.vector_store %arg12[%swap3A_336, %swap3A_337, %swap3A_338], %gather3A_326 {strides = array<i32>} : memref<4x16x128xf32, #tpu.memory_space<vmem>>, vector<16xf32>,
              %swap3A_340 = arith.constant 2 : i32
              %swap3A_341 = arith.index_cast %and3A_255 : i32 to index
              %swap3A_342 = arith.index_cast %swap3A_340 : i32 to index
              %swap3A_343 = arith.constant 16 : index
              %swap3A_344 = tpu.vector_load %arg12[%swap3A_341, %swap3A_342, %swap3A_343] {strides = array<i32>} : memref<4x16x128xf32, #tpu.memory_space<vmem>>, vector<16xf32>,
              tpu.vector_store %arg12[%swap3A_341, %swap3A_342, %swap3A_343], %gather3A_334 {strides = array<i32>} : memref<4x16x128xf32, #tpu.memory_space<vmem>>, vector<16xf32>,
              %slice3A_345 = vector.extract_strided_slice %and3A_238 {offsets = [3], sizes = [1], strides = [1]} : vector<16xi32> to vector<1xi32>
              %squeeze3A_346 = vector.extract %slice3A_345[0] : i32 from vector<1xi32>
              %broadcast_in_dim3A_347 = vector.broadcast %squeeze3A_346 : i32 to vector<16xi32>
              %gather3A_348 = arith.constant 0 : i32
              %gather3A_349 = arith.constant 0 : i32
              %gather3A_350 = tpu.memref_slice %arg9[%and3A_147, %gather3A_348, %gather3A_349] : memref<2x32x1536xf32, #tpu.memory_space<vmem>> -> memref<1x32x1536xf32, #tpu.memory_space<vmem>>
              %gather3A_351 = tpu.memref_squeeze %gather3A_350 : memref<1x32x1536xf32, #tpu.memory_space<vmem>> -> memref<32x1536xf32, #tpu.memory_space<vmem>>
              %gather3A_352 = tpu.vector_load_idx %gather3A_351[%iota3A, %broadcast_in_dim3A_347] : memref<32x1536xf32, #tpu.memory_space<vmem>>[vector<16xi32>, vector<16xi32>], vector<16xf32>,
              %add3A_353 = arith.constant 16 : i32
              %add3A_354 = vector.broadcast %add3A_353 : i32 to vector<16xi32>
              %add3A_355 = arith.addi %iota3A, %add3A_354 : vector<16xi32>
              %gather3A_356 = arith.constant 0 : i32
              %gather3A_357 = arith.constant 0 : i32
              %gather3A_358 = tpu.memref_slice %arg9[%and3A_147, %gather3A_356, %gather3A_357] : memref<2x32x1536xf32, #tpu.memory_space<vmem>> -> memref<1x32x1536xf32, #tpu.memory_space<vmem>>
              %gather3A_359 = tpu.memref_squeeze %gather3A_358 : memref<1x32x1536xf32, #tpu.memory_space<vmem>> -> memref<32x1536xf32, #tpu.memory_space<vmem>>
              %gather3A_360 = tpu.vector_load_idx %gather3A_359[%add3A_355, %broadcast_in_dim3A_347] : memref<32x1536xf32, #tpu.memory_space<vmem>>[vector<16xi32>, vector<16xi32>], vector<16xf32>,
              %swap3A_361 = arith.constant 3 : i32
              %swap3A_362 = arith.index_cast %and3A_255 : i32 to index
              %swap3A_363 = arith.index_cast %swap3A_361 : i32 to index
              %swap3A_364 = arith.constant 0 : index
              %swap3A_365 = tpu.vector_load %arg12[%swap3A_362, %swap3A_363, %swap3A_364] {strides = array<i32>} : memref<4x16x128xf32, #tpu.memory_space<vmem>>, vector<16xf32>,
              tpu.vector_store %arg12[%swap3A_362, %swap3A_363, %swap3A_364], %gather3A_352 {strides = array<i32>} : memref<4x16x128xf32, #tpu.memory_space<vmem>>, vector<16xf32>,
              %swap3A_366 = arith.constant 3 : i32
              %swap3A_367 = arith.index_cast %and3A_255 : i32 to index
              %swap3A_368 = arith.index_cast %swap3A_366 : i32 to index
              %swap3A_369 = arith.constant 16 : index
              %swap3A_370 = tpu.vector_load %arg12[%swap3A_367, %swap3A_368, %swap3A_369] {strides = array<i32>} : memref<4x16x128xf32, #tpu.memory_space<vmem>>, vector<16xf32>,
              tpu.vector_store %arg12[%swap3A_367, %swap3A_368, %swap3A_369], %gather3A_360 {strides = array<i32>} : memref<4x16x128xf32, #tpu.memory_space<vmem>>, vector<16xf32>,
              %slice3A_371 = vector.extract_strided_slice %and3A_238 {offsets = [4], sizes = [1], strides = [1]} : vector<16xi32> to vector<1xi32>
              %squeeze3A_372 = vector.extract %slice3A_371[0] : i32 from vector<1xi32>
              %broadcast_in_dim3A_373 = vector.broadcast %squeeze3A_372 : i32 to vector<16xi32>
              %gather3A_374 = arith.constant 0 : i32
              %gather3A_375 = arith.constant 0 : i32
              %gather3A_376 = tpu.memref_slice %arg9[%and3A_147, %gather3A_374, %gather3A_375] : memref<2x32x1536xf32, #tpu.memory_space<vmem>> -> memref<1x32x1536xf32, #tpu.memory_space<vmem>>
              %gather3A_377 = tpu.memref_squeeze %gather3A_376 : memref<1x32x1536xf32, #tpu.memory_space<vmem>> -> memref<32x1536xf32, #tpu.memory_space<vmem>>
              %gather3A_378 = tpu.vector_load_idx %gather3A_377[%iota3A, %broadcast_in_dim3A_373] : memref<32x1536xf32, #tpu.memory_space<vmem>>[vector<16xi32>, vector<16xi32>], vector<16xf32>,
              %add3A_379 = arith.constant 16 : i32
              %add3A_380 = vector.broadcast %add3A_379 : i32 to vector<16xi32>
              %add3A_381 = arith.addi %iota3A, %add3A_380 : vector<16xi32>
              %gather3A_382 = arith.constant 0 : i32
              %gather3A_383 = arith.constant 0 : i32
              %gather3A_384 = tpu.memref_slice %arg9[%and3A_147, %gather3A_382, %gather3A_383] : memref<2x32x1536xf32, #tpu.memory_space<vmem>> -> memref<1x32x1536xf32, #tpu.memory_space<vmem>>
              %gather3A_385 = tpu.memref_squeeze %gather3A_384 : memref<1x32x1536xf32, #tpu.memory_space<vmem>> -> memref<32x1536xf32, #tpu.memory_space<vmem>>
              %gather3A_386 = tpu.vector_load_idx %gather3A_385[%add3A_381, %broadcast_in_dim3A_373] : memref<32x1536xf32, #tpu.memory_space<vmem>>[vector<16xi32>, vector<16xi32>], vector<16xf32>,
              %swap3A_387 = arith.constant 4 : i32
              %swap3A_388 = arith.index_cast %and3A_255 : i32 to index
              %swap3A_389 = arith.index_cast %swap3A_387 : i32 to index
              %swap3A_390 = arith.constant 0 : index
              %swap3A_391 = tpu.vector_load %arg12[%swap3A_388, %swap3A_389, %swap3A_390] {strides = array<i32>} : memref<4x16x128xf32, #tpu.memory_space<vmem>>, vector<16xf32>,
              tpu.vector_store %arg12[%swap3A_388, %swap3A_389, %swap3A_390], %gather3A_378 {strides = array<i32>} : memref<4x16x128xf32, #tpu.memory_space<vmem>>, vector<16xf32>,
              %swap3A_392 = arith.constant 4 : i32
              %swap3A_393 = arith.index_cast %and3A_255 : i32 to index
              %swap3A_394 = arith.index_cast %swap3A_392 : i32 to index
              %swap3A_395 = arith.constant 16 : index
              %swap3A_396 = tpu.vector_load %arg12[%swap3A_393, %swap3A_394, %swap3A_395] {strides = array<i32>} : memref<4x16x128xf32, #tpu.memory_space<vmem>>, vector<16xf32>,
              tpu.vector_store %arg12[%swap3A_393, %swap3A_394, %swap3A_395], %gather3A_386 {strides = array<i32>} : memref<4x16x128xf32, #tpu.memory_space<vmem>>, vector<16xf32>,
              %slice3A_397 = vector.extract_strided_slice %and3A_238 {offsets = [5], sizes = [1], strides = [1]} : vector<16xi32> to vector<1xi32>
              %squeeze3A_398 = vector.extract %slice3A_397[0] : i32 from vector<1xi32>
              %broadcast_in_dim3A_399 = vector.broadcast %squeeze3A_398 : i32 to vector<16xi32>
              %gather3A_400 = arith.constant 0 : i32
              %gather3A_401 = arith.constant 0 : i32
              %gather3A_402 = tpu.memref_slice %arg9[%and3A_147, %gather3A_400, %gather3A_401] : memref<2x32x1536xf32, #tpu.memory_space<vmem>> -> memref<1x32x1536xf32, #tpu.memory_space<vmem>>
              %gather3A_403 = tpu.memref_squeeze %gather3A_402 : memref<1x32x1536xf32, #tpu.memory_space<vmem>> -> memref<32x1536xf32, #tpu.memory_space<vmem>>
              %gather3A_404 = tpu.vector_load_idx %gather3A_403[%iota3A, %broadcast_in_dim3A_399] : memref<32x1536xf32, #tpu.memory_space<vmem>>[vector<16xi32>, vector<16xi32>], vector<16xf32>,
              %add3A_405 = arith.constant 16 : i32
              %add3A_406 = vector.broadcast %add3A_405 : i32 to vector<16xi32>
              %add3A_407 = arith.addi %iota3A, %add3A_406 : vector<16xi32>
              %gather3A_408 = arith.constant 0 : i32
              %gather3A_409 = arith.constant 0 : i32
              %gather3A_410 = tpu.memref_slice %arg9[%and3A_147, %gather3A_408, %gather3A_409] : memref<2x32x1536xf32, #tpu.memory_space<vmem>> -> memref<1x32x1536xf32, #tpu.memory_space<vmem>>
              %gather3A_411 = tpu.memref_squeeze %gather3A_410 : memref<1x32x1536xf32, #tpu.memory_space<vmem>> -> memref<32x1536xf32, #tpu.memory_space<vmem>>
              %gather3A_412 = tpu.vector_load_idx %gather3A_411[%add3A_407, %broadcast_in_dim3A_399] : memref<32x1536xf32, #tpu.memory_space<vmem>>[vector<16xi32>, vector<16xi32>], vector<16xf32>,
              %swap3A_413 = arith.constant 5 : i32
              %swap3A_414 = arith.index_cast %and3A_255 : i32 to index
              %swap3A_415 = arith.index_cast %swap3A_413 : i32 to index
              %swap3A_416 = arith.constant 0 : index
              %swap3A_417 = tpu.vector_load %arg12[%swap3A_414, %swap3A_415, %swap3A_416] {strides = array<i32>} : memref<4x16x128xf32, #tpu.memory_space<vmem>>, vector<16xf32>,
              tpu.vector_store %arg12[%swap3A_414, %swap3A_415, %swap3A_416], %gather3A_404 {strides = array<i32>} : memref<4x16x128xf32, #tpu.memory_space<vmem>>, vector<16xf32>,
              %swap3A_418 = arith.constant 5 : i32
              %swap3A_419 = arith.index_cast %and3A_255 : i32 to index
              %swap3A_420 = arith.index_cast %swap3A_418 : i32 to index
              %swap3A_421 = arith.constant 16 : index
              %swap3A_422 = tpu.vector_load %arg12[%swap3A_419, %swap3A_420, %swap3A_421] {strides = array<i32>} : memref<4x16x128xf32, #tpu.memory_space<vmem>>, vector<16xf32>,
              tpu.vector_store %arg12[%swap3A_419, %swap3A_420, %swap3A_421], %gather3A_412 {strides = array<i32>} : memref<4x16x128xf32, #tpu.memory_space<vmem>>, vector<16xf32>,
              %slice3A_423 = vector.extract_strided_slice %and3A_238 {offsets = [6], sizes = [1], strides = [1]} : vector<16xi32> to vector<1xi32>
              %squeeze3A_424 = vector.extract %slice3A_423[0] : i32 from vector<1xi32>
              %broadcast_in_dim3A_425 = vector.broadcast %squeeze3A_424 : i32 to vector<16xi32>
              %gather3A_426 = arith.constant 0 : i32
              %gather3A_427 = arith.constant 0 : i32
              %gather3A_428 = tpu.memref_slice %arg9[%and3A_147, %gather3A_426, %gather3A_427] : memref<2x32x1536xf32, #tpu.memory_space<vmem>> -> memref<1x32x1536xf32, #tpu.memory_space<vmem>>
              %gather3A_429 = tpu.memref_squeeze %gather3A_428 : memref<1x32x1536xf32, #tpu.memory_space<vmem>> -> memref<32x1536xf32, #tpu.memory_space<vmem>>
              %gather3A_430 = tpu.vector_load_idx %gather3A_429[%iota3A, %broadcast_in_dim3A_425] : memref<32x1536xf32, #tpu.memory_space<vmem>>[vector<16xi32>, vector<16xi32>], vector<16xf32>,
              %add3A_431 = arith.constant 16 : i32
              %add3A_432 = vector.broadcast %add3A_431 : i32 to vector<16xi32>
              %add3A_433 = arith.addi %iota3A, %add3A_432 : vector<16xi32>
              %gather3A_434 = arith.constant 0 : i32
              %gather3A_435 = arith.constant 0 : i32
              %gather3A_436 = tpu.memref_slice %arg9[%and3A_147, %gather3A_434, %gather3A_435] : memref<2x32x1536xf32, #tpu.memory_space<vmem>> -> memref<1x32x1536xf32, #tpu.memory_space<vmem>>
              %gather3A_437 = tpu.memref_squeeze %gather3A_436 : memref<1x32x1536xf32, #tpu.memory_space<vmem>> -> memref<32x1536xf32, #tpu.memory_space<vmem>>
              %gather3A_438 = tpu.vector_load_idx %gather3A_437[%add3A_433, %broadcast_in_dim3A_425] : memref<32x1536xf32, #tpu.memory_space<vmem>>[vector<16xi32>, vector<16xi32>], vector<16xf32>,
              %swap3A_439 = arith.constant 6 : i32
              %swap3A_440 = arith.index_cast %and3A_255 : i32 to index
              %swap3A_441 = arith.index_cast %swap3A_439 : i32 to index
              %swap3A_442 = arith.constant 0 : index
              %swap3A_443 = tpu.vector_load %arg12[%swap3A_440, %swap3A_441, %swap3A_442] {strides = array<i32>} : memref<4x16x128xf32, #tpu.memory_space<vmem>>, vector<16xf32>,
              tpu.vector_store %arg12[%swap3A_440, %swap3A_441, %swap3A_442], %gather3A_430 {strides = array<i32>} : memref<4x16x128xf32, #tpu.memory_space<vmem>>, vector<16xf32>,
              %swap3A_444 = arith.constant 6 : i32
              %swap3A_445 = arith.index_cast %and3A_255 : i32 to index
              %swap3A_446 = arith.index_cast %swap3A_444 : i32 to index
              %swap3A_447 = arith.constant 16 : index
              %swap3A_448 = tpu.vector_load %arg12[%swap3A_445, %swap3A_446, %swap3A_447] {strides = array<i32>} : memref<4x16x128xf32, #tpu.memory_space<vmem>>, vector<16xf32>,
              tpu.vector_store %arg12[%swap3A_445, %swap3A_446, %swap3A_447], %gather3A_438 {strides = array<i32>} : memref<4x16x128xf32, #tpu.memory_space<vmem>>, vector<16xf32>,
              %slice3A_449 = vector.extract_strided_slice %and3A_238 {offsets = [7], sizes = [1], strides = [1]} : vector<16xi32> to vector<1xi32>
              %squeeze3A_450 = vector.extract %slice3A_449[0] : i32 from vector<1xi32>
              %broadcast_in_dim3A_451 = vector.broadcast %squeeze3A_450 : i32 to vector<16xi32>
              %gather3A_452 = arith.constant 0 : i32
              %gather3A_453 = arith.constant 0 : i32
              %gather3A_454 = tpu.memref_slice %arg9[%and3A_147, %gather3A_452, %gather3A_453] : memref<2x32x1536xf32, #tpu.memory_space<vmem>> -> memref<1x32x1536xf32, #tpu.memory_space<vmem>>
              %gather3A_455 = tpu.memref_squeeze %gather3A_454 : memref<1x32x1536xf32, #tpu.memory_space<vmem>> -> memref<32x1536xf32, #tpu.memory_space<vmem>>
              %gather3A_456 = tpu.vector_load_idx %gather3A_455[%iota3A, %broadcast_in_dim3A_451] : memref<32x1536xf32, #tpu.memory_space<vmem>>[vector<16xi32>, vector<16xi32>], vector<16xf32>,
              %add3A_457 = arith.constant 16 : i32
              %add3A_458 = vector.broadcast %add3A_457 : i32 to vector<16xi32>
              %add3A_459 = arith.addi %iota3A, %add3A_458 : vector<16xi32>
              %gather3A_460 = arith.constant 0 : i32
              %gather3A_461 = arith.constant 0 : i32
              %gather3A_462 = tpu.memref_slice %arg9[%and3A_147, %gather3A_460, %gather3A_461] : memref<2x32x1536xf32, #tpu.memory_space<vmem>> -> memref<1x32x1536xf32, #tpu.memory_space<vmem>>
              %gather3A_463 = tpu.memref_squeeze %gather3A_462 : memref<1x32x1536xf32, #tpu.memory_space<vmem>> -> memref<32x1536xf32, #tpu.memory_space<vmem>>
              %gather3A_464 = tpu.vector_load_idx %gather3A_463[%add3A_459, %broadcast_in_dim3A_451] : memref<32x1536xf32, #tpu.memory_space<vmem>>[vector<16xi32>, vector<16xi32>], vector<16xf32>,
              %swap3A_465 = arith.constant 7 : i32
              %swap3A_466 = arith.index_cast %and3A_255 : i32 to index
              %swap3A_467 = arith.index_cast %swap3A_465 : i32 to index
              %swap3A_468 = arith.constant 0 : index
              %swap3A_469 = tpu.vector_load %arg12[%swap3A_466, %swap3A_467, %swap3A_468] {strides = array<i32>} : memref<4x16x128xf32, #tpu.memory_space<vmem>>, vector<16xf32>,
              tpu.vector_store %arg12[%swap3A_466, %swap3A_467, %swap3A_468], %gather3A_456 {strides = array<i32>} : memref<4x16x128xf32, #tpu.memory_space<vmem>>, vector<16xf32>,
              %swap3A_470 = arith.constant 7 : i32
              %swap3A_471 = arith.index_cast %and3A_255 : i32 to index
              %swap3A_472 = arith.index_cast %swap3A_470 : i32 to index
              %swap3A_473 = arith.constant 16 : index
              %swap3A_474 = tpu.vector_load %arg12[%swap3A_471, %swap3A_472, %swap3A_473] {strides = array<i32>} : memref<4x16x128xf32, #tpu.memory_space<vmem>>, vector<16xf32>,
              tpu.vector_store %arg12[%swap3A_471, %swap3A_472, %swap3A_473], %gather3A_464 {strides = array<i32>} : memref<4x16x128xf32, #tpu.memory_space<vmem>>, vector<16xf32>,
              %slice3A_475 = vector.extract_strided_slice %and3A_238 {offsets = [8], sizes = [1], strides = [1]} : vector<16xi32> to vector<1xi32>
              %squeeze3A_476 = vector.extract %slice3A_475[0] : i32 from vector<1xi32>
              %broadcast_in_dim3A_477 = vector.broadcast %squeeze3A_476 : i32 to vector<16xi32>
              %gather3A_478 = arith.constant 0 : i32
              %gather3A_479 = arith.constant 0 : i32
              %gather3A_480 = tpu.memref_slice %arg9[%and3A_147, %gather3A_478, %gather3A_479] : memref<2x32x1536xf32, #tpu.memory_space<vmem>> -> memref<1x32x1536xf32, #tpu.memory_space<vmem>>
              %gather3A_481 = tpu.memref_squeeze %gather3A_480 : memref<1x32x1536xf32, #tpu.memory_space<vmem>> -> memref<32x1536xf32, #tpu.memory_space<vmem>>
              %gather3A_482 = tpu.vector_load_idx %gather3A_481[%iota3A, %broadcast_in_dim3A_477] : memref<32x1536xf32, #tpu.memory_space<vmem>>[vector<16xi32>, vector<16xi32>], vector<16xf32>,
              %add3A_483 = arith.constant 16 : i32
              %add3A_484 = vector.broadcast %add3A_483 : i32 to vector<16xi32>
              %add3A_485 = arith.addi %iota3A, %add3A_484 : vector<16xi32>
              %gather3A_486 = arith.constant 0 : i32
              %gather3A_487 = arith.constant 0 : i32
              %gather3A_488 = tpu.memref_slice %arg9[%and3A_147, %gather3A_486, %gather3A_487] : memref<2x32x1536xf32, #tpu.memory_space<vmem>> -> memref<1x32x1536xf32, #tpu.memory_space<vmem>>
              %gather3A_489 = tpu.memref_squeeze %gather3A_488 : memref<1x32x1536xf32, #tpu.memory_space<vmem>> -> memref<32x1536xf32, #tpu.memory_space<vmem>>
              %gather3A_490 = tpu.vector_load_idx %gather3A_489[%add3A_485, %broadcast_in_dim3A_477] : memref<32x1536xf32, #tpu.memory_space<vmem>>[vector<16xi32>, vector<16xi32>], vector<16xf32>,
              %swap3A_491 = arith.constant 8 : i32
              %swap3A_492 = arith.index_cast %and3A_255 : i32 to index
              %swap3A_493 = arith.index_cast %swap3A_491 : i32 to index
              %swap3A_494 = arith.constant 0 : index
              %swap3A_495 = tpu.vector_load %arg12[%swap3A_492, %swap3A_493, %swap3A_494] {strides = array<i32>} : memref<4x16x128xf32, #tpu.memory_space<vmem>>, vector<16xf32>,
              tpu.vector_store %arg12[%swap3A_492, %swap3A_493, %swap3A_494], %gather3A_482 {strides = array<i32>} : memref<4x16x128xf32, #tpu.memory_space<vmem>>, vector<16xf32>,
              %swap3A_496 = arith.constant 8 : i32
              %swap3A_497 = arith.index_cast %and3A_255 : i32 to index
              %swap3A_498 = arith.index_cast %swap3A_496 : i32 to index
              %swap3A_499 = arith.constant 16 : index
              %swap3A_500 = tpu.vector_load %arg12[%swap3A_497, %swap3A_498, %swap3A_499] {strides = array<i32>} : memref<4x16x128xf32, #tpu.memory_space<vmem>>, vector<16xf32>,
              tpu.vector_store %arg12[%swap3A_497, %swap3A_498, %swap3A_499], %gather3A_490 {strides = array<i32>} : memref<4x16x128xf32, #tpu.memory_space<vmem>>, vector<16xf32>,
              %slice3A_501 = vector.extract_strided_slice %and3A_238 {offsets = [9], sizes = [1], strides = [1]} : vector<16xi32> to vector<1xi32>
              %squeeze3A_502 = vector.extract %slice3A_501[0] : i32 from vector<1xi32>
              %broadcast_in_dim3A_503 = vector.broadcast %squeeze3A_502 : i32 to vector<16xi32>
              %gather3A_504 = arith.constant 0 : i32
              %gather3A_505 = arith.constant 0 : i32
              %gather3A_506 = tpu.memref_slice %arg9[%and3A_147, %gather3A_504, %gather3A_505] : memref<2x32x1536xf32, #tpu.memory_space<vmem>> -> memref<1x32x1536xf32, #tpu.memory_space<vmem>>
              %gather3A_507 = tpu.memref_squeeze %gather3A_506 : memref<1x32x1536xf32, #tpu.memory_space<vmem>> -> memref<32x1536xf32, #tpu.memory_space<vmem>>
              %gather3A_508 = tpu.vector_load_idx %gather3A_507[%iota3A, %broadcast_in_dim3A_503] : memref<32x1536xf32, #tpu.memory_space<vmem>>[vector<16xi32>, vector<16xi32>], vector<16xf32>,
              %add3A_509 = arith.constant 16 : i32
              %add3A_510 = vector.broadcast %add3A_509 : i32 to vector<16xi32>
              %add3A_511 = arith.addi %iota3A, %add3A_510 : vector<16xi32>
              %gather3A_512 = arith.constant 0 : i32
              %gather3A_513 = arith.constant 0 : i32
              %gather3A_514 = tpu.memref_slice %arg9[%and3A_147, %gather3A_512, %gather3A_513] : memref<2x32x1536xf32, #tpu.memory_space<vmem>> -> memref<1x32x1536xf32, #tpu.memory_space<vmem>>
              %gather3A_515 = tpu.memref_squeeze %gather3A_514 : memref<1x32x1536xf32, #tpu.memory_space<vmem>> -> memref<32x1536xf32, #tpu.memory_space<vmem>>
              %gather3A_516 = tpu.vector_load_idx %gather3A_515[%add3A_511, %broadcast_in_dim3A_503] : memref<32x1536xf32, #tpu.memory_space<vmem>>[vector<16xi32>, vector<16xi32>], vector<16xf32>,
              %swap3A_517 = arith.constant 9 : i32
              %swap3A_518 = arith.index_cast %and3A_255 : i32 to index
              %swap3A_519 = arith.index_cast %swap3A_517 : i32 to index
              %swap3A_520 = arith.constant 0 : index
              %swap3A_521 = tpu.vector_load %arg12[%swap3A_518, %swap3A_519, %swap3A_520] {strides = array<i32>} : memref<4x16x128xf32, #tpu.memory_space<vmem>>, vector<16xf32>,
              tpu.vector_store %arg12[%swap3A_518, %swap3A_519, %swap3A_520], %gather3A_508 {strides = array<i32>} : memref<4x16x128xf32, #tpu.memory_space<vmem>>, vector<16xf32>,
              %swap3A_522 = arith.constant 9 : i32
              %swap3A_523 = arith.index_cast %and3A_255 : i32 to index
              %swap3A_524 = arith.index_cast %swap3A_522 : i32 to index
              %swap3A_525 = arith.constant 16 : index
              %swap3A_526 = tpu.vector_load %arg12[%swap3A_523, %swap3A_524, %swap3A_525] {strides = array<i32>} : memref<4x16x128xf32, #tpu.memory_space<vmem>>, vector<16xf32>,
              tpu.vector_store %arg12[%swap3A_523, %swap3A_524, %swap3A_525], %gather3A_516 {strides = array<i32>} : memref<4x16x128xf32, #tpu.memory_space<vmem>>, vector<16xf32>,
              %slice3A_527 = vector.extract_strided_slice %and3A_238 {offsets = [10], sizes = [1], strides = [1]} : vector<16xi32> to vector<1xi32>
              %squeeze3A_528 = vector.extract %slice3A_527[0] : i32 from vector<1xi32>
              %broadcast_in_dim3A_529 = vector.broadcast %squeeze3A_528 : i32 to vector<16xi32>
              %gather3A_530 = arith.constant 0 : i32
              %gather3A_531 = arith.constant 0 : i32
              %gather3A_532 = tpu.memref_slice %arg9[%and3A_147, %gather3A_530, %gather3A_531] : memref<2x32x1536xf32, #tpu.memory_space<vmem>> -> memref<1x32x1536xf32, #tpu.memory_space<vmem>>
              %gather3A_533 = tpu.memref_squeeze %gather3A_532 : memref<1x32x1536xf32, #tpu.memory_space<vmem>> -> memref<32x1536xf32, #tpu.memory_space<vmem>>
              %gather3A_534 = tpu.vector_load_idx %gather3A_533[%iota3A, %broadcast_in_dim3A_529] : memref<32x1536xf32, #tpu.memory_space<vmem>>[vector<16xi32>, vector<16xi32>], vector<16xf32>,
              %add3A_535 = arith.constant 16 : i32
              %add3A_536 = vector.broadcast %add3A_535 : i32 to vector<16xi32>
              %add3A_537 = arith.addi %iota3A, %add3A_536 : vector<16xi32>
              %gather3A_538 = arith.constant 0 : i32
              %gather3A_539 = arith.constant 0 : i32
              %gather3A_540 = tpu.memref_slice %arg9[%and3A_147, %gather3A_538, %gather3A_539] : memref<2x32x1536xf32, #tpu.memory_space<vmem>> -> memref<1x32x1536xf32, #tpu.memory_space<vmem>>
              %gather3A_541 = tpu.memref_squeeze %gather3A_540 : memref<1x32x1536xf32, #tpu.memory_space<vmem>> -> memref<32x1536xf32, #tpu.memory_space<vmem>>
              %gather3A_542 = tpu.vector_load_idx %gather3A_541[%add3A_537, %broadcast_in_dim3A_529] : memref<32x1536xf32, #tpu.memory_space<vmem>>[vector<16xi32>, vector<16xi32>], vector<16xf32>,
              %swap3A_543 = arith.constant 10 : i32
              %swap3A_544 = arith.index_cast %and3A_255 : i32 to index
              %swap3A_545 = arith.index_cast %swap3A_543 : i32 to index
              %swap3A_546 = arith.constant 0 : index
              %swap3A_547 = tpu.vector_load %arg12[%swap3A_544, %swap3A_545, %swap3A_546] {strides = array<i32>} : memref<4x16x128xf32, #tpu.memory_space<vmem>>, vector<16xf32>,
              tpu.vector_store %arg12[%swap3A_544, %swap3A_545, %swap3A_546], %gather3A_534 {strides = array<i32>} : memref<4x16x128xf32, #tpu.memory_space<vmem>>, vector<16xf32>,
              %swap3A_548 = arith.constant 10 : i32
              %swap3A_549 = arith.index_cast %and3A_255 : i32 to index
              %swap3A_550 = arith.index_cast %swap3A_548 : i32 to index
              %swap3A_551 = arith.constant 16 : index
              %swap3A_552 = tpu.vector_load %arg12[%swap3A_549, %swap3A_550, %swap3A_551] {strides = array<i32>} : memref<4x16x128xf32, #tpu.memory_space<vmem>>, vector<16xf32>,
              tpu.vector_store %arg12[%swap3A_549, %swap3A_550, %swap3A_551], %gather3A_542 {strides = array<i32>} : memref<4x16x128xf32, #tpu.memory_space<vmem>>, vector<16xf32>,
              %slice3A_553 = vector.extract_strided_slice %and3A_238 {offsets = [11], sizes = [1], strides = [1]} : vector<16xi32> to vector<1xi32>
              %squeeze3A_554 = vector.extract %slice3A_553[0] : i32 from vector<1xi32>
              %broadcast_in_dim3A_555 = vector.broadcast %squeeze3A_554 : i32 to vector<16xi32>
              %gather3A_556 = arith.constant 0 : i32
              %gather3A_557 = arith.constant 0 : i32
              %gather3A_558 = tpu.memref_slice %arg9[%and3A_147, %gather3A_556, %gather3A_557] : memref<2x32x1536xf32, #tpu.memory_space<vmem>> -> memref<1x32x1536xf32, #tpu.memory_space<vmem>>
              %gather3A_559 = tpu.memref_squeeze %gather3A_558 : memref<1x32x1536xf32, #tpu.memory_space<vmem>> -> memref<32x1536xf32, #tpu.memory_space<vmem>>
              %gather3A_560 = tpu.vector_load_idx %gather3A_559[%iota3A, %broadcast_in_dim3A_555] : memref<32x1536xf32, #tpu.memory_space<vmem>>[vector<16xi32>, vector<16xi32>], vector<16xf32>,
              %add3A_561 = arith.constant 16 : i32
              %add3A_562 = vector.broadcast %add3A_561 : i32 to vector<16xi32>
              %add3A_563 = arith.addi %iota3A, %add3A_562 : vector<16xi32>
              %gather3A_564 = arith.constant 0 : i32
              %gather3A_565 = arith.constant 0 : i32
              %gather3A_566 = tpu.memref_slice %arg9[%and3A_147, %gather3A_564, %gather3A_565] : memref<2x32x1536xf32, #tpu.memory_space<vmem>> -> memref<1x32x1536xf32, #tpu.memory_space<vmem>>
              %gather3A_567 = tpu.memref_squeeze %gather3A_566 : memref<1x32x1536xf32, #tpu.memory_space<vmem>> -> memref<32x1536xf32, #tpu.memory_space<vmem>>
              %gather3A_568 = tpu.vector_load_idx %gather3A_567[%add3A_563, %broadcast_in_dim3A_555] : memref<32x1536xf32, #tpu.memory_space<vmem>>[vector<16xi32>, vector<16xi32>], vector<16xf32>,
              %swap3A_569 = arith.constant 11 : i32
              %swap3A_570 = arith.index_cast %and3A_255 : i32 to index
              %swap3A_571 = arith.index_cast %swap3A_569 : i32 to index
              %swap3A_572 = arith.constant 0 : index
              %swap3A_573 = tpu.vector_load %arg12[%swap3A_570, %swap3A_571, %swap3A_572] {strides = array<i32>} : memref<4x16x128xf32, #tpu.memory_space<vmem>>, vector<16xf32>,
              tpu.vector_store %arg12[%swap3A_570, %swap3A_571, %swap3A_572], %gather3A_560 {strides = array<i32>} : memref<4x16x128xf32, #tpu.memory_space<vmem>>, vector<16xf32>,
              %swap3A_574 = arith.constant 11 : i32
              %swap3A_575 = arith.index_cast %and3A_255 : i32 to index
              %swap3A_576 = arith.index_cast %swap3A_574 : i32 to index
              %swap3A_577 = arith.constant 16 : index
              %swap3A_578 = tpu.vector_load %arg12[%swap3A_575, %swap3A_576, %swap3A_577] {strides = array<i32>} : memref<4x16x128xf32, #tpu.memory_space<vmem>>, vector<16xf32>,
              tpu.vector_store %arg12[%swap3A_575, %swap3A_576, %swap3A_577], %gather3A_568 {strides = array<i32>} : memref<4x16x128xf32, #tpu.memory_space<vmem>>, vector<16xf32>,
              %slice3A_579 = vector.extract_strided_slice %and3A_238 {offsets = [12], sizes = [1], strides = [1]} : vector<16xi32> to vector<1xi32>
              %squeeze3A_580 = vector.extract %slice3A_579[0] : i32 from vector<1xi32>
              %broadcast_in_dim3A_581 = vector.broadcast %squeeze3A_580 : i32 to vector<16xi32>
              %gather3A_582 = arith.constant 0 : i32
              %gather3A_583 = arith.constant 0 : i32
              %gather3A_584 = tpu.memref_slice %arg9[%and3A_147, %gather3A_582, %gather3A_583] : memref<2x32x1536xf32, #tpu.memory_space<vmem>> -> memref<1x32x1536xf32, #tpu.memory_space<vmem>>
              %gather3A_585 = tpu.memref_squeeze %gather3A_584 : memref<1x32x1536xf32, #tpu.memory_space<vmem>> -> memref<32x1536xf32, #tpu.memory_space<vmem>>
              %gather3A_586 = tpu.vector_load_idx %gather3A_585[%iota3A, %broadcast_in_dim3A_581] : memref<32x1536xf32, #tpu.memory_space<vmem>>[vector<16xi32>, vector<16xi32>], vector<16xf32>,
              %add3A_587 = arith.constant 16 : i32
              %add3A_588 = vector.broadcast %add3A_587 : i32 to vector<16xi32>
              %add3A_589 = arith.addi %iota3A, %add3A_588 : vector<16xi32>
              %gather3A_590 = arith.constant 0 : i32
              %gather3A_591 = arith.constant 0 : i32
              %gather3A_592 = tpu.memref_slice %arg9[%and3A_147, %gather3A_590, %gather3A_591] : memref<2x32x1536xf32, #tpu.memory_space<vmem>> -> memref<1x32x1536xf32, #tpu.memory_space<vmem>>
              %gather3A_593 = tpu.memref_squeeze %gather3A_592 : memref<1x32x1536xf32, #tpu.memory_space<vmem>> -> memref<32x1536xf32, #tpu.memory_space<vmem>>
              %gather3A_594 = tpu.vector_load_idx %gather3A_593[%add3A_589, %broadcast_in_dim3A_581] : memref<32x1536xf32, #tpu.memory_space<vmem>>[vector<16xi32>, vector<16xi32>], vector<16xf32>,
              %swap3A_595 = arith.constant 12 : i32
              %swap3A_596 = arith.index_cast %and3A_255 : i32 to index
              %swap3A_597 = arith.index_cast %swap3A_595 : i32 to index
              %swap3A_598 = arith.constant 0 : index
              %swap3A_599 = tpu.vector_load %arg12[%swap3A_596, %swap3A_597, %swap3A_598] {strides = array<i32>} : memref<4x16x128xf32, #tpu.memory_space<vmem>>, vector<16xf32>,
              tpu.vector_store %arg12[%swap3A_596, %swap3A_597, %swap3A_598], %gather3A_586 {strides = array<i32>} : memref<4x16x128xf32, #tpu.memory_space<vmem>>, vector<16xf32>,
              %swap3A_600 = arith.constant 12 : i32
              %swap3A_601 = arith.index_cast %and3A_255 : i32 to index
              %swap3A_602 = arith.index_cast %swap3A_600 : i32 to index
              %swap3A_603 = arith.constant 16 : index
              %swap3A_604 = tpu.vector_load %arg12[%swap3A_601, %swap3A_602, %swap3A_603] {strides = array<i32>} : memref<4x16x128xf32, #tpu.memory_space<vmem>>, vector<16xf32>,
              tpu.vector_store %arg12[%swap3A_601, %swap3A_602, %swap3A_603], %gather3A_594 {strides = array<i32>} : memref<4x16x128xf32, #tpu.memory_space<vmem>>, vector<16xf32>,
              %slice3A_605 = vector.extract_strided_slice %and3A_238 {offsets = [13], sizes = [1], strides = [1]} : vector<16xi32> to vector<1xi32>
              %squeeze3A_606 = vector.extract %slice3A_605[0] : i32 from vector<1xi32>
              %broadcast_in_dim3A_607 = vector.broadcast %squeeze3A_606 : i32 to vector<16xi32>
              %gather3A_608 = arith.constant 0 : i32
              %gather3A_609 = arith.constant 0 : i32
              %gather3A_610 = tpu.memref_slice %arg9[%and3A_147, %gather3A_608, %gather3A_609] : memref<2x32x1536xf32, #tpu.memory_space<vmem>> -> memref<1x32x1536xf32, #tpu.memory_space<vmem>>
              %gather3A_611 = tpu.memref_squeeze %gather3A_610 : memref<1x32x1536xf32, #tpu.memory_space<vmem>> -> memref<32x1536xf32, #tpu.memory_space<vmem>>
              %gather3A_612 = tpu.vector_load_idx %gather3A_611[%iota3A, %broadcast_in_dim3A_607] : memref<32x1536xf32, #tpu.memory_space<vmem>>[vector<16xi32>, vector<16xi32>], vector<16xf32>,
              %add3A_613 = arith.constant 16 : i32
              %add3A_614 = vector.broadcast %add3A_613 : i32 to vector<16xi32>
              %add3A_615 = arith.addi %iota3A, %add3A_614 : vector<16xi32>
              %gather3A_616 = arith.constant 0 : i32
              %gather3A_617 = arith.constant 0 : i32
              %gather3A_618 = tpu.memref_slice %arg9[%and3A_147, %gather3A_616, %gather3A_617] : memref<2x32x1536xf32, #tpu.memory_space<vmem>> -> memref<1x32x1536xf32, #tpu.memory_space<vmem>>
              %gather3A_619 = tpu.memref_squeeze %gather3A_618 : memref<1x32x1536xf32, #tpu.memory_space<vmem>> -> memref<32x1536xf32, #tpu.memory_space<vmem>>
              %gather3A_620 = tpu.vector_load_idx %gather3A_619[%add3A_615, %broadcast_in_dim3A_607] : memref<32x1536xf32, #tpu.memory_space<vmem>>[vector<16xi32>, vector<16xi32>], vector<16xf32>,
              %swap3A_621 = arith.constant 13 : i32
              %swap3A_622 = arith.index_cast %and3A_255 : i32 to index
              %swap3A_623 = arith.index_cast %swap3A_621 : i32 to index
              %swap3A_624 = arith.constant 0 : index
              %swap3A_625 = tpu.vector_load %arg12[%swap3A_622, %swap3A_623, %swap3A_624] {strides = array<i32>} : memref<4x16x128xf32, #tpu.memory_space<vmem>>, vector<16xf32>,
              tpu.vector_store %arg12[%swap3A_622, %swap3A_623, %swap3A_624], %gather3A_612 {strides = array<i32>} : memref<4x16x128xf32, #tpu.memory_space<vmem>>, vector<16xf32>,
              %swap3A_626 = arith.constant 13 : i32
              %swap3A_627 = arith.index_cast %and3A_255 : i32 to index
              %swap3A_628 = arith.index_cast %swap3A_626 : i32 to index
              %swap3A_629 = arith.constant 16 : index
              %swap3A_630 = tpu.vector_load %arg12[%swap3A_627, %swap3A_628, %swap3A_629] {strides = array<i32>} : memref<4x16x128xf32, #tpu.memory_space<vmem>>, vector<16xf32>,
              tpu.vector_store %arg12[%swap3A_627, %swap3A_628, %swap3A_629], %gather3A_620 {strides = array<i32>} : memref<4x16x128xf32, #tpu.memory_space<vmem>>, vector<16xf32>,
              %slice3A_631 = vector.extract_strided_slice %and3A_238 {offsets = [14], sizes = [1], strides = [1]} : vector<16xi32> to vector<1xi32>
              %squeeze3A_632 = vector.extract %slice3A_631[0] : i32 from vector<1xi32>
              %broadcast_in_dim3A_633 = vector.broadcast %squeeze3A_632 : i32 to vector<16xi32>
              %gather3A_634 = arith.constant 0 : i32
              %gather3A_635 = arith.constant 0 : i32
              %gather3A_636 = tpu.memref_slice %arg9[%and3A_147, %gather3A_634, %gather3A_635] : memref<2x32x1536xf32, #tpu.memory_space<vmem>> -> memref<1x32x1536xf32, #tpu.memory_space<vmem>>
              %gather3A_637 = tpu.memref_squeeze %gather3A_636 : memref<1x32x1536xf32, #tpu.memory_space<vmem>> -> memref<32x1536xf32, #tpu.memory_space<vmem>>
              %gather3A_638 = tpu.vector_load_idx %gather3A_637[%iota3A, %broadcast_in_dim3A_633] : memref<32x1536xf32, #tpu.memory_space<vmem>>[vector<16xi32>, vector<16xi32>], vector<16xf32>,
              %add3A_639 = arith.constant 16 : i32
              %add3A_640 = vector.broadcast %add3A_639 : i32 to vector<16xi32>
              %add3A_641 = arith.addi %iota3A, %add3A_640 : vector<16xi32>
              %gather3A_642 = arith.constant 0 : i32
              %gather3A_643 = arith.constant 0 : i32
              %gather3A_644 = tpu.memref_slice %arg9[%and3A_147, %gather3A_642, %gather3A_643] : memref<2x32x1536xf32, #tpu.memory_space<vmem>> -> memref<1x32x1536xf32, #tpu.memory_space<vmem>>
              %gather3A_645 = tpu.memref_squeeze %gather3A_644 : memref<1x32x1536xf32, #tpu.memory_space<vmem>> -> memref<32x1536xf32, #tpu.memory_space<vmem>>
              %gather3A_646 = tpu.vector_load_idx %gather3A_645[%add3A_641, %broadcast_in_dim3A_633] : memref<32x1536xf32, #tpu.memory_space<vmem>>[vector<16xi32>, vector<16xi32>], vector<16xf32>,
              %swap3A_647 = arith.constant 14 : i32
              %swap3A_648 = arith.index_cast %and3A_255 : i32 to index
              %swap3A_649 = arith.index_cast %swap3A_647 : i32 to index
              %swap3A_650 = arith.constant 0 : index
              %swap3A_651 = tpu.vector_load %arg12[%swap3A_648, %swap3A_649, %swap3A_650] {strides = array<i32>} : memref<4x16x128xf32, #tpu.memory_space<vmem>>, vector<16xf32>,
              tpu.vector_store %arg12[%swap3A_648, %swap3A_649, %swap3A_650], %gather3A_638 {strides = array<i32>} : memref<4x16x128xf32, #tpu.memory_space<vmem>>, vector<16xf32>,
              %swap3A_652 = arith.constant 14 : i32
              %swap3A_653 = arith.index_cast %and3A_255 : i32 to index
              %swap3A_654 = arith.index_cast %swap3A_652 : i32 to index
              %swap3A_655 = arith.constant 16 : index
              %swap3A_656 = tpu.vector_load %arg12[%swap3A_653, %swap3A_654, %swap3A_655] {strides = array<i32>} : memref<4x16x128xf32, #tpu.memory_space<vmem>>, vector<16xf32>,
              tpu.vector_store %arg12[%swap3A_653, %swap3A_654, %swap3A_655], %gather3A_646 {strides = array<i32>} : memref<4x16x128xf32, #tpu.memory_space<vmem>>, vector<16xf32>,
              %slice3A_657 = vector.extract_strided_slice %and3A_238 {offsets = [15], sizes = [1], strides = [1]} : vector<16xi32> to vector<1xi32>
              %squeeze3A_658 = vector.extract %slice3A_657[0] : i32 from vector<1xi32>
              %broadcast_in_dim3A_659 = vector.broadcast %squeeze3A_658 : i32 to vector<16xi32>
              %gather3A_660 = arith.constant 0 : i32
              %gather3A_661 = arith.constant 0 : i32
              %gather3A_662 = tpu.memref_slice %arg9[%and3A_147, %gather3A_660, %gather3A_661] : memref<2x32x1536xf32, #tpu.memory_space<vmem>> -> memref<1x32x1536xf32, #tpu.memory_space<vmem>>
              %gather3A_663 = tpu.memref_squeeze %gather3A_662 : memref<1x32x1536xf32, #tpu.memory_space<vmem>> -> memref<32x1536xf32, #tpu.memory_space<vmem>>
              %gather3A_664 = tpu.vector_load_idx %gather3A_663[%iota3A, %broadcast_in_dim3A_659] : memref<32x1536xf32, #tpu.memory_space<vmem>>[vector<16xi32>, vector<16xi32>], vector<16xf32>,
              %add3A_665 = arith.constant 16 : i32
              %add3A_666 = vector.broadcast %add3A_665 : i32 to vector<16xi32>
              %add3A_667 = arith.addi %iota3A, %add3A_666 : vector<16xi32>
              %gather3A_668 = arith.constant 0 : i32
              %gather3A_669 = arith.constant 0 : i32
              %gather3A_670 = tpu.memref_slice %arg9[%and3A_147, %gather3A_668, %gather3A_669] : memref<2x32x1536xf32, #tpu.memory_space<vmem>> -> memref<1x32x1536xf32, #tpu.memory_space<vmem>>
              %gather3A_671 = tpu.memref_squeeze %gather3A_670 : memref<1x32x1536xf32, #tpu.memory_space<vmem>> -> memref<32x1536xf32, #tpu.memory_space<vmem>>
              %gather3A_672 = tpu.vector_load_idx %gather3A_671[%add3A_667, %broadcast_in_dim3A_659] : memref<32x1536xf32, #tpu.memory_space<vmem>>[vector<16xi32>, vector<16xi32>], vector<16xf32>,
              %swap3A_673 = arith.constant 15 : i32
              %swap3A_674 = arith.index_cast %and3A_255 : i32 to index
              %swap3A_675 = arith.index_cast %swap3A_673 : i32 to index
              %swap3A_676 = arith.constant 0 : index
              %swap3A_677 = tpu.vector_load %arg12[%swap3A_674, %swap3A_675, %swap3A_676] {strides = array<i32>} : memref<4x16x128xf32, #tpu.memory_space<vmem>>, vector<16xf32>,
              tpu.vector_store %arg12[%swap3A_674, %swap3A_675, %swap3A_676], %gather3A_664 {strides = array<i32>} : memref<4x16x128xf32, #tpu.memory_space<vmem>>, vector<16xf32>,
              %swap3A_678 = arith.constant 15 : i32
              %swap3A_679 = arith.index_cast %and3A_255 : i32 to index
              %swap3A_680 = arith.index_cast %swap3A_678 : i32 to index
              %swap3A_681 = arith.constant 16 : index
              %swap3A_682 = tpu.vector_load %arg12[%swap3A_679, %swap3A_680, %swap3A_681] {strides = array<i32>} : memref<4x16x128xf32, #tpu.memory_space<vmem>>, vector<16xf32>,
              tpu.vector_store %arg12[%swap3A_679, %swap3A_680, %swap3A_681], %gather3A_672 {strides = array<i32>} : memref<4x16x128xf32, #tpu.memory_space<vmem>>, vector<16xf32>,
              %dma_start3A_683 = arith.constant 0 : i32
              %dma_start3A_684 = arith.constant 0 : i32
              %dma_start3A_685 = tpu.memref_slice %arg12[%and3A_255, %dma_start3A_683, %dma_start3A_684] : memref<4x16x128xf32, #tpu.memory_space<vmem>> -> memref<1x16x128xf32, #tpu.memory_space<vmem>>
              %dma_start3A_686 = tpu.memref_squeeze %dma_start3A_685 : memref<1x16x128xf32, #tpu.memory_space<vmem>> -> memref<16x128xf32, #tpu.memory_space<vmem>>
              %dma_start3A_687 = arith.constant 0 : i32
              %dma_start3A_688 = tpu.memref_slice %arg13[%and3A_255, %dma_start3A_687] : memref<4x16xi32, #tpu.memory_space<vmem>> -> memref<1x16xi32, #tpu.memory_space<vmem>>
              %dma_start3A_689 = tpu.memref_squeeze %dma_start3A_688 : memref<1x16xi32, #tpu.memory_space<vmem>> -> memref<16xi32, #tpu.memory_space<vmem>>
              %dma_start3A_690 = arith.constant 0 : i32
              %dma_start3A_691 = arith.constant 0 : i32
              %dma_start3A_692 = tpu.memref_slice %arg5[%dma_start3A_690, %dma_start3A_691] : memref<106528x128xf32, #tpu.memory_space<hbm>> -> memref<106528x128xf32, #tpu.memory_space<hbm>>
              %dma_start3A_693 = tpu.memref_slice %arg16[%and3A_255] : memref<4x!tpu.dma_semaphore, #tpu.memory_space<semaphore_mem>> -> memref<1x!tpu.dma_semaphore, #tpu.memory_space<semaphore_mem>>
              %dma_start3A_694 = tpu.memref_squeeze %dma_start3A_693 : memref<1x!tpu.dma_semaphore, #tpu.memory_space<semaphore_mem>> -> memref<!tpu.dma_semaphore, #tpu.memory_space<semaphore_mem>>
              tpu.enqueue_indirect_dma source(%dma_start3A_686 : memref<16x128xf32, #tpu.memory_space<vmem>>) target(%dma_start3A_692 : memref<106528x128xf32, #tpu.memory_space<hbm>>) offsets(%dma_start3A_689 : memref<16xi32, #tpu.memory_space<vmem>>) semaphore(%dma_start3A_694 : memref<!tpu.dma_semaphore, #tpu.memory_space<semaphore_mem>>)
              %add3A_695 = arith.constant 1 : i32
              %add3A_696 = arith.addi %add3A_695, %and3A_255 : i32
              %swap3A_697 = arith.constant 1 : i32
              %swap3A_698 = arith.index_cast %add3A_696 : i32 to index
              %swap3A_699 = memref.load %arg14[%swap3A_698] : memref<16xi32, #tpu.memory_space<smem>>
              memref.store %swap3A_697, %arg14[%swap3A_698] : memref<16xi32, #tpu.memory_space<smem>>
              %get3A_700 = arith.constant 0 : i32
              %get3A_701 = arith.index_cast %get3A_700 : i32 to index
              %get3A_702 = memref.load %arg14[%get3A_701] : memref<16xi32, #tpu.memory_space<smem>>
              %add3A_703 = arith.constant 1 : i32
              %add3A_704 = arith.addi %get3A_702, %add3A_703 : i32
              %swap3A_705 = arith.constant 0 : i32
              %swap3A_706 = arith.index_cast %swap3A_705 : i32 to index
              %swap3A_707 = memref.load %arg14[%swap3A_706] : memref<16xi32, #tpu.memory_space<smem>>
              memref.store %add3A_704, %arg14[%swap3A_706] : memref<16xi32, #tpu.memory_space<smem>>
              %while3A_708 = arith.constant 0 : i32
              scf.yield %while3A_708 : i32
            }
          } else {
          }
        }
        %scan3A_126 = arith.constant 5 : i32
      } else {
      }
    }
    %scan3A_43 = arith.constant 14 : i32
    %get3A = arith.constant 1 : i32
    %get3A_44 = arith.index_cast %get3A : i32 to index
    %get3A_45 = memref.load %arg14[%get3A_44] : memref<16xi32, #tpu.memory_space<smem>>
    %eq3A_46 = arith.constant 1 : i32
    %eq3A_47 = arith.cmpi eq, %get3A_45, %eq3A_46 : i32
    %convert_element_type3A = arith.extui %eq3A_47 : i1 to i32
    %cond3A = arith.constant 0 : i32
    %cond3A_48 = arith.cmpi ne, %convert_element_type3A, %cond3A : i32
    scf.if %cond3A_48 {
      %dma_wait3A = arith.constant 0 : i32
      %dma_wait3A_73 = arith.constant 0 : i32
      %dma_wait3A_74 = arith.constant 0 : i32
      %dma_wait3A_75 = arith.constant 0 : i32
      %dma_wait3A_76 = arith.constant 0 : i32
      %dma_wait3A_77 = tpu.memref_slice %arg12[%dma_wait3A, %dma_wait3A_75, %dma_wait3A_76] : memref<4x16x128xf32, #tpu.memory_space<vmem>> -> memref<1x16x128xf32, #tpu.memory_space<vmem>>
      %dma_wait3A_78 = tpu.memref_squeeze %dma_wait3A_77 : memref<1x16x128xf32, #tpu.memory_space<vmem>> -> memref<16x128xf32, #tpu.memory_space<vmem>>
      %dma_wait3A_79 = arith.constant 0 : i32
      %dma_wait3A_80 = tpu.memref_slice %arg13[%dma_wait3A_73, %dma_wait3A_79] : memref<4x16xi32, #tpu.memory_space<vmem>> -> memref<1x16xi32, #tpu.memory_space<vmem>>
      %dma_wait3A_81 = tpu.memref_squeeze %dma_wait3A_80 : memref<1x16xi32, #tpu.memory_space<vmem>> -> memref<16xi32, #tpu.memory_space<vmem>>
      %dma_wait3A_82 = arith.constant 0 : i32
      %dma_wait3A_83 = arith.constant 0 : i32
      %dma_wait3A_84 = tpu.memref_slice %arg5[%dma_wait3A_82, %dma_wait3A_83] : memref<106528x128xf32, #tpu.memory_space<hbm>> -> memref<106528x128xf32, #tpu.memory_space<hbm>>
      %dma_wait3A_85 = tpu.memref_slice %arg16[%dma_wait3A_74] : memref<4x!tpu.dma_semaphore, #tpu.memory_space<semaphore_mem>> -> memref<1x!tpu.dma_semaphore, #tpu.memory_space<semaphore_mem>>
      %dma_wait3A_86 = tpu.memref_squeeze %dma_wait3A_85 : memref<1x!tpu.dma_semaphore, #tpu.memory_space<semaphore_mem>> -> memref<!tpu.dma_semaphore, #tpu.memory_space<semaphore_mem>>
      tpu.wait_indirect_dma semaphore(%dma_wait3A_86 : memref<!tpu.dma_semaphore, #tpu.memory_space<semaphore_mem>>) src(%dma_wait3A_78 : memref<16x128xf32, #tpu.memory_space<vmem>>) dst(%dma_wait3A_84 : memref<106528x128xf32, #tpu.memory_space<hbm>>)
    } else {
    }
    %get3A_49 = arith.constant 2 : i32
    %get3A_50 = arith.index_cast %get3A_49 : i32 to index
    %get3A_51 = memref.load %arg14[%get3A_50] : memref<16xi32, #tpu.memory_space<smem>>
    %eq3A_52 = arith.constant 1 : i32
    %eq3A_53 = arith.cmpi eq, %get3A_51, %eq3A_52 : i32
    %convert_element_type3A_54 = arith.extui %eq3A_53 : i1 to i32
    %cond3A_55 = arith.constant 0 : i32
    %cond3A_56 = arith.cmpi ne, %convert_element_type3A_54, %cond3A_55 : i32
    scf.if %cond3A_56 {
      %dma_wait3A = arith.constant 1 : i32
      %dma_wait3A_73 = arith.constant 1 : i32
      %dma_wait3A_74 = arith.constant 1 : i32
      %dma_wait3A_75 = arith.constant 0 : i32
      %dma_wait3A_76 = arith.constant 0 : i32
      %dma_wait3A_77 = tpu.memref_slice %arg12[%dma_wait3A, %dma_wait3A_75, %dma_wait3A_76] : memref<4x16x128xf32, #tpu.memory_space<vmem>> -> memref<1x16x128xf32, #tpu.memory_space<vmem>>
      %dma_wait3A_78 = tpu.memref_squeeze %dma_wait3A_77 : memref<1x16x128xf32, #tpu.memory_space<vmem>> -> memref<16x128xf32, #tpu.memory_space<vmem>>
      %dma_wait3A_79 = arith.constant 0 : i32
      %dma_wait3A_80 = tpu.memref_slice %arg13[%dma_wait3A_73, %dma_wait3A_79] : memref<4x16xi32, #tpu.memory_space<vmem>> -> memref<1x16xi32, #tpu.memory_space<vmem>>
      %dma_wait3A_81 = tpu.memref_squeeze %dma_wait3A_80 : memref<1x16xi32, #tpu.memory_space<vmem>> -> memref<16xi32, #tpu.memory_space<vmem>>
      %dma_wait3A_82 = arith.constant 0 : i32
      %dma_wait3A_83 = arith.constant 0 : i32
      %dma_wait3A_84 = tpu.memref_slice %arg5[%dma_wait3A_82, %dma_wait3A_83] : memref<106528x128xf32, #tpu.memory_space<hbm>> -> memref<106528x128xf32, #tpu.memory_space<hbm>>
      %dma_wait3A_85 = tpu.memref_slice %arg16[%dma_wait3A_74] : memref<4x!tpu.dma_semaphore, #tpu.memory_space<semaphore_mem>> -> memref<1x!tpu.dma_semaphore, #tpu.memory_space<semaphore_mem>>
      %dma_wait3A_86 = tpu.memref_squeeze %dma_wait3A_85 : memref<1x!tpu.dma_semaphore, #tpu.memory_space<semaphore_mem>> -> memref<!tpu.dma_semaphore, #tpu.memory_space<semaphore_mem>>
      tpu.wait_indirect_dma semaphore(%dma_wait3A_86 : memref<!tpu.dma_semaphore, #tpu.memory_space<semaphore_mem>>) src(%dma_wait3A_78 : memref<16x128xf32, #tpu.memory_space<vmem>>) dst(%dma_wait3A_84 : memref<106528x128xf32, #tpu.memory_space<hbm>>)
    } else {
    }
    %get3A_57 = arith.constant 3 : i32
    %get3A_58 = arith.index_cast %get3A_57 : i32 to index
    %get3A_59 = memref.load %arg14[%get3A_58] : memref<16xi32, #tpu.memory_space<smem>>
    %eq3A_60 = arith.constant 1 : i32
    %eq3A_61 = arith.cmpi eq, %get3A_59, %eq3A_60 : i32
    %convert_element_type3A_62 = arith.extui %eq3A_61 : i1 to i32
    %cond3A_63 = arith.constant 0 : i32
    %cond3A_64 = arith.cmpi ne, %convert_element_type3A_62, %cond3A_63 : i32
    scf.if %cond3A_64 {
      %dma_wait3A = arith.constant 2 : i32
      %dma_wait3A_73 = arith.constant 2 : i32
      %dma_wait3A_74 = arith.constant 2 : i32
      %dma_wait3A_75 = arith.constant 0 : i32
      %dma_wait3A_76 = arith.constant 0 : i32
      %dma_wait3A_77 = tpu.memref_slice %arg12[%dma_wait3A, %dma_wait3A_75, %dma_wait3A_76] : memref<4x16x128xf32, #tpu.memory_space<vmem>> -> memref<1x16x128xf32, #tpu.memory_space<vmem>>
      %dma_wait3A_78 = tpu.memref_squeeze %dma_wait3A_77 : memref<1x16x128xf32, #tpu.memory_space<vmem>> -> memref<16x128xf32, #tpu.memory_space<vmem>>
      %dma_wait3A_79 = arith.constant 0 : i32
      %dma_wait3A_80 = tpu.memref_slice %arg13[%dma_wait3A_73, %dma_wait3A_79] : memref<4x16xi32, #tpu.memory_space<vmem>> -> memref<1x16xi32, #tpu.memory_space<vmem>>
      %dma_wait3A_81 = tpu.memref_squeeze %dma_wait3A_80 : memref<1x16xi32, #tpu.memory_space<vmem>> -> memref<16xi32, #tpu.memory_space<vmem>>
      %dma_wait3A_82 = arith.constant 0 : i32
      %dma_wait3A_83 = arith.constant 0 : i32
      %dma_wait3A_84 = tpu.memref_slice %arg5[%dma_wait3A_82, %dma_wait3A_83] : memref<106528x128xf32, #tpu.memory_space<hbm>> -> memref<106528x128xf32, #tpu.memory_space<hbm>>
      %dma_wait3A_85 = tpu.memref_slice %arg16[%dma_wait3A_74] : memref<4x!tpu.dma_semaphore, #tpu.memory_space<semaphore_mem>> -> memref<1x!tpu.dma_semaphore, #tpu.memory_space<semaphore_mem>>
      %dma_wait3A_86 = tpu.memref_squeeze %dma_wait3A_85 : memref<1x!tpu.dma_semaphore, #tpu.memory_space<semaphore_mem>> -> memref<!tpu.dma_semaphore, #tpu.memory_space<semaphore_mem>>
      tpu.wait_indirect_dma semaphore(%dma_wait3A_86 : memref<!tpu.dma_semaphore, #tpu.memory_space<semaphore_mem>>) src(%dma_wait3A_78 : memref<16x128xf32, #tpu.memory_space<vmem>>) dst(%dma_wait3A_84 : memref<106528x128xf32, #tpu.memory_space<hbm>>)
    } else {
    }
    %get3A_65 = arith.constant 4 : i32
    %get3A_66 = arith.index_cast %get3A_65 : i32 to index
    %get3A_67 = memref.load %arg14[%get3A_66] : memref<16xi32, #tpu.memory_space<smem>>
    %eq3A_68 = arith.constant 1 : i32
    %eq3A_69 = arith.cmpi eq, %get3A_67, %eq3A_68 : i32
    %convert_element_type3A_70 = arith.extui %eq3A_69 : i1 to i32
    %cond3A_71 = arith.constant 0 : i32
    %cond3A_72 = arith.cmpi ne, %convert_element_type3A_70, %cond3A_71 : i32
    scf.if %cond3A_72 {
      %dma_wait3A = arith.constant 3 : i32
      %dma_wait3A_73 = arith.constant 3 : i32
      %dma_wait3A_74 = arith.constant 3 : i32
      %dma_wait3A_75 = arith.constant 0 : i32
      %dma_wait3A_76 = arith.constant 0 : i32
      %dma_wait3A_77 = tpu.memref_slice %arg12[%dma_wait3A, %dma_wait3A_75, %dma_wait3A_76] : memref<4x16x128xf32, #tpu.memory_space<vmem>> -> memref<1x16x128xf32, #tpu.memory_space<vmem>>
      %dma_wait3A_78 = tpu.memref_squeeze %dma_wait3A_77 : memref<1x16x128xf32, #tpu.memory_space<vmem>> -> memref<16x128xf32, #tpu.memory_space<vmem>>
      %dma_wait3A_79 = arith.constant 0 : i32
      %dma_wait3A_80 = tpu.memref_slice %arg13[%dma_wait3A_73, %dma_wait3A_79] : memref<4x16xi32, #tpu.memory_space<vmem>> -> memref<1x16xi32, #tpu.memory_space<vmem>>
      %dma_wait3A_81 = tpu.memref_squeeze %dma_wait3A_80 : memref<1x16xi32, #tpu.memory_space<vmem>> -> memref<16xi32, #tpu.memory_space<vmem>>
      %dma_wait3A_82 = arith.constant 0 : i32
      %dma_wait3A_83 = arith.constant 0 : i32
      %dma_wait3A_84 = tpu.memref_slice %arg5[%dma_wait3A_82, %dma_wait3A_83] : memref<106528x128xf32, #tpu.memory_space<hbm>> -> memref<106528x128xf32, #tpu.memory_space<hbm>>
      %dma_wait3A_85 = tpu.memref_slice %arg16[%dma_wait3A_74] : memref<4x!tpu.dma_semaphore, #tpu.memory_space<semaphore_mem>> -> memref<1x!tpu.dma_semaphore, #tpu.memory_space<semaphore_mem>>
      %dma_wait3A_86 = tpu.memref_squeeze %dma_wait3A_85 : memref<1x!tpu.dma_semaphore, #tpu.memory_space<semaphore_mem>> -> memref<!tpu.dma_semaphore, #tpu.memory_space<semaphore_mem>>
      tpu.wait_indirect_dma semaphore(%dma_wait3A_86 : memref<!tpu.dma_semaphore, #tpu.memory_space<semaphore_mem>>) src(%dma_wait3A_78 : memref<16x128xf32, #tpu.memory_space<vmem>>) dst(%dma_wait3A_84 : memref<106528x128xf32, #tpu.memory_space<hbm>>)
    } else {
    }
    return
  }
}

</mosaic_0001>

<sc_bundles>
// kernel: kernel.3.cloned.1.call-start
scs
__scs_entry_jumppad:
0x0: {  	(pc) =	sbr.rel $0x88, $3  }
0x1: {  	(tag) =	ssettag $0x0;
	lr =	simm.s32 $0x1  }
0x2: {  	[smem:$0x3F9F] =	sst lr;
	_ =	strace $0xD0000000  }
0x3: {  	_ = 	snop  }
0x4: {  	_ = 	snop  }
0x5: {  	_ = 	snop  }
0x6: {  	_ = 	snop  }
0x7: {  	_ = 	snop  }
__scs_overlays_trampoline_lowered:
0x8: {  	[smem:$0x3FAE] =	sst s0  }
0x9: {  	[smem:$0x3FAF] =	sst s1  }
0xa: {  	[smem:$0x3FB0] =	sst s2  }
0xb: {  	[smem:$0x3FB1] =	sst s3  }
0xc: {  	[smem:$0x3FB2] =	sst s4  }
0xd: {  	[smem:$0x3FB3] =	sst s5  }
0xe: {  	[smem:$0x3FB4] =	sst s6  }
0xf: {  	[smem:$0x3FB5] =	sst s7  }
0x10: {  	[smem:$0x3FB6] =	sst s8  }
0x11: {  	[smem:$0x3FB7] =	sst s9;
	s0 =	simm.s32 @!p0 $0x0  }
0x12: {  	s1 =	sld [smem:$0x3F9D];
	s0 =	simm.s32 @p0 $0x1  }
0x13: {  	[smem:$0x3FB8] =	sst s0;
	s0 =	simm.s32 @!p1 $0x0  }
0x14: {  	s2 =	sld [smem:$0x3F9C];
	s0 =	simm.s32 @p1 $0x1  }
0x15: {  	[smem:$0x3FB9] =	sst s0;
	s0 =	simm.s32 @!p2 $0x0  }
0x16: {  	s3 =	sld [smem:$0x3FDB];
	s0 =	simm.s32 @p2 $0x1  }
0x17: {  	s4 =	simm.s32 $0x1BF5;
	[smem:$0x3FBB] =	sst s0  }
0x18: {  	s0 =	sld [smem:$0x3F9E];
	_ =	swait.ge [sflag:s4], $0x0  }
0x19: {  	s7 =	sld [smem:$0x3F9F]  }
0x1a: {  	s8 =	sadd.s32 $0xFFFFE003, lr  }
0x1b: {  	s9 =	sadd.s32 $0xFFFFFEF7, lr;
	s5 =	simm.s32 $0xFFFFFFFF;
	p2 =	slt.u32 s8, $0xFFFFF086  }
0x1c: {  	p1 =	slt.u32 s9, $0xF7A;
	s5 =	simm.s32 @!p2 $0x0  }
0x1d: {  	s5 =	simm.s32 @p1 $0x1;
	p0 =	seq.s32 s7, s2  }
0x1e: {  	s7 =	smul.u32 @!p0 $0xF7A, s2;
	p2 =	seq.s32 @!p0 s5, $0x0  }
0x1f: {  	s9 =	smul.u32 $0xF7A, s1;
	s8 =	simm.s32 @!p0 $0x1BF5;
	p2 =	por !p2, p0  }
0x20: {  	[sflag:s8] =	ssyncset.s32 @!p0 $0xFFFFF086;
	s6 =	sadd.s32 @!p0 s3, s7;
	s7 =	simm.s32 @!p0 $0x108  }
0x21: {  	s3 =	sadd.s32 s3, s9;
	s6 =	sadd.s32 @!p0 $0x88, s6;
	s7 =	simm.s32 @p2 $0x1082  }
0x22: {  	[simem:s7], [sflag:s8] =	dma.local @!p0 [hbm:s6], $0xF7A  }
0x23: {  	s9 =	sor.u32 $0xD0000000, s2;
	s6 =	simm.s32 $0x108;
	_ =	swait.ge @!p0 [sflag:s8], $0x0  }
0x24: {  	s3 =	sadd.s32 $0x88, s3;
	s6 =	simm.s32 @!p1 $0x1082;
	[sflag:s4] =	ssyncset.s32 $0xFFFFF086  }
0x25: {  	[simem:s6], [sflag:s4] =	dma.local [hbm:s3], $0xF7A  }
0x26: {  	[smem:$0x3F9F] =	sst s1;
	(tag) =	ssettag s2;
	_ =	strace s9  }
0x27: {  	s1 =	sld [smem:$0x3FAF]  }
0x28: {  	s2 =	sld [smem:$0x3FB0]  }
0x29: {  	s4 =	sld [smem:$0x3FB2]  }
0x2a: {  	p0 =	seq.s32 s5, $0x0;
	s5 =	sld [smem:$0x3FB3]  }
0x2b: {  	s6 =	sld [smem:$0x3FB4]  }
0x2c: {  	s7 =	sld [smem:$0x3FB5]  }
0x2d: {  	s3 =	simm.s32 $0x108;
	s8 =	sld [smem:$0x3FB6]  }
0x2e: {  	s3 =	simm.s32 @!p0 $0x1082;
	s9 =	sld [smem:$0x3FB7]  }
0x2f: {  	lr =	sadd.s32 s0, s3;
	s0 =	sld [smem:$0x3FAE]  }
0x30: {  	s3 =	sld [smem:$0x3FB1]  }
0x31: {  	[smem:$0x3FBA] =	sst s10  }
0x32: {  	s10 =	sld [smem:$0x3FB8];
	_ =	sdelay $0x3  }
0x33: {  	p0 =	seq.s32 s10, $0x1;
	s10 =	sld [smem:$0x3FBA];
	_ =	sdelay $0x3  }
0x34: {  	[smem:$0x3FBA] =	sst s10  }
0x35: {  	s10 =	sld [smem:$0x3FB9];
	_ =	sdelay $0x3  }
0x36: {  	p1 =	seq.s32 s10, $0x1;
	s10 =	sld [smem:$0x3FBA];
	_ =	sdelay $0x3  }
0x37: {  	[smem:$0x3FBA] =	sst s10  }
0x38: {  	s10 =	sld [smem:$0x3FBB]  }
0x39: {  	_ = 	snop;
	(pc) =	sbr.ind lr, $3  }
0x3a: {  	_ = 	snop  }
0x3b: {  	_ = 	snop  }
0x3c: {  	p2 =	seq.s32 s10, $0x1;
	s10 =	sld [smem:$0x3FBA]  }
0x3d: {  	_ =	shalt  }
0x3e: {  	_ =	shalt  }
0x3f: {  	_ =	shalt  }
0x40: {  	_ =	shalt  }
0x41: {  	_ =	shalt  }
0x42: {  	_ =	shalt  }
0x43: {  	_ =	shalt  }
0x44: {  	_ =	shalt  }
0x45: {  	_ =	shalt  }
0x46: {  	_ =	shalt  }
0x47: {  	_ =	shalt  }
0x48: {  	_ =	shalt  }
0x49: {  	_ =	shalt  }
0x4a: {  	_ =	shalt  }
0x4b: {  	_ =	shalt  }
0x4c: {  	_ =	shalt  }
0x4d: {  	_ =	shalt  }
0x4e: {  	_ =	shalt  }
0x4f: {  	_ =	shalt  }
0x50: {  	_ =	shalt  }
0x51: {  	_ =	shalt  }
0x52: {  	_ =	shalt  }
0x53: {  	_ =	shalt  }
0x54: {  	_ =	shalt  }
0x55: {  	_ =	shalt  }
0x56: {  	_ =	shalt  }
0x57: {  	_ =	shalt  }
0x58: {  	_ =	shalt  }
0x59: {  	_ =	shalt  }
0x5a: {  	_ =	shalt  }
0x5b: {  	_ =	shalt  }
0x5c: {  	_ =	shalt  }
0x5d: {  	_ =	shalt  }
0x5e: {  	_ =	shalt  }
0x5f: {  	_ =	shalt  }
0x60: {  	_ =	shalt  }
0x61: {  	_ =	shalt  }
0x62: {  	_ =	shalt  }
0x63: {  	_ =	shalt  }
0x64: {  	_ =	shalt  }
0x65: {  	_ =	shalt  }
0x66: {  	_ =	shalt  }
0x67: {  	_ =	shalt  }
0x68: {  	_ =	shalt  }
0x69: {  	_ =	shalt  }
0x6a: {  	_ =	shalt  }
0x6b: {  	_ =	shalt  }
0x6c: {  	_ =	shalt  }
0x6d: {  	_ =	shalt  }
0x6e: {  	_ =	shalt  }
0x6f: {  	_ =	shalt  }
0x70: {  	_ =	shalt  }
0x71: {  	_ =	shalt  }
0x72: {  	_ =	shalt  }
0x73: {  	_ =	shalt  }
0x74: {  	_ =	shalt  }
0x75: {  	_ =	shalt  }
0x76: {  	_ =	shalt  }
0x77: {  	_ =	shalt  }
0x78: {  	_ =	shalt  }
0x79: {  	_ =	shalt  }
0x7a: {  	_ =	shalt  }
0x7b: {  	_ =	shalt  }
0x7c: {  	_ =	shalt  }
0x7d: {  	_ =	shalt  }
0x7e: {  	_ =	shalt  }
0x7f: {  	_ =	shalt  }
0x80: {  	_ =	shalt  }
0x81: {  	_ =	shalt  }
0x82: {  	_ =	shalt  }
0x83: {  	_ =	shalt  }
0x84: {  	_ =	shalt  }
0x85: {  	_ =	shalt  }
0x86: {  	_ =	shalt  }
0x87: {  	_ =	shalt  }
.Lfunc_end0:
.L_simem_size_0:
called_computation_lowered:
.L_overlay_start_0:
0x88: {  	s2 =	sld [smem:$0x3FD9]  }
0x89: {  	s3 =	sld [smem:$0x3FFE];
	_ =	sdelay $0x1  }
0x8a: {  	s1 =	srdreg.scid  }
0x8b: {  	s0 =	sand.u32 $0x1, s1  }
0x8c: {  	s17 =	sshll.u32 s0, $0xA;
	s2 =	sadd.s32 s3, s2  }
0x8d: {  	s2 =	sadd.s32 s2, s17  }
0x8e: {  	[smem:$0x3FC6] =	sst s2  }
0x8f: {  	_ = 	snop  }
0x90: {  	s2 =	sld [smem:$0x3FC9]  }
0x91: {  	s18 =	sld [smem:$0x3FC8]  }
0x92: {  	s4 =	sld [smem:$0x3FD0];
	(tm) =	ssettm $0x1  }
0x93: {  	s5 =	sld [smem:$0x3FFB];
	_ =	sdelay $0x3  }
0x94: {  	_ =	strace s5  }
0x95: {  	s5 =	sld [smem:$0x3FFC];
	_ =	sdelay $0x3  }
0x96: {  	_ =	strace s5  }
0x97: {  	s5 =	sld [smem:$0x3FFD];
	_ =	sdelay $0x3  }
0x98: {  	_ =	strace s5  }
0x99: {  	_ =	strace $0x8FFFFFFF  }
0x9a: {  	s19 =	sld [smem:$0x3FDB];
	_ =	sdelay $0x1  }
0x9b: {  	s6 =	simm.s32 $_scs_section_size  }
0x9c: {  	s7 =	simm.s32 $_size__tile_overlayer_lowered;
	s8 =	simm.s32 $_tile_overlayer_lowered  }
0x9d: {  	s22 =	simm.s32 $0x1BFF;
	s21 =	sshll.u32 s8, $0x1;
	s5 =	sadd.s32 s6, s19  }
0x9e: {  	s9 =	simm.s32 $0x0;
	s20 =	sshll.u32 s7, $0x1;
	s7 =	sadd.s32 s21, s5  }
0x9f: {  	[timem:s9], [sflag:s22] =	dma.local [hbm:s7], s20  }
0xa0: {  	_ =	swait.ge [sflag:s22], s20  }
0xa1: {  	s6 =	ssub.s32 $0x0, s20;
	[sflag:s22] =	ssyncset.done $0x0  }
0xa2: {  	[sflag:s22] =	ssyncadd.s32 s6;
	_ =	sdelay $0x1  }
0xa3: {  	s23 =	simm.s32 $0x1B8B  }
0xa4: {  	_ =	swait.ge [sflag:s23], $0x1  }
0xa5: {  	[sflag:s23] =	ssyncset.done $0x0  }
0xa6: {  	s25 =	simm.s32 $0x1B8E;
	s24 =	sld [smem:$0x3FFE];
	[sflag:s23] =	ssyncadd.s32 $0xFFFFFFFF  }
0xa7: {  	s26 =	simm.s32 $execute0_lowered;
	[smem:$0x3FD2] =	sst s25  }
0xa8: {  	s7 =	sshll.u32 s26, $0x1;
	_ =	strace $0x80000046;
	[dreg:$0x1] =	wrdreg $0xFFFFFFFF  }
0xa9: {  	s28 =	simm.s32 $_size_execute0_lowered;
	s5 =	sadd.s32 s5, s7;
	[dreg:$0x0] =	wrdreg $0x0  }
0xaa: {  	s7 =	sshll.u32 s28, $0x1;
	[dreg:$0x2] =	wrdreg s5  }
0xab: {  	[dreg:$0x3] =	wrdreg s7  }
0xac: {  	[dreg:$0x4] =	wrdreg $0xC0  }
0xad: {  	_ =	task [dreg:s9], $0x5FFFF  }
0xae: {  	[dreg:$0x1] =	wrdreg $0xFFFFFFFF  }
0xaf: {  	[dreg:$0x0] =	wrdreg $0x60  }
0xb0: {  	[dreg:$0x2] =	wrdreg s18  }
0xb1: {  	[dreg:$0x3] =	wrdreg s4  }
0xb2: {  	[dreg:$0x4] =	wrdreg s2  }
0xb3: {  	[dreg:$0x5] =	wrdreg s24  }
0xb4: {  	[dreg:$0x6] =	wrdreg $0x9  }
0xb5: {  	_ =	task.clear_ibuf [dreg:s9], $0x7FFFF;
	_ =	strace $0x90000046  }
0xb6: {  	s29 =	simm.s32 $0x9;
	_ =	strace $0x80000048  }
0xb7: {  	_ =	swait.ge [sflag:s29], $0x1  }
0xb8: {  	[sflag:s29] =	ssyncadd.s32 $0xFFFFFFFF  }
0xb9: {  	_ =	strace $0x90000048  }
0xba: {  	_ =	sfence  }
0xbb: {  	s30 =	sld [smem:$0x0];
	_ =	sdelay $0x2  }
0xbc: {  	s31 =	sshll.u32 s1, $0xD;
	s1 =	sshrl.u32 s1, $0x2  }
0xbd: {  	s3 =	sand.u32 $0x4000, s31;
	s1 =	sadd.s32 s1, s30  }
0xbe: {  	s0 =	sor.u32 s3, s0;
	s1 =	sshll.u32 s1, $0x11  }
0xbf: {  	s0 =	sor.u32 s1, s0  }
0xc0: {  	s0 =	sadd.s32 $0x8F2B, s0  }
0xc1: {  	[sflag:s0] =	ssyncadd.remote.s32 $0x1  }
0xc2: {  	_ =	sfence.sel $0xFFFF  }
0xc3: {  	[dreg:$0x0] =	wrdreg $0xFFFFFFFF;
	(pc) =	sbr.abs _section_cstart, $3  }
0xc4: {  	[dreg:$0x1] =	wrdreg $0xFFFFFFFF  }
0xc5: {  	_ =	task.clear_ibuf [dreg:s9], $0x2FFFF;
	_ =	strace $0x9FFFFFFF  }
0xc6: {  	(tm) =	ssettm $0x7FFFFFFF  }
0xc7: {  	_ =	shalt  }
tec
execute0_lowered:
.L_overlay_start_1:
0x0: {  	(tag) =	ssettag $0x1  }
0x1: {  	v3 =	vlaneseq.u32  }
0x2: {  	v4 =	vimm.s32 $0x0;
	vm0 =	vmmov $0xffff;
	v8 =	vimm.s32 $0x3380  }
0x3: {  	vm1 =	vcmask $0x300;
	v9 =	vimm.s32 $0x9380;
	v12 =	vimm.s32 $0x800000  }
0x4: {  	s0 =	srdreg.scid;
	v5 =	vmul.u32 $0x8, v3;
	v7 =	vshrl.u32 v3, $0x3;
	v6 =	vand.u32 $0x7, v3  }
0x5: {  	s5 =	sand.u32 $0x1, s0;
	v8 =	vsel vm1, $0x0, v8;
	v9 =	vsel vm1, $0x6000, v9;
	vm1 =	vcmask $0x704  }
0x6: {  	s0 =	stileid.u32;
	s2 =	ssub.s32 $0x0, s5;
	v8 =	vsel vm1, $0x80, v8;
	v9 =	vsel vm1, $0x6080, v9;
	vm1 =	vcmask $0xB08  }
0x7: {  	v1 =	vmov s0;
	v7 =	vmul.u32 $0x8, v7;
	s2 =	sand.u32 $0xC, s2;
	v8 =	vsel vm1, $0x100, v8  }
0x8: {  	v9 =	vsel vm1, $0x6100, v9;
	vm1 =	vcmask $0xF0C;
	v0 =	vmov s2  }
0x9: {  	s1 =	rddreg [dreg:$0x0];
	v8 =	vsel vm1, $0x180, v8;
	v9 =	vsel vm1, $0x6180, v9;
	vm1 =	vcmask $0x1310  }
0xa: {  	s25 =	rddreg [dreg:$0x2];
	v8 =	vsel vm1, $0x200, v8;
	v9 =	vsel vm1, $0x6200, v9;
	vm1 =	vcmask $0x1714  }
0xb: {  	s7 =	rddreg [dreg:$0x3];
	v8 =	vsel vm1, $0x280, v8;
	v9 =	vsel vm1, $0x6280, v9;
	vm1 =	vcmask $0x1B18  }
0xc: {  	s8 =	simm.s32 $0xC;
	s28 =	simm.s32 $0x7;
	s29 =	simm.s32 $0x10;
	v8 =	vsel vm1, $0x300, v8;
	v9 =	vsel vm1, $0x6300, v9;
	vm1 =	vcmask $0x1F1C  }
0xd: {  	s30 =	simm.s32 $0x1;
	s7 =	sadd.s32 $0x400, s7;
	s12 =	sadd.s32 $0x18100, s1;
	v8 =	vsel vm1, $0x380, v8;
	v9 =	vsel vm1, $0x6380, v9;
	vm1 =	vcmask $0x2320  }
0xe: {  	s3 =	sshll.u32 s5, $0x4;
	s9 =	ssub.s32 $0x2, s5;
	p0 =	seq.s32 s5, $0x0;
	v8 =	vsel vm1, $0x3000, v8;
	v9 =	vsel vm1, $0x9000, v9;
	vm1 =	vcmask $0x2724  }
0xf: {  	s11 =	smul.u32 $0x600, s0;
	s4 =	sor.u32 s3, s0;
	s3 =	rddreg [dreg:$0x1];
	v8 =	vsel vm1, $0x3080, v8;
	v9 =	vsel vm1, $0x9080, v9;
	vm1 =	vcmask $0x2B28  }
0x10: {  	s26 =	sshrl.u32 s9, $0x1;
	s8 =	simm.s32 @!p0 $0xE;
	s6 =	sor.u32 $0x1A000, s4;
	v8 =	vsel vm1, $0x3100, v8;
	v9 =	vsel vm1, $0x9100, v9;
	vm1 =	vcmask $0x2F2C  }
.Ltmp0:
0x11: {  	[dreg:$0x5] =	wrdreg s2;
	s5 =	ssub.s32 s9, s26;
	v8 =	vsel vm1, $0x3180, v8;
	v9 =	vsel vm1, $0x9180, v9;
	vm1 =	vcmask $0x3330;
	(pc) =	sbr.rel .LBB2_1-.Ltmp0, $4  }
0x12: {  	s9 =	sadd.s32 $0x800, s25;
	s10 =	sadd.s32 $0xFFFFFFFF, s8;
	s11 =	sadd.s32 s1, s11;
	v8 =	vsel vm1, $0x3200, v8;
	v9 =	vsel vm1, $0x9200, v9;
	vm1 =	vcmask $0x3734  }
0x13: {  	v2 =	vmov s6;
	s6 =	simm.s32 $0x0;
	s31 =	smax.u32 s5, $0x1;
	s17 =	sadd.s32 $0x100, s11;
	v10 =	vsel vm1, $0x3280, v8;
	v11 =	vsel vm1, $0x9280, v9  }
0x14: {  	s19 =	sadd.s32 $0x200, s11;
	s21 =	sadd.s32 $0x300, s11;
	[smem:$0x7FF] =	sst s6;
	vm1 =	vcmask $0x3B38;
	v8 =	vor.u32 $0x8, v3;
	v9 =	vimm.s32 $0x2001FFFF  }
0x15: {  	s5 =	simm.s32 $0x0;
	_ =	strace $0x80000047;
	[dreg:$0x6] =	wrdreg s31;
	v10 =	vsel vm1, $0x3300, v10;
	v11 =	vsel vm1, $0x9300, v11;
	vm1 =	vmmov $0xff  }
.LBB2_25:
0x16: {  	s2 =	sld [smem:$0x1];
	_ =	sdelay $0x2  }
0x17: {  	p0 =	sne.s32 s2, $0x1  }
0x18: {  	s2 =	simm.s32 @!p0 $0x3  }
0x19: {  	_ =	swait.ge @!p0 [sflag:s2], $0x800  }
0x1a: {  	[sflag:s2] =	ssyncset.done @!p0 $0x0  }
0x1b: {  	[sflag:s2] =	ssyncadd.s32 @!p0 $0xFFFFF800  }
0x1c: {  	s2 =	sld [smem:$0x2];
	_ =	sdelay $0x2  }
0x1d: {  	p0 =	sne.s32 s2, $0x1  }
0x1e: {  	s2 =	simm.s32 @!p0 $0x4  }
0x1f: {  	_ =	swait.ge @!p0 [sflag:s2], $0x800  }
0x20: {  	[sflag:s2] =	ssyncset.done @!p0 $0x0  }
0x21: {  	[sflag:s2] =	ssyncadd.s32 @!p0 $0xFFFFF800  }
0x22: {  	s2 =	sld [smem:$0x3];
	_ =	sdelay $0x2  }
0x23: {  	p0 =	sne.s32 s2, $0x1  }
0x24: {  	s2 =	simm.s32 @!p0 $0x5  }
0x25: {  	_ =	swait.ge @!p0 [sflag:s2], $0x800  }
0x26: {  	[sflag:s2] =	ssyncset.done @!p0 $0x0  }
0x27: {  	[sflag:s2] =	ssyncadd.s32 @!p0 $0xFFFFF800  }
0x28: {  	s2 =	sld [smem:$0x4];
	_ =	sdelay $0x2  }
0x29: {  	p0 =	sne.s32 s2, $0x1  }
0x2a: {  	s2 =	simm.s32 @!p0 $0x6  }
0x2b: {  	_ =	swait.ge @!p0 [sflag:s2], $0x800  }
0x2c: {  	s5 =	rddreg [dreg:$0x7]  }
0x2d: {  	s4 =	rddreg [dreg:$0x6];
	s5 =	sadd.s32 $0x1, s5  }
0x2e: {  	p1 =	sne.s32 s5, s4  }
.Ltmp1:
0x2f: {  	_ = 	snop;
	(pc) =	sbr.rel @!p1 .LBB2_26-.Ltmp1, $3  }
0x30: {  	_ =	sdelay $0x1  }
0x31: {  	[sflag:s2] =	ssyncset.done @!p0 $0x0  }
0x32: {  	[sflag:s2] =	ssyncadd.s32 @!p0 $0xFFFFF800  }
.LBB2_1:
0x33: {  	[dreg:$0x7] =	wrdreg s5  }
0x34: {  	[smem:$0x0] =	sst s6  }
0x35: {  	s31 =	simm.s32 $0x0;
	[smem:$0x1] =	sst s6  }
0x36: {  	v13 =	vor.u32 s31, v3;
	[smem:$0x2] =	sst s6  }
0x37: {  	[tilespmem:s29+$0xFFFFFFF0] =	vst v13;
	v13 =	vor.u32 s29, v3;
	[smem:$0x3] =	sst s6  }
0x38: {  	s5 =	simm.s32 $0x30;
	s13 =	simm.s32 $0x10;
	[tilespmem:s29+$0x0] =	vst v13;
	[smem:$0x4] =	sst s6  }
.LBB2_2:
0x39: {  	p0 =	sne.s32 s5, $0x330  }
.Ltmp2:
0x3a: {  	_ = 	snop;
	(pc) =	sbr.rel @p0 .LBB2_2-.Ltmp2, $4  }
0x3b: {  	s14 =	sadd.s32 $0xFFFFFFF0, s5  }
0x3c: {  	s15 =	smov.u32 s5;
	s13 =	sadd.s32 $0x80, s13;
	v13 =	vor.u32 s14, v3  }
0x3d: {  	[tilespmem:s13+$0xFFFFFFF0] =	vst v13;
	v13 =	vor.u32 s15, v3  }
0x3e: {  	s5 =	sadd.s32 $0x20, s5;
	[tilespmem:s13+$0x0] =	vst v13  }
0x3f: {  	[tilespmem:$0x1000] =	vst v0  }
0x40: {  	v13 =	vld.msk [tilespmem:$0x1000], $0x1;
	_ =	sdelay $0x4  }
0x41: {  	v14 =	vshll.u32 v13, $0x5  }
0x42: {  	v13 =	vand.u32 $0x7, v13;
	v14 =	vand.u32 $0xFFFFFF00, v14  }
0x43: {  	v13 =	vor.u32 v13, v14  }
0x44: {  	v13 =	vperm.xlane v13, v4;
	_ =	sdelay $0x1  }
0x45: {  	v13 =	vadd.s32 v5, v13;
	_ =	sdelay $0x2  }
.Ltmp3:
0x46: {  	_ = 	snop;
	(pc) =	sbr.rel .LBB2_4-.Ltmp3, $4  }
0x47: {  	s31 =	simm.s32 $0x0;
	s2 =	rddreg [dreg:$0x2];
	s4 =	simm.s32 $0x1080  }
0x48: {  	[tilespmem:s4], [sflag:$0x7] =	stream.indirect_vreg.gather [hbm4b:s2+s31], $0x80, v13, vm0, $0xb8;
	[tilespmem:$0x1E380] =	vst v63  }
0x49: {  	s26 =	simm.s32 $0x1880;
	s5 =	simm.s32 $0x0  }
0x4a: {  	[tilespmem:s26], [sflag:$0x7] =	stream.indirect_vreg.gather [hbm4b:s9+s31], $0x80, v13, vm0, $0xb8;
	[tilespmem:$0x1E380] =	vst v63  }
.LBB2_24:
0x4b: {  	s5 =	sadd.s32 $0x1, s5  }
0x4c: {  	p0 =	sne.s32 s5, $0xE  }
.Ltmp4:
0x4d: {  	_ = 	snop;
	(pc) =	sbr.rel @!p0 .LBB2_25-.Ltmp4, $1  }
0x4e: {  	_ =	sdelay $0x3  }
.LBB2_4:
0x4f: {  	p0 =	sge.u32 s5, s8  }
.Ltmp5:
0x50: {  	_ = 	snop;
	(pc) =	sbr.rel @p0 .LBB2_24-.Ltmp5, $1  }
0x51: {  	_ =	sdelay $0x3  }
0x52: {  	s2 =	rddreg [dreg:$0x5]  }
0x53: {  	s13 =	sadd.s32 s2, s5  }
0x54: {  	s14 =	sshll.u32 s13, $0x7  }
0x55: {  	s14 =	sand.u32 $0x3FFFFF80, s14  }
0x56: {  	v13 =	vld [tilespmem:s14+$0x0];
	_ =	sdelay $0x4  }
0x57: {  	v14 =	vshrl.u32 v13, $0x3  }
0x58: {  	v14 =	vmul.u32 $0x1870, v14  }
0x59: {  	v13 =	vand.u32 $0x7, v13  }
0x5a: {  	v13 =	vor.u32 v13, v14  }
0x5b: {  	v14 =	vperm.xlane v13, v6;
	_ =	sdelay $0x1  }
0x5c: {  	v14 =	vadd.s32 v7, v14;
	_ =	sdelay $0x3  }
0x5d: {  	s15 =	simm.s32 $0x0;
	s20 =	simm.s32 $0x2080  }
0x5e: {  	[tilespmem:s20], [sflag:$0x1] =	stream.indirect_vreg.gather [hbm4b:s11+s15], $0x80, v14, vm0, $0xb8;
	[tilespmem:$0x1E380] =	vst v63  }
0x5f: {  	s22 =	simm.s32 $0x2880  }
0x60: {  	[tilespmem:s22], [sflag:$0x1] =	stream.indirect_vreg.gather [hbm4b:s17+s15], $0x80, v14, vm0, $0xb8;
	[tilespmem:$0x1E380] =	vst v63  }
0x61: {  	s23 =	simm.s32 $0x3080  }
0x62: {  	[tilespmem:s23], [sflag:$0x1] =	stream.indirect_vreg.gather [hbm4b:s19+s15], $0x80, v14, vm0, $0xb8;
	[tilespmem:$0x1E380] =	vst v63  }
0x63: {  	s24 =	simm.s32 $0x3880;
	v13 =	vperm.xlane v13, v8  }
0x64: {  	[tilespmem:s24], [sflag:$0x1] =	stream.indirect_vreg.gather [hbm4b:s21+s15], $0x80, v14, vm0, $0xb8;
	[tilespmem:$0x1E380] =	vst v63  }
0x65: {  	s16 =	sadd.s32 $0x400, s11;
	s25 =	simm.s32 $0x4080;
	v13 =	vadd.s32 v7, v13  }
0x66: {  	[tilespmem:s25], [sflag:$0x1] =	stream.indirect_vreg.gather [hbm4b:s16+s15], $0x80, v14, vm0, $0xb8;
	[tilespmem:$0x1E380] =	vst v63  }
0x67: {  	s18 =	sadd.s32 $0x500, s11;
	s26 =	simm.s32 $0x4880  }
0x68: {  	[tilespmem:s26], [sflag:$0x1] =	stream.indirect_vreg.gather [hbm4b:s18+s15], $0x80, v14, vm0, $0xb8;
	[tilespmem:$0x1E380] =	vst v63  }
0x69: {  	s4 =	simm.s32 $0x5080  }
0x6a: {  	[tilespmem:s4], [sflag:$0x1] =	stream.indirect_vreg.gather [hbm4b:s11+s15], $0x80, v13, vm0, $0xb8;
	[tilespmem:$0x1E380] =	vst v63  }
0x6b: {  	s20 =	simm.s32 $0x5880  }
0x6c: {  	[tilespmem:s20], [sflag:$0x1] =	stream.indirect_vreg.gather [hbm4b:s17+s15], $0x80, v13, vm0, $0xb8;
	[tilespmem:$0x1E380] =	vst v63  }
0x6d: {  	s22 =	simm.s32 $0x6080  }
0x6e: {  	[tilespmem:s22], [sflag:$0x1] =	stream.indirect_vreg.gather [hbm4b:s19+s15], $0x80, v13, vm0, $0xb8;
	[tilespmem:$0x1E380] =	vst v63  }
0x6f: {  	s23 =	simm.s32 $0x6880  }
0x70: {  	[tilespmem:s23], [sflag:$0x1] =	stream.indirect_vreg.gather [hbm4b:s21+s15], $0x80, v13, vm0, $0xb8;
	[tilespmem:$0x1E380] =	vst v63  }
0x71: {  	s24 =	simm.s32 $0x7080  }
0x72: {  	[tilespmem:s24], [sflag:$0x1] =	stream.indirect_vreg.gather [hbm4b:s16+s15], $0x80, v13, vm0, $0xb8;
	[tilespmem:$0x1E380] =	vst v63  }
0x73: {  	s25 =	simm.s32 $0x7880  }
0x74: {  	[tilespmem:s25], [sflag:$0x1] =	stream.indirect_vreg.gather [hbm4b:s18+s15], $0x80, v13, vm0, $0xb8;
	[tilespmem:$0x1E380] =	vst v63  }
0x75: {  	v13 =	vld [tilespmem:s14+$0x10];
	_ =	sdelay $0x4  }
0x76: {  	v14 =	vshrl.u32 v13, $0x3  }
0x77: {  	v14 =	vmul.u32 $0x1870, v14  }
0x78: {  	v13 =	vand.u32 $0x7, v13  }
0x79: {  	v13 =	vor.u32 v13, v14  }
0x7a: {  	v14 =	vperm.xlane v13, v6;
	_ =	sdelay $0x1  }
0x7b: {  	v14 =	vadd.s32 v7, v14;
	_ =	sdelay $0x3  }
0x7c: {  	s26 =	simm.s32 $0x8080  }
0x7d: {  	[tilespmem:s26], [sflag:$0x1] =	stream.indirect_vreg.gather [hbm4b:s11+s15], $0x80, v14, vm0, $0xb8;
	[tilespmem:$0x1E380] =	vst v63  }
0x7e: {  	s4 =	simm.s32 $0x8880  }
0x7f: {  	[tilespmem:s4], [sflag:$0x1] =	stream.indirect_vreg.gather [hbm4b:s17+s15], $0x80, v14, vm0, $0xb8;
	[tilespmem:$0x1E380] =	vst v63  }
0x80: {  	s20 =	simm.s32 $0x9080  }
0x81: {  	[tilespmem:s20], [sflag:$0x1] =	stream.indirect_vreg.gather [hbm4b:s19+s15], $0x80, v14, vm0, $0xb8;
	[tilespmem:$0x1E380] =	vst v63  }
0x82: {  	s22 =	simm.s32 $0x9880;
	v13 =	vperm.xlane v13, v8  }
0x83: {  	[tilespmem:s22], [sflag:$0x1] =	stream.indirect_vreg.gather [hbm4b:s21+s15], $0x80, v14, vm0, $0xb8;
	[tilespmem:$0x1E380] =	vst v63  }
0x84: {  	s23 =	simm.s32 $0xA080;
	v13 =	vadd.s32 v7, v13  }
0x85: {  	[tilespmem:s23], [sflag:$0x1] =	stream.indirect_vreg.gather [hbm4b:s16+s15], $0x80, v14, vm0, $0xb8;
	[tilespmem:$0x1E380] =	vst v63  }
0x86: {  	s24 =	simm.s32 $0xA880  }
0x87: {  	[tilespmem:s24], [sflag:$0x1] =	stream.indirect_vreg.gather [hbm4b:s18+s15], $0x80, v14, vm0, $0xb8;
	[tilespmem:$0x1E380] =	vst v63  }
0x88: {  	s25 =	simm.s32 $0xB080  }
0x89: {  	[tilespmem:s25], [sflag:$0x1] =	stream.indirect_vreg.gather [hbm4b:s11+s15], $0x80, v13, vm0, $0xb8;
	[tilespmem:$0x1E380] =	vst v63  }
0x8a: {  	s26 =	simm.s32 $0xB880  }
0x8b: {  	[tilespmem:s26], [sflag:$0x1] =	stream.indirect_vreg.gather [hbm4b:s17+s15], $0x80, v13, vm0, $0xb8;
	[tilespmem:$0x1E380] =	vst v63  }
0x8c: {  	s4 =	simm.s32 $0xC080  }
0x8d: {  	[tilespmem:s4], [sflag:$0x1] =	stream.indirect_vreg.gather [hbm4b:s19+s15], $0x80, v13, vm0, $0xb8;
	[tilespmem:$0x1E380] =	vst v63  }
0x8e: {  	s20 =	simm.s32 $0xC880  }
0x8f: {  	[tilespmem:s20], [sflag:$0x1] =	stream.indirect_vreg.gather [hbm4b:s21+s15], $0x80, v13, vm0, $0xb8;
	[tilespmem:$0x1E380] =	vst v63  }
0x90: {  	s22 =	simm.s32 $0xD080  }
0x91: {  	[tilespmem:s22], [sflag:$0x1] =	stream.indirect_vreg.gather [hbm4b:s16+s15], $0x80, v13, vm0, $0xb8;
	[tilespmem:$0x1E380] =	vst v63  }
0x92: {  	s23 =	simm.s32 $0xD880  }
0x93: {  	[tilespmem:s23], [sflag:$0x1] =	stream.indirect_vreg.gather [hbm4b:s18+s15], $0x80, v13, vm0, $0xb8;
	[tilespmem:$0x1E380] =	vst v63  }
0x94: {  	_ =	swait.ge [sflag:s28], $0x1000  }
0x95: {  	[sflag:s28] =	ssyncset.done $0x0  }
0x96: {  	[sflag:s28] =	ssyncadd.s32 $0xFFFFF000  }
0x97: {  	[tilespmem:$0x1A080] =	vst v9  }
0x98: {  	[tilespmem:$0x1A090] =	vst v9  }
0x99: {  	[tilespmem:$0x1A0A0] =	vst v9  }
0x9a: {  	[tilespmem:$0x1A0B0] =	vst v9  }
0x9b: {  	[tilespmem:$0x1A0C0] =	vst v9  }
0x9c: {  	[tilespmem:$0x1A0D0] =	vst v9  }
0x9d: {  	[tilespmem:$0x1A0E0] =	vst v9  }
0x9e: {  	[tilespmem:$0x1A0F0] =	vst v9  }
0x9f: {  	[tilespmem:$0x1A100] =	vst v9  }
0xa0: {  	[tilespmem:$0x1A110] =	vst v9  }
0xa1: {  	[tilespmem:$0x1A120] =	vst v9  }
0xa2: {  	[tilespmem:$0x1A130] =	vst v9  }
0xa3: {  	[tilespmem:$0x1A140] =	vst v9  }
0xa4: {  	[tilespmem:$0x1A150] =	vst v9  }
0xa5: {  	[tilespmem:$0x1A160] =	vst v9  }
0xa6: {  	[tilespmem:$0x1A170] =	vst v9  }
0xa7: {  	[tilespmem:$0x1A180] =	vst v9  }
0xa8: {  	s16 =	simm.s32 $0x10A0;
	[tilespmem:$0x1A190] =	vst v9  }
0xa9: {  	v13 =	vld [tilespmem:s16+$0xFFFFFFE0];
	_ =	sdelay $0x4  }
0xaa: {  	v14 =	vshrl.u32 v13, $0x9  }
0xab: {  	v14 =	vmul.u32 $0x5556, v14;
	_ =	sdelay $0x1  }
0xac: {  	v14 =	vshrl.u32 v14, $0x10  }
0xad: {  	v14 =	vand.u32 $0xF, v14  }
0xae: {  	vm2 =	veq.s32 v14, v1  }
0xaf: {  	v15 =	vmpcnt.ones.xlane vm2;
	_ =	sdelay $0x1  }
0xb0: {  	(v2sf) =	vpush v15, $0x0;
	_ =	sdelay $0xe  }
0xb1: {  	s24 =	spop (v2sf)  }
0xb2: {  	p0 =	slt.s32 s24, $0x1  }
0xb3: {  	v15 =	vlaneseq.u32 @!p0  }
0xb4: {  	v16 =	vmov @!p0 s15;
	v15 =	vmul.u32 @!p0 $0x20000, v15  }
0xb5: {  	v16 =	vshll.u32 @!p0 v16, $0x11  }
0xb6: {  	v15 =	vor.u32 @!p0 v15, v16  }
0xb7: {  	vm2 =	veq.s32 @!p0 v14, v1;
	v13 =	vor.u32 @!p0 v15, v13  }
0xb8: {  	[tilespmem:s15+$0x1A080] =	vst.msk @!p0 vm2, v13  }
0xb9: {  	v13 =	vld [tilespmem:s16+$0xFFFFFFF0];
	_ =	sdelay $0x4  }
0xba: {  	v14 =	vshrl.u32 v13, $0x9  }
0xbb: {  	v14 =	vmul.u32 $0x5556, v14;
	_ =	sdelay $0x1  }
0xbc: {  	v14 =	vshrl.u32 v14, $0x10  }
0xbd: {  	v14 =	vand.u32 $0xF, v14  }
0xbe: {  	vm2 =	veq.s32 v14, v1  }
0xbf: {  	v15 =	vmpcnt.ones.xlane vm2;
	_ =	sdelay $0x1  }
0xc0: {  	(v2sf) =	vpush v15, $0x0;
	_ =	sdelay $0xe  }
0xc1: {  	s20 =	spop (v2sf)  }
0xc2: {  	p0 =	slt.s32 s20, $0x1  }
0xc3: {  	s22 =	simm.s32 $0x10;
	v15 =	vlaneseq.u32 @!p0  }
0xc4: {  	v16 =	vmov @!p0 s22;
	v15 =	vmul.u32 @!p0 $0x20000, v15  }
0xc5: {  	v16 =	vshll.u32 @!p0 v16, $0x11  }
0xc6: {  	v15 =	vor.u32 @!p0 v15, v16  }
0xc7: {  	s18 =	sadd.s32 $0x0, s24;
	vm2 =	veq.s32 @!p0 v14, v1;
	v13 =	vor.u32 @!p0 v15, v13  }
0xc8: {  	[tilespmem:s18+$0x1A080] =	vst.msk @!p0 vm2, v13  }
0xc9: {  	v13 =	vld [tilespmem:s16+$0x0];
	_ =	sdelay $0x4  }
0xca: {  	v14 =	vshrl.u32 v13, $0x9  }
0xcb: {  	v14 =	vmul.u32 $0x5556, v14;
	_ =	sdelay $0x1  }
0xcc: {  	v14 =	vshrl.u32 v14, $0x10  }
0xcd: {  	v14 =	vand.u32 $0xF, v14  }
0xce: {  	vm2 =	veq.s32 v14, v1  }
0xcf: {  	v15 =	vmpcnt.ones.xlane vm2;
	_ =	sdelay $0x1  }
0xd0: {  	(v2sf) =	vpush v15, $0x0;
	_ =	sdelay $0xe  }
0xd1: {  	s25 =	spop (v2sf)  }
0xd2: {  	p0 =	slt.s32 s25, $0x1  }
0xd3: {  	s23 =	simm.s32 $0x20;
	v15 =	vlaneseq.u32 @!p0  }
0xd4: {  	v16 =	vmov @!p0 s23;
	v15 =	vmul.u32 @!p0 $0x20000, v15  }
0xd5: {  	v16 =	vshll.u32 @!p0 v16, $0x11  }
0xd6: {  	v15 =	vor.u32 @!p0 v15, v16  }
0xd7: {  	s18 =	sadd.s32 s18, s20;
	vm2 =	veq.s32 @!p0 v14, v1;
	v13 =	vor.u32 @!p0 v15, v13  }
0xd8: {  	[tilespmem:s18+$0x1A080] =	vst.msk @!p0 vm2, v13  }
0xd9: {  	v13 =	vld [tilespmem:s16+$0x10];
	_ =	sdelay $0x4  }
0xda: {  	v14 =	vshrl.u32 v13, $0x9  }
0xdb: {  	v14 =	vmul.u32 $0x5556, v14;
	_ =	sdelay $0x1  }
0xdc: {  	v14 =	vshrl.u32 v14, $0x10  }
0xdd: {  	v14 =	vand.u32 $0xF, v14  }
0xde: {  	vm2 =	veq.s32 v14, v1  }
0xdf: {  	v15 =	vmpcnt.ones.xlane vm2;
	_ =	sdelay $0x1  }
0xe0: {  	(v2sf) =	vpush v15, $0x0;
	_ =	sdelay $0xe  }
0xe1: {  	s26 =	spop (v2sf)  }
0xe2: {  	p1 =	slt.s32 s26, $0x1  }
0xe3: {  	s23 =	simm.s32 $0x30;
	v15 =	vlaneseq.u32 @!p1  }
0xe4: {  	v16 =	vmov @!p1 s23;
	v15 =	vmul.u32 @!p1 $0x20000, v15  }
0xe5: {  	v16 =	vshll.u32 @!p1 v16, $0x11  }
0xe6: {  	s22 =	sadd.s32 s18, s25;
	v15 =	vor.u32 @!p1 v15, v16  }
0xe7: {  	s18 =	simm.s32 $0x0;
	s20 =	sadd.s32 s22, s26;
	vm2 =	veq.s32 @!p1 v14, v1;
	v13 =	vor.u32 @!p1 v15, v13  }
.LBB2_6:
0xe8: {  	s18 =	sadd.s32 $0x4, s18;
	[tilespmem:s22+$0x1A080] =	vst.msk @!p1 vm2, v13;
	s15 =	sadd.s32 $0x40, s15;
	s16 =	sadd.s32 $0x40, s16  }
0xe9: {  	v13 =	vld [tilespmem:s16+$0xFFFFFFE0];
	p0 =	slt.u32 s18, $0xFC;
	_ =	sdelay $0x4  }
0xea: {  	v14 =	vshrl.u32 v13, $0x9  }
0xeb: {  	v14 =	vmul.u32 $0x5556, v14;
	_ =	sdelay $0x1  }
0xec: {  	v14 =	vshrl.u32 v14, $0x10  }
0xed: {  	v14 =	vand.u32 $0xF, v14  }
0xee: {  	vm2 =	veq.s32 v14, v1  }
0xef: {  	v15 =	vmpcnt.ones.xlane vm2;
	_ =	sdelay $0x1  }
0xf0: {  	(v2sf) =	vpush v15, $0x0;
	_ =	sdelay $0xe  }
0xf1: {  	s22 =	spop (v2sf)  }
0xf2: {  	p1 =	slt.s32 s22, $0x1  }
0xf3: {  	vm2 =	veq.s32 @!p1 v14, v1;
	v14 =	vmov @!p1 s15;
	v15 =	vlaneseq.u32 @!p1  }
0xf4: {  	v14 =	vshll.u32 @!p1 v14, $0x11;
	v15 =	vmul.u32 @!p1 $0x20000, v15;
	_ =	sdelay $0x1  }
0xf5: {  	v14 =	vor.u32 @!p1 v15, v14  }
0xf6: {  	v13 =	vor.u32 @!p1 v14, v13  }
0xf7: {  	[tilespmem:s20+$0x1A080] =	vst.msk @!p1 vm2, v13  }
0xf8: {  	v13 =	vld [tilespmem:s16+$0xFFFFFFF0];
	_ =	sdelay $0x4  }
0xf9: {  	v14 =	vshrl.u32 v13, $0x9  }
0xfa: {  	v14 =	vmul.u32 $0x5556, v14;
	_ =	sdelay $0x1  }
0xfb: {  	v14 =	vshrl.u32 v14, $0x10  }
0xfc: {  	v14 =	vand.u32 $0xF, v14  }
0xfd: {  	vm2 =	veq.s32 v14, v1  }
0xfe: {  	v15 =	vmpcnt.ones.xlane vm2;
	_ =	sdelay $0x1  }
0xff: {  	(v2sf) =	vpush v15, $0x0;
	_ =	sdelay $0xe  }
0x100: {  	s23 =	spop (v2sf)  }
0x101: {  	s24 =	sadd.s32 $0x10, s15;
	p1 =	slt.s32 s23, $0x1  }
0x102: {  	vm2 =	veq.s32 @!p1 v14, v1;
	v14 =	vmov @!p1 s24;
	v15 =	vlaneseq.u32 @!p1  }
0x103: {  	v14 =	vshll.u32 @!p1 v14, $0x11;
	v15 =	vmul.u32 @!p1 $0x20000, v15;
	_ =	sdelay $0x1  }
0x104: {  	v14 =	vor.u32 @!p1 v15, v14  }
0x105: {  	s20 =	sadd.s32 s20, s22;
	v13 =	vor.u32 @!p1 v14, v13  }
0x106: {  	[tilespmem:s20+$0x1A080] =	vst.msk @!p1 vm2, v13;
	s20 =	sadd.s32 s20, s23  }
0x107: {  	v13 =	vld [tilespmem:s16+$0x0];
	_ =	sdelay $0x4  }
0x108: {  	v14 =	vshrl.u32 v13, $0x9  }
0x109: {  	v14 =	vmul.u32 $0x5556, v14;
	_ =	sdelay $0x1  }
0x10a: {  	v14 =	vshrl.u32 v14, $0x10  }
0x10b: {  	v14 =	vand.u32 $0xF, v14  }
0x10c: {  	vm2 =	veq.s32 v14, v1  }
0x10d: {  	v15 =	vmpcnt.ones.xlane vm2;
	_ =	sdelay $0x1  }
0x10e: {  	(v2sf) =	vpush v15, $0x0;
	_ =	sdelay $0xe  }
0x10f: {  	s22 =	spop (v2sf)  }
0x110: {  	s23 =	sadd.s32 $0x20, s15;
	p1 =	slt.s32 s22, $0x1  }
0x111: {  	vm2 =	veq.s32 @!p1 v14, v1;
	v14 =	vmov @!p1 s23;
	v15 =	vlaneseq.u32 @!p1  }
0x112: {  	v14 =	vshll.u32 @!p1 v14, $0x11;
	v15 =	vmul.u32 @!p1 $0x20000, v15;
	_ =	sdelay $0x1  }
0x113: {  	v14 =	vor.u32 @!p1 v15, v14  }
0x114: {  	v13 =	vor.u32 @!p1 v14, v13  }
0x115: {  	[tilespmem:s20+$0x1A080] =	vst.msk @!p1 vm2, v13  }
0x116: {  	v13 =	vld [tilespmem:s16+$0x10];
	_ =	sdelay $0x4  }
0x117: {  	v14 =	vshrl.u32 v13, $0x9  }
0x118: {  	v14 =	vmul.u32 $0x5556, v14;
	_ =	sdelay $0x1  }
0x119: {  	v14 =	vshrl.u32 v14, $0x10  }
0x11a: {  	v14 =	vand.u32 $0xF, v14  }
0x11b: {  	vm2 =	veq.s32 v14, v1  }
0x11c: {  	v15 =	vmpcnt.ones.xlane vm2;
	_ =	sdelay $0x1  }
0x11d: {  	(v2sf) =	vpush v15, $0x0;
	_ =	sdelay $0xe  }
0x11e: {  	s22 =	sadd.s32 s20, s22;
	s20 =	spop (v2sf)  }
0x11f: {  	s23 =	sadd.s32 $0x30, s15;
	p1 =	slt.s32 s20, $0x1;
	s20 =	sadd.s32 s22, s20  }
.Ltmp6:
0x120: {  	vm2 =	veq.s32 @!p1 v14, v1;
	v14 =	vmov @!p1 s23;
	v15 =	vlaneseq.u32 @!p1;
	(pc) =	sbr.rel @p0 .LBB2_6-.Ltmp6, $3  }
0x121: {  	v14 =	vshll.u32 @!p1 v14, $0x11;
	v15 =	vmul.u32 @!p1 $0x20000, v15;
	_ =	sdelay $0x1  }
0x122: {  	v14 =	vor.u32 @!p1 v15, v14  }
0x123: {  	v13 =	vor.u32 @!p1 v14, v13  }
0x124: {  	p0 =	sge.u32 s5, s10  }
0x125: {  	[tilespmem:s22+$0x1A080] =	vst.msk @!p1 vm2, v13;
	s15 =	sadd.s32 @!p0 $0x1, s13  }
0x126: {  	[tilespmem:s20+$0x1A080] =	vst v9;
	v13 =	vmov @!p0 s15  }
0x127: {  	[tilespmem:$0x1000] =	vst @!p0 v13  }
0x128: {  	v13 =	vld.msk @!p0 [tilespmem:$0x1000], $0x1;
	_ =	sdelay $0x4  }
0x129: {  	v14 =	vshll.u32 @!p0 v13, $0x5  }
0x12a: {  	v13 =	vand.u32 @!p0 $0x7, v13;
	v14 =	vand.u32 @!p0 $0xFFFFFF00, v14  }
0x12b: {  	v15 =	vlaneseq.u32 @!p0;
	v13 =	vor.u32 @!p0 v13, v14;
	v14 =	vimm.s32 @!p0 $0x0  }
0x12c: {  	v13 =	vperm.xlane @!p0 v13, v14;
	v14 =	vmul.u32 @!p0 $0x8, v15;
	_ =	sdelay $0x1  }
0x12d: {  	v13 =	vadd.s32 @!p0 v14, v13;
	_ =	sdelay $0x2  }
0x12e: {  	s2 =	rddreg [dreg:$0x2];
	s25 =	sadd.s32 $0xF, s20  }
.Ltmp7:
0x12f: {  	vm2 =	vmmov @!p0 $0xffff;
	s16 =	simm.s32 @!p0 $0x1080;
	s15 =	simm.s32 @!p0 $0x0;
	(pc) =	sbr.rel .LBB2_8-.Ltmp7, $4  }
0x130: {  	[tilespmem:s16], [sflag:$0x7] =	stream.indirect_vreg.gather @!p0 [hbm4b:s2+s15], $0x80, v13, vm2, $0xb8;
	[tilespmem:$0x1E380] =	vst v63  }
0x131: {  	s26 =	sshra.s32 s25, $0x4;
	s16 =	simm.s32 @!p0 $0x1880  }
0x132: {  	[tilespmem:s16], [sflag:$0x7] =	stream.indirect_vreg.gather @!p0 [hbm4b:s9+s15], $0x80, v13, vm2, $0xb8;
	[tilespmem:$0x1E380] =	vst v63  }
0x133: {  	v13 =	vmov s13;
	s15 =	sadd.s32 $0xFFFFFFEF, s26;
	s13 =	simm.s32 $0x0;
	p0 =	slt.s32 s26, $0x12  }
.LBB2_22:
0x134: {  	_ =	sdelay $0x3  }
0x135: {  	v17 =	vld.idx.msk [tilespmem:v17+s18+$0x0], $0xffff;
	v14 =	vand.u32 $0x7F, v14  }
0x136: {  	v16 =	vld.idx.msk [tilespmem:v16+s18+$0x0], $0xffff;
	v14 =	vor.u32 v14, v15  }
0x137: {  	v15 =	vadd.s32 v10, v14  }
0x138: {  	v14 =	vadd.s32 v11, v14;
	_ =	sdelay $0x1  }
0x139: {  	[tilespmem:s20+$0x1C880] =	vst v17  }
0x13a: {  	[tilespmem:s20+$0x1C890] =	vst v16  }
0x13b: {  	v15 =	vld.idx.msk [tilespmem:v15+s18+$0x0], $0xffff  }
0x13c: {  	v14 =	vld.idx.msk [tilespmem:v14+s18+$0x0], $0xffff;
	_ =	sdelay $0x3  }
0x13d: {  	[tilespmem:s20+$0x1C900] =	vst v15  }
0x13e: {  	[tilespmem:s20+$0x1C910] =	vst v14  }
0x13f: {  	[hbm4b:s7+s29] =	stream.indirect.scatter [tilespmem:s25], [sflag:s23], $0x80, s24, s29, $0xb8;
	[tilespmem:$0x1E380] =	vst v63  }
.LBB2_23:
0x140: {  	s13 =	sadd.s32 $0x1, s13  }
0x141: {  	p1 =	sne.s32 s13, $0x5  }
.Ltmp8:
0x142: {  	_ = 	snop;
	(pc) =	sbr.rel @!p1 .LBB2_24-.Ltmp8, $1  }
0x143: {  	_ =	sdelay $0x3  }
.LBB2_8:
0x144: {  	s16 =	sshll.u32 s13, $0x4  }
0x145: {  	s18 =	sor.u32 s0, s16  }
0x146: {  	p1 =	sgt.u32 s18, $0x41  }
.Ltmp9:
0x147: {  	_ = 	snop;
	(pc) =	sbr.rel @p1 .LBB2_23-.Ltmp9, $1  }
0x148: {  	_ =	sdelay $0x3  }
0x149: {  	p1 =	sgt.u32 s18, $0x31  }
.Ltmp10:
0x14a: {  	_ = 	snop;
	(pc) =	sbr.rel @p1 .LBB2_13-.Ltmp10, $1  }
0x14b: {  	_ =	sdelay $0x3  }
0x14c: {  	s16 =	sadd.s32 $0x1, s13  }
0x14d: {  	s22 =	sand.u32 $0x1, s16;
	s16 =	sshll.u32 s16, $0x4  }
0x14e: {  	s23 =	sor.u32 s0, s16  }
0x14f: {  	p1 =	sgt.u32 s23, $0x40  }
.Ltmp11:
0x150: {  	_ = 	snop;
	(pc) =	sbr.rel @p1 .LBB2_12-.Ltmp11, $3  }
0x151: {  	s20 =	smul.u32 $0x30000, s22;
	_ =	sdelay $0x1  }
0x152: {  	s20 =	sshrl.u32 s20, $0x2  }
0x153: {  	s16 =	sadd.s32 $0x1, s22;
	s22 =	sor.u32 $0x2080, s20  }
0x154: {  	v14 =	vld [tilespmem:s14+$0x0];
	_ =	sdelay $0x4  }
0x155: {  	v15 =	vshrl.u32 v14, $0x3  }
0x156: {  	v15 =	vmul.u32 $0x1870, v15  }
0x157: {  	v14 =	vand.u32 $0x7, v14  }
0x158: {  	v14 =	vor.u32 v14, v15  }
0x159: {  	v15 =	vperm.xlane v14, v6;
	_ =	sdelay $0x1  }
0x15a: {  	v15 =	vadd.s32 v7, v15;
	_ =	sdelay $0x1  }
0x15b: {  	s23 =	smul.u32 $0x600, s23;
	_ =	sdelay $0x1  }
0x15c: {  	s23 =	sadd.s32 s1, s23  }
0x15d: {  	[tilespmem:s22], [sflag:s16] =	stream.indirect_vreg.gather [hbm4b:s23+s6], $0x80, v15, vm0, $0xb8;
	[tilespmem:$0x1E380] =	vst v63  }
0x15e: {  	s24 =	sadd.s32 $0x2880, s20;
	s22 =	sadd.s32 $0x100, s23  }
0x15f: {  	[tilespmem:s24], [sflag:s16] =	stream.indirect_vreg.gather [hbm4b:s22+s6], $0x80, v15, vm0, $0xb8;
	[tilespmem:$0x1E380] =	vst v63  }
0x160: {  	s25 =	sadd.s32 $0x3080, s20;
	s24 =	sadd.s32 $0x200, s23  }
0x161: {  	[tilespmem:s25], [sflag:s16] =	stream.indirect_vreg.gather [hbm4b:s24+s6], $0x80, v15, vm0, $0xb8;
	[tilespmem:$0x1E380] =	vst v63  }
0x162: {  	s26 =	sadd.s32 $0x3880, s20;
	v14 =	vperm.xlane v14, v8;
	s25 =	sadd.s32 $0x300, s23  }
0x163: {  	[tilespmem:s26], [sflag:s16] =	stream.indirect_vreg.gather [hbm4b:s25+s6], $0x80, v15, vm0, $0xb8;
	[tilespmem:$0x1E380] =	vst v63  }
0x164: {  	s4 =	sadd.s32 $0x4080, s20;
	v14 =	vadd.s32 v7, v14;
	s26 =	sadd.s32 $0x400, s23  }
0x165: {  	[tilespmem:s4], [sflag:s16] =	stream.indirect_vreg.gather [hbm4b:s26+s6], $0x80, v15, vm0, $0xb8;
	[tilespmem:$0x1E380] =	vst v63  }
0x166: {  	s2 =	sadd.s32 $0x4880, s20;
	s4 =	sadd.s32 $0x500, s23  }
0x167: {  	[tilespmem:s2], [sflag:s16] =	stream.indirect_vreg.gather [hbm4b:s4+s6], $0x80, v15, vm0, $0xb8;
	[tilespmem:$0x1E380] =	vst v63  }
0x168: {  	s2 =	sadd.s32 $0x5080, s20  }
0x169: {  	[tilespmem:s2], [sflag:s16] =	stream.indirect_vreg.gather [hbm4b:s23+s6], $0x80, v14, vm0, $0xb8;
	[tilespmem:$0x1E380] =	vst v63  }
0x16a: {  	s2 =	sadd.s32 $0x5880, s20  }
0x16b: {  	[tilespmem:s2], [sflag:s16] =	stream.indirect_vreg.gather [hbm4b:s22+s6], $0x80, v14, vm0, $0xb8;
	[tilespmem:$0x1E380] =	vst v63  }
0x16c: {  	s2 =	sadd.s32 $0x6080, s20  }
0x16d: {  	[tilespmem:s2], [sflag:s16] =	stream.indirect_vreg.gather [hbm4b:s24+s6], $0x80, v14, vm0, $0xb8;
	[tilespmem:$0x1E380] =	vst v63  }
0x16e: {  	s2 =	sadd.s32 $0x6880, s20  }
0x16f: {  	[tilespmem:s2], [sflag:s16] =	stream.indirect_vreg.gather [hbm4b:s25+s6], $0x80, v14, vm0, $0xb8;
	[tilespmem:$0x1E380] =	vst v63  }
0x170: {  	s2 =	sadd.s32 $0x7080, s20  }
0x171: {  	[tilespmem:s2], [sflag:s16] =	stream.indirect_vreg.gather [hbm4b:s26+s6], $0x80, v14, vm0, $0xb8;
	[tilespmem:$0x1E380] =	vst v63  }
0x172: {  	s2 =	sadd.s32 $0x7880, s20  }
0x173: {  	[tilespmem:s2], [sflag:s16] =	stream.indirect_vreg.gather [hbm4b:s4+s6], $0x80, v14, vm0, $0xb8;
	[tilespmem:$0x1E380] =	vst v63  }
0x174: {  	v14 =	vld [tilespmem:s14+$0x10];
	_ =	sdelay $0x4  }
0x175: {  	v15 =	vshrl.u32 v14, $0x3  }
0x176: {  	v15 =	vmul.u32 $0x1870, v15  }
0x177: {  	v14 =	vand.u32 $0x7, v14  }
0x178: {  	v14 =	vor.u32 v14, v15  }
0x179: {  	v15 =	vperm.xlane v14, v6;
	_ =	sdelay $0x1  }
0x17a: {  	v15 =	vadd.s32 v7, v15;
	_ =	sdelay $0x3  }
0x17b: {  	s2 =	sadd.s32 $0x8080, s20  }
0x17c: {  	[tilespmem:s2], [sflag:s16] =	stream.indirect_vreg.gather [hbm4b:s23+s6], $0x80, v15, vm0, $0xb8;
	[tilespmem:$0x1E380] =	vst v63  }
0x17d: {  	s2 =	sadd.s32 $0x8880, s20  }
0x17e: {  	[tilespmem:s2], [sflag:s16] =	stream.indirect_vreg.gather [hbm4b:s22+s6], $0x80, v15, vm0, $0xb8;
	[tilespmem:$0x1E380] =	vst v63  }
0x17f: {  	s2 =	sadd.s32 $0x9080, s20  }
0x180: {  	[tilespmem:s2], [sflag:s16] =	stream.indirect_vreg.gather [hbm4b:s24+s6], $0x80, v15, vm0, $0xb8;
	[tilespmem:$0x1E380] =	vst v63  }
0x181: {  	v14 =	vperm.xlane v14, v8;
	s2 =	sadd.s32 $0x9880, s20  }
0x182: {  	[tilespmem:s2], [sflag:s16] =	stream.indirect_vreg.gather [hbm4b:s25+s6], $0x80, v15, vm0, $0xb8;
	[tilespmem:$0x1E380] =	vst v63  }
0x183: {  	v14 =	vadd.s32 v7, v14;
	s2 =	sadd.s32 $0xA080, s20  }
0x184: {  	[tilespmem:s2], [sflag:s16] =	stream.indirect_vreg.gather [hbm4b:s26+s6], $0x80, v15, vm0, $0xb8;
	[tilespmem:$0x1E380] =	vst v63  }
0x185: {  	s2 =	sadd.s32 $0xA880, s20  }
0x186: {  	[tilespmem:s2], [sflag:s16] =	stream.indirect_vreg.gather [hbm4b:s4+s6], $0x80, v15, vm0, $0xb8;
	[tilespmem:$0x1E380] =	vst v63  }
0x187: {  	s2 =	sadd.s32 $0xB080, s20  }
0x188: {  	[tilespmem:s2], [sflag:s16] =	stream.indirect_vreg.gather [hbm4b:s23+s6], $0x80, v14, vm0, $0xb8;
	[tilespmem:$0x1E380] =	vst v63  }
0x189: {  	s23 =	sadd.s32 $0xB880, s20  }
0x18a: {  	[tilespmem:s23], [sflag:s16] =	stream.indirect_vreg.gather [hbm4b:s22+s6], $0x80, v14, vm0, $0xb8;
	[tilespmem:$0x1E380] =	vst v63  }
0x18b: {  	s23 =	sadd.s32 $0xC080, s20  }
0x18c: {  	[tilespmem:s23], [sflag:s16] =	stream.indirect_vreg.gather [hbm4b:s24+s6], $0x80, v14, vm0, $0xb8;
	[tilespmem:$0x1E380] =	vst v63  }
0x18d: {  	s24 =	sadd.s32 $0xC880, s20  }
0x18e: {  	[tilespmem:s24], [sflag:s16] =	stream.indirect_vreg.gather [hbm4b:s25+s6], $0x80, v14, vm0, $0xb8;
	[tilespmem:$0x1E380] =	vst v63  }
.Ltmp12:
0x18f: {  	_ = 	snop;
	(pc) =	sbr.rel .LBB2_13-.Ltmp12, $4  }
0x190: {  	s25 =	sadd.s32 $0xD080, s20  }
0x191: {  	[tilespmem:s25], [sflag:s16] =	stream.indirect_vreg.gather [hbm4b:s26+s6], $0x80, v14, vm0, $0xb8;
	[tilespmem:$0x1E380] =	vst v63  }
0x192: {  	s26 =	sadd.s32 $0xD880, s20  }
0x193: {  	[tilespmem:s26], [sflag:s16] =	stream.indirect_vreg.gather [hbm4b:s4+s6], $0x80, v14, vm0, $0xb8;
	[tilespmem:$0x1E380] =	vst v63  }
.LBB2_12:
0x194: {  	v14 =	vld [tilespmem:s14+$0x0];
	_ =	sdelay $0x4  }
0x195: {  	v15 =	vshrl.u32 v14, $0x3  }
0x196: {  	v15 =	vmul.u32 $0x1870, v15  }
0x197: {  	v14 =	vand.u32 $0x7, v14  }
0x198: {  	v14 =	vor.u32 v14, v15  }
0x199: {  	v15 =	vperm.xlane v14, v6;
	_ =	sdelay $0x1  }
0x19a: {  	v15 =	vadd.s32 v7, v15;
	_ =	sdelay $0x4  }
0x19b: {  	[tilespmem:s22], [sflag:s16] =	stream.indirect_vreg.gather [hbm4b:s12+s6], $0x80, v15, vm0, $0xb8;
	[tilespmem:$0x1E380] =	vst v63  }
0x19c: {  	s2 =	sadd.s32 $0x100, s12;
	s4 =	sadd.s32 $0x2880, s20  }
0x19d: {  	[tilespmem:s4], [sflag:s16] =	stream.indirect_vreg.gather [hbm4b:s2+s6], $0x80, v15, vm0, $0xb8;
	[tilespmem:$0x1E380] =	vst v63  }
0x19e: {  	s25 =	sadd.s32 $0x3080, s20;
	s4 =	sadd.s32 $0x200, s12  }
0x19f: {  	[tilespmem:s25], [sflag:s16] =	stream.indirect_vreg.gather [hbm4b:s4+s6], $0x80, v15, vm0, $0xb8;
	[tilespmem:$0x1E380] =	vst v63  }
0x1a0: {  	s23 =	sadd.s32 $0x3880, s20;
	v14 =	vperm.xlane v14, v8;
	s22 =	sadd.s32 $0x300, s12  }
0x1a1: {  	[tilespmem:s23], [sflag:s16] =	stream.indirect_vreg.gather [hbm4b:s22+s6], $0x80, v15, vm0, $0xb8;
	[tilespmem:$0x1E380] =	vst v63  }
0x1a2: {  	s24 =	sadd.s32 $0x4080, s20;
	v14 =	vadd.s32 v7, v14;
	s23 =	sadd.s32 $0x400, s12  }
0x1a3: {  	[tilespmem:s24], [sflag:s16] =	stream.indirect_vreg.gather [hbm4b:s23+s6], $0x80, v15, vm0, $0xb8;
	[tilespmem:$0x1E380] =	vst v63  }
0x1a4: {  	s25 =	sadd.s32 $0x4880, s20;
	s24 =	sadd.s32 $0x500, s12  }
0x1a5: {  	[tilespmem:s25], [sflag:s16] =	stream.indirect_vreg.gather [hbm4b:s24+s6], $0x80, v15, vm1, $0xb8;
	[tilespmem:$0x1E380] =	vst v63  }
0x1a6: {  	s26 =	sadd.s32 $0x5080, s20  }
0x1a7: {  	[tilespmem:s26], [sflag:s16] =	stream.indirect_vreg.gather [hbm4b:s12+s6], $0x80, v14, vm0, $0xb8;
	[tilespmem:$0x1E380] =	vst v63  }
0x1a8: {  	s26 =	sadd.s32 $0x5880, s20  }
0x1a9: {  	[tilespmem:s26], [sflag:s16] =	stream.indirect_vreg.gather [hbm4b:s2+s6], $0x80, v14, vm0, $0xb8;
	[tilespmem:$0x1E380] =	vst v63  }
0x1aa: {  	s26 =	sadd.s32 $0x6080, s20  }
0x1ab: {  	[tilespmem:s26], [sflag:s16] =	stream.indirect_vreg.gather [hbm4b:s4+s6], $0x80, v14, vm0, $0xb8;
	[tilespmem:$0x1E380] =	vst v63  }
0x1ac: {  	s26 =	sadd.s32 $0x6880, s20  }
0x1ad: {  	[tilespmem:s26], [sflag:s16] =	stream.indirect_vreg.gather [hbm4b:s22+s6], $0x80, v14, vm0, $0xb8;
	[tilespmem:$0x1E380] =	vst v63  }
0x1ae: {  	s26 =	sadd.s32 $0x7080, s20  }
0x1af: {  	[tilespmem:s26], [sflag:s16] =	stream.indirect_vreg.gather [hbm4b:s23+s6], $0x80, v14, vm0, $0xb8;
	[tilespmem:$0x1E380] =	vst v63  }
0x1b0: {  	s26 =	sadd.s32 $0x7880, s20  }
0x1b1: {  	[tilespmem:s26], [sflag:s16] =	stream.indirect_vreg.gather [hbm4b:s24+s6], $0x80, v14, vm1, $0xb8;
	[tilespmem:$0x1E380] =	vst v63  }
0x1b2: {  	v14 =	vld [tilespmem:s14+$0x10];
	_ =	sdelay $0x4  }
0x1b3: {  	v15 =	vshrl.u32 v14, $0x3  }
0x1b4: {  	v15 =	vmul.u32 $0x1870, v15  }
0x1b5: {  	v14 =	vand.u32 $0x7, v14  }
0x1b6: {  	v14 =	vor.u32 v14, v15  }
0x1b7: {  	v15 =	vperm.xlane v14, v6;
	_ =	sdelay $0x1  }
0x1b8: {  	v15 =	vadd.s32 v7, v15;
	_ =	sdelay $0x3  }
0x1b9: {  	s26 =	sadd.s32 $0x8080, s20  }
0x1ba: {  	[tilespmem:s26], [sflag:s16] =	stream.indirect_vreg.gather [hbm4b:s12+s6], $0x80, v15, vm0, $0xb8;
	[tilespmem:$0x1E380] =	vst v63  }
0x1bb: {  	s26 =	sadd.s32 $0x8880, s20  }
0x1bc: {  	[tilespmem:s26], [sflag:s16] =	stream.indirect_vreg.gather [hbm4b:s2+s6], $0x80, v15, vm0, $0xb8;
	[tilespmem:$0x1E380] =	vst v63  }
0x1bd: {  	s26 =	sadd.s32 $0x9080, s20  }
0x1be: {  	[tilespmem:s26], [sflag:s16] =	stream.indirect_vreg.gather [hbm4b:s4+s6], $0x80, v15, vm0, $0xb8;
	[tilespmem:$0x1E380] =	vst v63  }
0x1bf: {  	v14 =	vperm.xlane v14, v8;
	s26 =	sadd.s32 $0x9880, s20  }
0x1c0: {  	[tilespmem:s26], [sflag:s16] =	stream.indirect_vreg.gather [hbm4b:s22+s6], $0x80, v15, vm0, $0xb8;
	[tilespmem:$0x1E380] =	vst v63  }
0x1c1: {  	v14 =	vadd.s32 v7, v14;
	s26 =	sadd.s32 $0xA080, s20  }
0x1c2: {  	[tilespmem:s26], [sflag:s16] =	stream.indirect_vreg.gather [hbm4b:s23+s6], $0x80, v15, vm0, $0xb8;
	[tilespmem:$0x1E380] =	vst v63  }
0x1c3: {  	s26 =	sadd.s32 $0xA880, s20  }
0x1c4: {  	[tilespmem:s26], [sflag:s16] =	stream.indirect_vreg.gather [hbm4b:s24+s6], $0x80, v15, vm1, $0xb8;
	[tilespmem:$0x1E380] =	vst v63  }
0x1c5: {  	s26 =	sadd.s32 $0xB080, s20  }
0x1c6: {  	[tilespmem:s26], [sflag:s16] =	stream.indirect_vreg.gather [hbm4b:s12+s6], $0x80, v14, vm0, $0xb8;
	[tilespmem:$0x1E380] =	vst v63  }
0x1c7: {  	s26 =	sadd.s32 $0xB880, s20  }
0x1c8: {  	[tilespmem:s26], [sflag:s16] =	stream.indirect_vreg.gather [hbm4b:s2+s6], $0x80, v14, vm0, $0xb8;
	[tilespmem:$0x1E380] =	vst v63  }
0x1c9: {  	s25 =	sadd.s32 $0xC080, s20  }
0x1ca: {  	[tilespmem:s25], [sflag:s16] =	stream.indirect_vreg.gather [hbm4b:s4+s6], $0x80, v14, vm0, $0xb8;
	[tilespmem:$0x1E380] =	vst v63  }
0x1cb: {  	s26 =	sadd.s32 $0xC880, s20  }
0x1cc: {  	[tilespmem:s26], [sflag:s16] =	stream.indirect_vreg.gather [hbm4b:s22+s6], $0x80, v14, vm0, $0xb8;
	[tilespmem:$0x1E380] =	vst v63  }
0x1cd: {  	s4 =	sadd.s32 $0xD080, s20  }
0x1ce: {  	[tilespmem:s4], [sflag:s16] =	stream.indirect_vreg.gather [hbm4b:s23+s6], $0x80, v14, vm0, $0xb8;
	[tilespmem:$0x1E380] =	vst v63  }
0x1cf: {  	s22 =	sadd.s32 $0xD880, s20  }
0x1d0: {  	[tilespmem:s22], [sflag:s16] =	stream.indirect_vreg.gather [hbm4b:s24+s6], $0x80, v14, vm1, $0xb8;
	[tilespmem:$0x1E380] =	vst v63  }
0x1d1: {  	v14 =	vld [tilespmem:s14+$0x0];
	_ =	sdelay $0x4  }
0x1d2: {  	v15 =	vperm.xlane v14, v6;
	_ =	sdelay $0x1  }
0x1d3: {  	v14 =	vperm.xlane v14, v8;
	v15 =	vadd.s32 v7, v15;
	_ =	sdelay $0x1  }
0x1d4: {  	v14 =	vadd.s32 v7, v14;
	_ =	sdelay $0x1  }
0x1d5: {  	s23 =	sadd.s32 $0x4C80, s20  }
0x1d6: {  	[tilespmem:s23], [sflag:s16] =	stream.indirect_vreg.gather [hbm4b:s3+s6], $0x80, v15, vm1, $0xb8;
	[tilespmem:$0x1E380] =	vst v63  }
0x1d7: {  	s24 =	sadd.s32 $0x7C80, s20  }
0x1d8: {  	[tilespmem:s24], [sflag:s16] =	stream.indirect_vreg.gather [hbm4b:s3+s6], $0x80, v14, vm1, $0xb8;
	[tilespmem:$0x1E380] =	vst v63  }
0x1d9: {  	v14 =	vld [tilespmem:s14+$0x10];
	_ =	sdelay $0x4  }
0x1da: {  	v15 =	vperm.xlane v14, v6;
	_ =	sdelay $0x1  }
0x1db: {  	v14 =	vperm.xlane v14, v8;
	v15 =	vadd.s32 v7, v15;
	_ =	sdelay $0x1  }
0x1dc: {  	v14 =	vadd.s32 v7, v14;
	_ =	sdelay $0x1  }
0x1dd: {  	s25 =	sadd.s32 $0xAC80, s20  }
0x1de: {  	[tilespmem:s25], [sflag:s16] =	stream.indirect_vreg.gather [hbm4b:s3+s6], $0x80, v15, vm1, $0xb8;
	[tilespmem:$0x1E380] =	vst v63  }
0x1df: {  	s26 =	sadd.s32 $0xDC80, s20  }
0x1e0: {  	[tilespmem:s26], [sflag:s16] =	stream.indirect_vreg.gather [hbm4b:s3+s6], $0x80, v14, vm1, $0xb8;
	[tilespmem:$0x1E380] =	vst v63  }
.LBB2_13:
0x1e1: {  	s16 =	simm.s32 $0x1A0A0  }
0x1e2: {  	v17 =	vld [tilespmem:s16+$0xFFFFFFE0];
	_ =	sdelay $0x1  }
0x1e3: {  	s2 =	smul.u32 $0x600, s18;
	_ =	sdelay $0x1  }
0x1e4: {  	s4 =	sadd.s32 $0x600, s2  }
0x1e5: {  	v14 =	vmov s2;
	v15 =	vmov s4;
	v18 =	vand.u32 $0x1FFFF, v17  }
0x1e6: {  	vm2 =	vge.u32 v18, v14;
	vm3 =	vlt.u32 v18, v15  }
0x1e7: {  	vm2 =	vmand vm2, vm3  }
0x1e8: {  	v16 =	vmpcnt.ones.xlane vm2;
	_ =	sdelay $0x1  }
0x1e9: {  	(v2sf) =	vpush v16, $0x0;
	_ =	sdelay $0xe  }
0x1ea: {  	p1 =	seq.s32 s18, $0x41;
	s23 =	spop (v2sf)  }
0x1eb: {  	s2 =	simm.s32 @p1 $0x18100;
	p1 =	slt.s32 s23, $0x1  }
0x1ec: {  	v16 =	vmov s2;
	v17 =	vshra.s32 @!p1 v17, $0x6  }
0x1ed: {  	v18 =	vsub.s32 @!p1 v18, v16;
	v17 =	vand.u32 @!p1 $0xFFFFF800, v17  }
0x1ee: {  	s2 =	simm.s32 $0x0;
	v17 =	vor.u32 @!p1 v18, v17  }
0x1ef: {  	[tilespmem:s2+$0x1B100] =	vst.msk @!p1 vm2, v17  }
0x1f0: {  	v17 =	vld [tilespmem:s16+$0xFFFFFFF0];
	_ =	sdelay $0x4  }
0x1f1: {  	v18 =	vand.u32 $0x1FFFF, v17  }
0x1f2: {  	vm2 =	vge.u32 v18, v14;
	vm3 =	vlt.u32 v18, v15  }
0x1f3: {  	vm2 =	vmand vm2, vm3  }
0x1f4: {  	v19 =	vmpcnt.ones.xlane vm2;
	_ =	sdelay $0x1  }
0x1f5: {  	(v2sf) =	vpush v19, $0x0;
	_ =	sdelay $0xe  }
0x1f6: {  	s24 =	spop (v2sf)  }
0x1f7: {  	p1 =	slt.s32 s24, $0x1  }
0x1f8: {  	v17 =	vshra.s32 @!p1 v17, $0x6  }
0x1f9: {  	v18 =	vsub.s32 @!p1 v18, v16;
	v17 =	vand.u32 @!p1 $0xFFFFF800, v17  }
0x1fa: {  	s4 =	sadd.s32 $0x0, s23;
	v17 =	vor.u32 @!p1 v18, v17  }
0x1fb: {  	[tilespmem:s4+$0x1B100] =	vst.msk @!p1 vm2, v17  }
0x1fc: {  	v17 =	vld [tilespmem:s16+$0x0];
	_ =	sdelay $0x4  }
0x1fd: {  	v18 =	vand.u32 $0x1FFFF, v17  }
0x1fe: {  	vm2 =	vge.u32 v18, v14;
	vm3 =	vlt.u32 v18, v15  }
0x1ff: {  	vm2 =	vmand vm2, vm3  }
0x200: {  	v19 =	vmpcnt.ones.xlane vm2;
	_ =	sdelay $0x1  }
0x201: {  	(v2sf) =	vpush v19, $0x0;
	_ =	sdelay $0xe  }
0x202: {  	s25 =	spop (v2sf)  }
0x203: {  	p1 =	slt.s32 s25, $0x1  }
0x204: {  	v17 =	vshra.s32 @!p1 v17, $0x6  }
0x205: {  	v18 =	vsub.s32 @!p1 v18, v16;
	v17 =	vand.u32 @!p1 $0xFFFFF800, v17  }
0x206: {  	s2 =	sadd.s32 s4, s24;
	v17 =	vor.u32 @!p1 v18, v17  }
0x207: {  	[tilespmem:s2+$0x1B100] =	vst.msk @!p1 vm2, v17  }
0x208: {  	v17 =	vld [tilespmem:s16+$0x10];
	_ =	sdelay $0x4  }
0x209: {  	v18 =	vand.u32 $0x1FFFF, v17  }
0x20a: {  	vm2 =	vge.u32 v18, v14;
	vm3 =	vlt.u32 v18, v15  }
0x20b: {  	vm2 =	vmand vm2, vm3  }
0x20c: {  	v19 =	vmpcnt.ones.xlane vm2;
	_ =	sdelay $0x1  }
0x20d: {  	(v2sf) =	vpush v19, $0x0;
	_ =	sdelay $0xe  }
0x20e: {  	s26 =	spop (v2sf)  }
0x20f: {  	p2 =	slt.s32 s26, $0x1  }
0x210: {  	v17 =	vshra.s32 @!p2 v17, $0x6  }
0x211: {  	s22 =	sadd.s32 s2, s25;
	v18 =	vsub.s32 @!p2 v18, v16;
	v17 =	vand.u32 @!p2 $0xFFFFF800, v17  }
0x212: {  	s18 =	simm.s32 $0x0;
	s20 =	sadd.s32 s22, s26;
	v17 =	vor.u32 @!p2 v18, v17  }
.LBB2_14:
0x213: {  	s18 =	sadd.s32 $0x4, s18;
	[tilespmem:s22+$0x1B100] =	vst.msk @!p2 vm2, v17;
	s16 =	sadd.s32 $0x40, s16  }
0x214: {  	v17 =	vld [tilespmem:s16+$0xFFFFFFE0];
	p1 =	slt.u32 s18, $0xC;
	_ =	sdelay $0x4  }
0x215: {  	v18 =	vand.u32 $0x1FFFF, v17  }
0x216: {  	vm2 =	vge.u32 v18, v14;
	vm3 =	vlt.u32 v18, v15  }
0x217: {  	vm2 =	vmand vm2, vm3  }
0x218: {  	v19 =	vmpcnt.ones.xlane vm2;
	_ =	sdelay $0x1  }
0x219: {  	(v2sf) =	vpush v19, $0x0;
	_ =	sdelay $0xe  }
0x21a: {  	s2 =	spop (v2sf)  }
0x21b: {  	p2 =	slt.s32 s2, $0x1  }
0x21c: {  	v17 =	vshra.s32 @!p2 v17, $0x6;
	v18 =	vsub.s32 @!p2 v18, v16  }
0x21d: {  	v17 =	vand.u32 @!p2 $0xFFFFF800, v17  }
0x21e: {  	v17 =	vor.u32 @!p2 v18, v17  }
0x21f: {  	[tilespmem:s20+$0x1B100] =	vst.msk @!p2 vm2, v17  }
0x220: {  	v17 =	vld [tilespmem:s16+$0xFFFFFFF0];
	_ =	sdelay $0x4  }
0x221: {  	v18 =	vand.u32 $0x1FFFF, v17  }
0x222: {  	vm2 =	vge.u32 v18, v14;
	vm3 =	vlt.u32 v18, v15  }
0x223: {  	vm2 =	vmand vm2, vm3  }
0x224: {  	v19 =	vmpcnt.ones.xlane vm2;
	_ =	sdelay $0x1  }
0x225: {  	(v2sf) =	vpush v19, $0x0;
	_ =	sdelay $0xe  }
0x226: {  	s4 =	spop (v2sf)  }
0x227: {  	p2 =	slt.s32 s4, $0x1  }
0x228: {  	v17 =	vshra.s32 @!p2 v17, $0x6;
	v18 =	vsub.s32 @!p2 v18, v16  }
0x229: {  	v17 =	vand.u32 @!p2 $0xFFFFF800, v17  }
0x22a: {  	s2 =	sadd.s32 s20, s2;
	v17 =	vor.u32 @!p2 v18, v17  }
0x22b: {  	[tilespmem:s2+$0x1B100] =	vst.msk @!p2 vm2, v17  }
0x22c: {  	v17 =	vld [tilespmem:s16+$0x0];
	_ =	sdelay $0x4  }
0x22d: {  	v18 =	vand.u32 $0x1FFFF, v17  }
0x22e: {  	vm2 =	vge.u32 v18, v14;
	vm3 =	vlt.u32 v18, v15  }
0x22f: {  	vm2 =	vmand vm2, vm3  }
0x230: {  	v19 =	vmpcnt.ones.xlane vm2;
	_ =	sdelay $0x1  }
0x231: {  	(v2sf) =	vpush v19, $0x0;
	_ =	sdelay $0xe  }
0x232: {  	s20 =	spop (v2sf)  }
0x233: {  	p2 =	slt.s32 s20, $0x1  }
0x234: {  	v17 =	vshra.s32 @!p2 v17, $0x6;
	v18 =	vsub.s32 @!p2 v18, v16  }
0x235: {  	v17 =	vand.u32 @!p2 $0xFFFFF800, v17  }
0x236: {  	s2 =	sadd.s32 s2, s4;
	v17 =	vor.u32 @!p2 v18, v17  }
0x237: {  	[tilespmem:s2+$0x1B100] =	vst.msk @!p2 vm2, v17  }
0x238: {  	v17 =	vld [tilespmem:s16+$0x10];
	_ =	sdelay $0x4  }
0x239: {  	v18 =	vand.u32 $0x1FFFF, v17  }
0x23a: {  	vm2 =	vge.u32 v18, v14;
	vm3 =	vlt.u32 v18, v15  }
0x23b: {  	vm2 =	vmand vm2, vm3  }
0x23c: {  	v19 =	vmpcnt.ones.xlane vm2;
	_ =	sdelay $0x1  }
0x23d: {  	(v2sf) =	vpush v19, $0x0;
	_ =	sdelay $0xe  }
.Ltmp13:
0x23e: {  	s22 =	sadd.s32 s2, s20;
	s2 =	spop (v2sf);
	(pc) =	sbr.rel @p1 .LBB2_14-.Ltmp13, $4  }
0x23f: {  	p2 =	slt.s32 s2, $0x1;
	s20 =	sadd.s32 s22, s2  }
0x240: {  	v17 =	vshra.s32 @!p2 v17, $0x6;
	v18 =	vsub.s32 @!p2 v18, v16  }
0x241: {  	v17 =	vand.u32 @!p2 $0xFFFFF800, v17  }
0x242: {  	v17 =	vor.u32 @!p2 v18, v17  }
0x243: {  	[tilespmem:s22+$0x1B100] =	vst.msk @!p2 vm2, v17  }
0x244: {  	v17 =	vld [tilespmem:$0x1A180];
	_ =	sdelay $0x4  }
0x245: {  	v18 =	vand.u32 $0x1FFFF, v17  }
0x246: {  	vm2 =	vge.u32 v18, v14;
	vm3 =	vlt.u32 v18, v15  }
0x247: {  	vm2 =	vmand vm2, vm3  }
0x248: {  	v19 =	vmpcnt.ones.xlane vm2;
	_ =	sdelay $0x1  }
0x249: {  	(v2sf) =	vpush v19, $0x0;
	_ =	sdelay $0xe  }
0x24a: {  	s2 =	spop (v2sf)  }
.Ltmp14:
0x24b: {  	p1 =	slt.s32 s2, $0x1;
	(pc) =	sbr.rel @p0 .LBB2_19-.Ltmp14, $4  }
0x24c: {  	v17 =	vshra.s32 @!p1 v17, $0x6  }
0x24d: {  	v18 =	vsub.s32 @!p1 v18, v16;
	v17 =	vand.u32 @!p1 $0xFFFFF800, v17  }
0x24e: {  	v17 =	vor.u32 @!p1 v18, v17  }
0x24f: {  	s18 =	simm.s32 $0x1A190;
	s16 =	sadd.s32 s20, s2;
	[tilespmem:s20+$0x1B100] =	vst.msk @!p1 vm2, v17  }
0x250: {  	v17 =	vld [tilespmem:s18+$0x0];
	_ =	sdelay $0x4  }
0x251: {  	v18 =	vand.u32 $0x1FFFF, v17  }
0x252: {  	vm2 =	vge.u32 v18, v14;
	vm3 =	vlt.u32 v18, v15  }
0x253: {  	vm2 =	vmand vm2, vm3  }
0x254: {  	v19 =	vmpcnt.ones.xlane vm2;
	_ =	sdelay $0x1  }
0x255: {  	(v2sf) =	vpush v19, $0x0;
	_ =	sdelay $0xc  }
0x256: {  	s20 =	sadd.s32 $0xFFFFFFFF, s15  }
0x257: {  	p1 =	sne.s32 s20, $0x0  }
.Ltmp15:
0x258: {  	s2 =	spop (v2sf);
	(pc) =	sbr.rel @!p1 .LBB2_18-.Ltmp15, $4  }
0x259: {  	p2 =	slt.s32 s2, $0x1  }
0x25a: {  	v17 =	vshra.s32 @!p2 v17, $0x6  }
0x25b: {  	v18 =	vsub.s32 @!p2 v18, v16;
	v17 =	vand.u32 @!p2 $0xFFFFF800, v17  }
0x25c: {  	s22 =	sadd.s32 s16, s2;
	v17 =	vor.u32 @!p2 v18, v17  }
.LBB2_17:
0x25d: {  	s20 =	sadd.s32 $0xFFFFFFFF, s20;
	[tilespmem:s16+$0x1B100] =	vst.msk @!p2 vm2, v17;
	s18 =	sadd.s32 $0x10, s18;
	s16 =	smov.u32 s22  }
0x25e: {  	v17 =	vld [tilespmem:s18+$0x0];
	p1 =	sne.s32 s20, $0x0;
	_ =	sdelay $0x4  }
0x25f: {  	v18 =	vand.u32 $0x1FFFF, v17  }
0x260: {  	vm2 =	vge.u32 v18, v14;
	vm3 =	vlt.u32 v18, v15  }
0x261: {  	vm2 =	vmand vm2, vm3  }
0x262: {  	v19 =	vmpcnt.ones.xlane vm2;
	_ =	sdelay $0x1  }
0x263: {  	(v2sf) =	vpush v19, $0x0;
	_ =	sdelay $0xe  }
.Ltmp16:
0x264: {  	s2 =	spop (v2sf);
	(pc) =	sbr.rel @p1 .LBB2_17-.Ltmp16, $4  }
0x265: {  	p2 =	slt.s32 s2, $0x1;
	s22 =	sadd.s32 s22, s2  }
0x266: {  	v17 =	vshra.s32 @!p2 v17, $0x6;
	v18 =	vsub.s32 @!p2 v18, v16  }
0x267: {  	v17 =	vand.u32 @!p2 $0xFFFFF800, v17  }
0x268: {  	v17 =	vor.u32 @!p2 v18, v17  }
.LBB2_18:
0x269: {  	[tilespmem:s16+$0x1B100] =	vst.msk @!p2 vm2, v17;
	s16 =	smov.u32 s22  }
.LBB2_19:
0x26a: {  	s4 =	sadd.s32 $0xF, s16  }
0x26b: {  	s22 =	sshra.s32 s4, $0x4  }
0x26c: {  	p1 =	slt.s32 s22, $0x1  }
.Ltmp17:
0x26d: {  	s18 =	sand.u32 $0x1, s13;
	(pc) =	sbr.rel @p1 .LBB2_23-.Ltmp17, $4  }
0x26e: {  	[tilespmem:s16+$0x1B100] =	vst v12;
	s2 =	sadd.s32 $0x1, s18  }
0x26f: {  	_ =	swait.ge [sflag:s2], $0xC000  }
0x270: {  	[sflag:s2] =	ssyncset.done $0x0  }
0x271: {  	[sflag:s2] =	ssyncadd.s32 $0xFFFF4000  }
0x272: {  	s16 =	simm.s32 $0x1B100  }
0x273: {  	v15 =	vld [tilespmem:s16+$0x0];
	_ =	sdelay $0x4  }
0x274: {  	v14 =	vand.u32 $0x7FF, v15  }
0x275: {  	s23 =	sand.u32 $0x3, s31;
	v16 =	vbroadcast v14, $0x0  }
0x276: {  	s2 =	sld [smem:s23+$0x1]  }
0x277: {  	v17 =	vshll.u32 v16, $0x3  }
0x278: {  	v16 =	vand.u32 $0x7F, v16;
	v17 =	vand.u32 $0x3C00, v17  }
0x279: {  	p1 =	sne.s32 s2, $0x1;
	v15 =	vshra.s32 v15, $0xB;
	v16 =	vor.u32 v16, v17  }
0x27a: {  	s2 =	sadd.s32 @!p1 $0x3, s23;
	v17 =	vmul.u32 $0x1A, v15;
	v18 =	vadd.s32 v10, v16  }
0x27b: {  	s4 =	smul.u32 $0x30000, s18;
	_ =	swait.ge @!p1 [sflag:s2], $0x800;
	v16 =	vadd.s32 v11, v16  }
0x27c: {  	v19 =	vbroadcast v14, $0x1;
	vm2 =	vgt.s32 v15, $0xFFF;
	[sflag:s2] =	ssyncset.done @!p1 $0x0;
	v15 =	vadd.s32 v13, v17  }
0x27d: {  	s24 =	sshll.u32 s23, $0x7;
	s4 =	sshrl.u32 s4, $0x2;
	[sflag:s2] =	ssyncadd.s32 @!p1 $0xFFFFF800;
	v15 =	vsel vm2, v2, v15  }
0x27e: {  	s18 =	sor.u32 $0x2080, s4;
	v17 =	vshll.u32 v19, $0x3;
	[tilespmem:s24+$0x1E180] =	vst v15  }
0x27f: {  	v17 =	vand.u32 $0x3C00, v17;
	v15 =	vand.u32 $0x7F, v19;
	v18 =	vld.idx.msk [tilespmem:v18+s18+$0x0], $0xffff  }
0x280: {  	v15 =	vor.u32 v15, v17;
	v16 =	vld.idx.msk [tilespmem:v16+s18+$0x0], $0xffff  }
0x281: {  	v17 =	vadd.s32 v10, v15  }
0x282: {  	v15 =	vadd.s32 v11, v15  }
0x283: {  	s20 =	sshll.u32 s23, $0xB;
	v19 =	vbroadcast v14, $0x2  }
0x284: {  	[tilespmem:s20+$0x1C180] =	vst v18  }
0x285: {  	v18 =	vshll.u32 v19, $0x3;
	[tilespmem:s20+$0x1C190] =	vst v16  }
0x286: {  	v16 =	vand.u32 $0x7F, v19;
	v18 =	vand.u32 $0x3C00, v18;
	v17 =	vld.idx.msk [tilespmem:v17+s18+$0x0], $0xffff  }
0x287: {  	v15 =	vld.idx.msk [tilespmem:v15+s18+$0x0], $0xffff;
	v16 =	vor.u32 v16, v18  }
0x288: {  	v18 =	vadd.s32 v10, v16  }
0x289: {  	v16 =	vadd.s32 v11, v16  }
0x28a: {  	v19 =	vbroadcast v14, $0x3  }
0x28b: {  	[tilespmem:s20+$0x1C200] =	vst v17  }
0x28c: {  	v17 =	vshll.u32 v19, $0x3;
	[tilespmem:s20+$0x1C210] =	vst v15  }
0x28d: {  	v15 =	vand.u32 $0x7F, v19;
	v17 =	vand.u32 $0x3C00, v17;
	v18 =	vld.idx.msk [tilespmem:v18+s18+$0x0], $0xffff  }
0x28e: {  	v15 =	vor.u32 v15, v17;
	v16 =	vld.idx.msk [tilespmem:v16+s18+$0x0], $0xffff  }
0x28f: {  	v17 =	vadd.s32 v10, v15  }
0x290: {  	v15 =	vadd.s32 v11, v15  }
0x291: {  	v19 =	vbroadcast v14, $0x4  }
0x292: {  	[tilespmem:s20+$0x1C280] =	vst v18  }
0x293: {  	v18 =	vshll.u32 v19, $0x3;
	[tilespmem:s20+$0x1C290] =	vst v16  }
0x294: {  	v16 =	vand.u32 $0x7F, v19;
	v18 =	vand.u32 $0x3C00, v18;
	v17 =	vld.idx.msk [tilespmem:v17+s18+$0x0], $0xffff  }
0x295: {  	v15 =	vld.idx.msk [tilespmem:v15+s18+$0x0], $0xffff;
	v16 =	vor.u32 v16, v18  }
0x296: {  	v18 =	vadd.s32 v10, v16  }
0x297: {  	v16 =	vadd.s32 v11, v16  }
0x298: {  	v19 =	vbroadcast v14, $0x5  }
0x299: {  	[tilespmem:s20+$0x1C300] =	vst v17  }
0x29a: {  	v17 =	vshll.u32 v19, $0x3;
	[tilespmem:s20+$0x1C310] =	vst v15  }
0x29b: {  	v15 =	vand.u32 $0x7F, v19;
	v17 =	vand.u32 $0x3C00, v17;
	v18 =	vld.idx.msk [tilespmem:v18+s18+$0x0], $0xffff  }
0x29c: {  	v15 =	vor.u32 v15, v17;
	v16 =	vld.idx.msk [tilespmem:v16+s18+$0x0], $0xffff  }
0x29d: {  	v17 =	vadd.s32 v10, v15  }
0x29e: {  	v15 =	vadd.s32 v11, v15  }
0x29f: {  	v19 =	vbroadcast v14, $0x6  }
0x2a0: {  	[tilespmem:s20+$0x1C380] =	vst v18  }
0x2a1: {  	v18 =	vshll.u32 v19, $0x3;
	[tilespmem:s20+$0x1C390] =	vst v16  }
0x2a2: {  	v16 =	vand.u32 $0x7F, v19;
	v18 =	vand.u32 $0x3C00, v18;
	v17 =	vld.idx.msk [tilespmem:v17+s18+$0x0], $0xffff  }
0x2a3: {  	v15 =	vld.idx.msk [tilespmem:v15+s18+$0x0], $0xffff;
	v16 =	vor.u32 v16, v18  }
0x2a4: {  	v18 =	vadd.s32 v10, v16  }
0x2a5: {  	v16 =	vadd.s32 v11, v16  }
0x2a6: {  	v19 =	vbroadcast v14, $0x7  }
0x2a7: {  	[tilespmem:s20+$0x1C400] =	vst v17  }
0x2a8: {  	v17 =	vshll.u32 v19, $0x3;
	[tilespmem:s20+$0x1C410] =	vst v15  }
0x2a9: {  	v15 =	vand.u32 $0x7F, v19;
	v17 =	vand.u32 $0x3C00, v17;
	v18 =	vld.idx.msk [tilespmem:v18+s18+$0x0], $0xffff  }
0x2aa: {  	v15 =	vor.u32 v15, v17;
	v16 =	vld.idx.msk [tilespmem:v16+s18+$0x0], $0xffff  }
0x2ab: {  	v17 =	vadd.s32 v10, v15  }
0x2ac: {  	v15 =	vadd.s32 v11, v15  }
0x2ad: {  	v19 =	vbroadcast v14, $0x8  }
0x2ae: {  	[tilespmem:s20+$0x1C480] =	vst v18  }
0x2af: {  	v18 =	vshll.u32 v19, $0x3;
	[tilespmem:s20+$0x1C490] =	vst v16  }
0x2b0: {  	v16 =	vand.u32 $0x7F, v19;
	v18 =	vand.u32 $0x3C00, v18;
	v17 =	vld.idx.msk [tilespmem:v17+s18+$0x0], $0xffff  }
0x2b1: {  	v15 =	vld.idx.msk [tilespmem:v15+s18+$0x0], $0xffff;
	v16 =	vor.u32 v16, v18  }
0x2b2: {  	v18 =	vadd.s32 v10, v16  }
0x2b3: {  	v16 =	vadd.s32 v11, v16  }
0x2b4: {  	v19 =	vbroadcast v14, $0x9  }
0x2b5: {  	[tilespmem:s20+$0x1C500] =	vst v17  }
0x2b6: {  	v17 =	vshll.u32 v19, $0x3;
	[tilespmem:s20+$0x1C510] =	vst v15  }
0x2b7: {  	v15 =	vand.u32 $0x7F, v19;
	v17 =	vand.u32 $0x3C00, v17;
	v18 =	vld.idx.msk [tilespmem:v18+s18+$0x0], $0xffff  }
0x2b8: {  	v15 =	vor.u32 v15, v17;
	v16 =	vld.idx.msk [tilespmem:v16+s18+$0x0], $0xffff  }
0x2b9: {  	v17 =	vadd.s32 v10, v15  }
0x2ba: {  	v15 =	vadd.s32 v11, v15  }
0x2bb: {  	v19 =	vbroadcast v14, $0xA  }
0x2bc: {  	[tilespmem:s20+$0x1C580] =	vst v18  }
0x2bd: {  	v18 =	vshll.u32 v19, $0x3;
	[tilespmem:s20+$0x1C590] =	vst v16  }
0x2be: {  	v16 =	vand.u32 $0x7F, v19;
	v18 =	vand.u32 $0x3C00, v18;
	v17 =	vld.idx.msk [tilespmem:v17+s18+$0x0], $0xffff  }
0x2bf: {  	v15 =	vld.idx.msk [tilespmem:v15+s18+$0x0], $0xffff;
	v16 =	vor.u32 v16, v18  }
0x2c0: {  	v18 =	vadd.s32 v10, v16  }
0x2c1: {  	v16 =	vadd.s32 v11, v16  }
0x2c2: {  	v19 =	vbroadcast v14, $0xB  }
0x2c3: {  	[tilespmem:s20+$0x1C600] =	vst v17  }
0x2c4: {  	v17 =	vshll.u32 v19, $0x3;
	[tilespmem:s20+$0x1C610] =	vst v15  }
0x2c5: {  	v15 =	vand.u32 $0x7F, v19;
	v17 =	vand.u32 $0x3C00, v17;
	v18 =	vld.idx.msk [tilespmem:v18+s18+$0x0], $0xffff  }
0x2c6: {  	v15 =	vor.u32 v15, v17;
	v16 =	vld.idx.msk [tilespmem:v16+s18+$0x0], $0xffff  }
0x2c7: {  	v17 =	vadd.s32 v10, v15  }
0x2c8: {  	v15 =	vadd.s32 v11, v15  }
0x2c9: {  	v19 =	vbroadcast v14, $0xC  }
0x2ca: {  	[tilespmem:s20+$0x1C680] =	vst v18  }
0x2cb: {  	v18 =	vshll.u32 v19, $0x3;
	[tilespmem:s20+$0x1C690] =	vst v16  }
0x2cc: {  	v16 =	vand.u32 $0x7F, v19;
	v18 =	vand.u32 $0x3C00, v18;
	v17 =	vld.idx.msk [tilespmem:v17+s18+$0x0], $0xffff  }
0x2cd: {  	v15 =	vld.idx.msk [tilespmem:v15+s18+$0x0], $0xffff;
	v16 =	vor.u32 v16, v18  }
0x2ce: {  	v18 =	vadd.s32 v10, v16  }
0x2cf: {  	v16 =	vadd.s32 v11, v16  }
0x2d0: {  	v19 =	vbroadcast v14, $0xD  }
0x2d1: {  	[tilespmem:s20+$0x1C700] =	vst v17  }
0x2d2: {  	v17 =	vshll.u32 v19, $0x3;
	[tilespmem:s20+$0x1C710] =	vst v15  }
0x2d3: {  	v15 =	vand.u32 $0x7F, v19;
	v17 =	vand.u32 $0x3C00, v17;
	v18 =	vld.idx.msk [tilespmem:v18+s18+$0x0], $0xffff  }
0x2d4: {  	v15 =	vor.u32 v15, v17;
	v16 =	vld.idx.msk [tilespmem:v16+s18+$0x0], $0xffff  }
0x2d5: {  	v17 =	vadd.s32 v10, v15;
	_ =	sdelay $0x1  }
0x2d6: {  	v15 =	vadd.s32 v11, v15  }
0x2d7: {  	[tilespmem:s20+$0x1C780] =	vst v18  }
0x2d8: {  	[tilespmem:s20+$0x1C790] =	vst v16  }
0x2d9: {  	v16 =	vld.idx.msk [tilespmem:v17+s18+$0x0], $0xffff;
	v17 =	vbroadcast v14, $0xE;
	_ =	sdelay $0x1  }
0x2da: {  	v18 =	vld.idx.msk [tilespmem:v15+s18+$0x0], $0xffff;
	v15 =	vshll.u32 v17, $0x3  }
0x2db: {  	s22 =	sadd.s32 $0xFFFFFFFF, s22;
	v17 =	vand.u32 $0x7F, v17;
	v15 =	vand.u32 $0x3C00, v15  }
0x2dc: {  	p1 =	sne.s32 s22, $0x0;
	v20 =	vor.u32 v17, v15  }
.Ltmp18:
0x2dd: {  	v17 =	vadd.s32 v10, v20;
	(pc) =	sbr.rel @!p1 .LBB2_22-.Ltmp18, $3  }
0x2de: {  	v14 =	vbroadcast v14, $0xF;
	[tilespmem:s20+$0x1C800] =	vst v16;
	v16 =	vadd.s32 v11, v20;
	_ =	sdelay $0x1  }
0x2df: {  	s31 =	sadd.s32 $0x1, s31;
	s25 =	sor.u32 $0x1C180, s20;
	[smem:s23+$0x1] =	sst s30;
	v19 =	vshll.u32 v14, $0x3  }
0x2e0: {  	s23 =	sadd.s32 $0x3, s23;
	[smem:$0x0] =	sst s31;
	s24 =	sadd.s32 $0x1E180, s24;
	v15 =	vand.u32 $0x3C00, v19;
	[tilespmem:s20+$0x1C810] =	vst v18  }
.LBB2_21:
0x2e1: {  	s22 =	sadd.s32 $0xFFFFFFFF, s22;
	v17 =	vld.idx.msk [tilespmem:v17+s18+$0x0], $0xffff;
	s16 =	sadd.s32 $0x10, s16  }
0x2e2: {  	v14 =	vand.u32 $0x7F, v14;
	p1 =	sne.s32 s22, $0x0;
	v16 =	vld.idx.msk [tilespmem:v16+s18+$0x0], $0xffff  }
0x2e3: {  	v14 =	vor.u32 v14, v15  }
0x2e4: {  	v15 =	vadd.s32 v10, v14;
	v14 =	vadd.s32 v11, v14;
	_ =	sdelay $0x2  }
0x2e5: {  	[tilespmem:s20+$0x1C880] =	vst v17  }
0x2e6: {  	[tilespmem:s20+$0x1C890] =	vst v16  }
0x2e7: {  	v15 =	vld.idx.msk [tilespmem:v15+s18+$0x0], $0xffff  }
0x2e8: {  	v14 =	vld.idx.msk [tilespmem:v14+s18+$0x0], $0xffff;
	_ =	sdelay $0x4  }
0x2e9: {  	[tilespmem:s20+$0x1C900] =	vst v15  }
0x2ea: {  	[tilespmem:s20+$0x1C910] =	vst v14  }
0x2eb: {  	[hbm4b:s7+s29] =	stream.indirect.scatter [tilespmem:s25], [sflag:s23], $0x80, s24, s29, $0xb8;
	[tilespmem:$0x1E380] =	vst v63  }
0x2ec: {  	v14 =	vld [tilespmem:s16+$0x0];
	_ =	sdelay $0x4  }
0x2ed: {  	v15 =	vshra.s32 v14, $0xB;
	v14 =	vand.u32 $0x7FF, v14  }
0x2ee: {  	s23 =	sand.u32 $0x3, s31;
	v16 =	vmul.u32 $0x1A, v15;
	v17 =	vbroadcast v14, $0x0;
	v18 =	vbroadcast v14, $0x1  }
0x2ef: {  	v19 =	vbroadcast v14, $0x2;
	v20 =	vbroadcast v14, $0x3;
	s2 =	sld [smem:s23+$0x1]  }
0x2f0: {  	vm2 =	vgt.s32 v15, $0xFFF;
	v15 =	vadd.s32 v13, v16;
	v16 =	vshll.u32 v17, $0x3  }
0x2f1: {  	v17 =	vand.u32 $0x7F, v17;
	v21 =	vand.u32 $0x7F, v20;
	v16 =	vand.u32 $0x3C00, v16  }
0x2f2: {  	p2 =	sne.s32 s2, $0x1;
	v16 =	vor.u32 v17, v16;
	v17 =	vand.u32 $0x7F, v18;
	v18 =	vshll.u32 v18, $0x3  }
0x2f3: {  	s2 =	sadd.s32 @!p2 $0x3, s23;
	v22 =	vadd.s32 v10, v16;
	v16 =	vadd.s32 v11, v16;
	v18 =	vand.u32 $0x3C00, v18  }
0x2f4: {  	v20 =	vshll.u32 v20, $0x3;
	_ =	swait.ge @!p2 [sflag:s2], $0x800;
	v17 =	vor.u32 v17, v18;
	v18 =	vshll.u32 v19, $0x3  }
0x2f5: {  	v20 =	vand.u32 $0x3C00, v20;
	v19 =	vand.u32 $0x7F, v19;
	[sflag:s2] =	ssyncset.done @!p2 $0x0;
	v18 =	vand.u32 $0x3C00, v18  }
0x2f6: {  	s24 =	sshll.u32 s23, $0x7;
	v15 =	vsel vm2, v2, v15;
	v20 =	vor.u32 v21, v20;
	[sflag:s2] =	ssyncadd.s32 @!p2 $0xFFFFF800;
	v18 =	vor.u32 v19, v18  }
0x2f7: {  	s31 =	sadd.s32 $0x1, s31;
	v19 =	vbroadcast v14, $0x5;
	[tilespmem:s24+$0x1E180] =	vst v15;
	v15 =	vbroadcast v14, $0x4;
	[smem:s23+$0x1] =	sst s30  }
0x2f8: {  	v23 =	vbroadcast v14, $0x7;
	v21 =	vld.idx.msk [tilespmem:v22+s18+$0x0], $0xffff;
	v22 =	vbroadcast v14, $0x6;
	[smem:$0x0] =	sst s31  }
0x2f9: {  	v25 =	vand.u32 $0x7F, v19;
	v19 =	vshll.u32 v19, $0x3;
	v16 =	vld.idx.msk [tilespmem:v16+s18+$0x0], $0xffff;
	v24 =	vshll.u32 v15, $0x3  }
0x2fa: {  	v26 =	vand.u32 $0x7F, v15;
	v15 =	vand.u32 $0x3C00, v19;
	v24 =	vand.u32 $0x3C00, v24  }
0x2fb: {  	v27 =	vand.u32 $0x7F, v23;
	v19 =	vadd.s32 v10, v17;
	v17 =	vadd.s32 v11, v17  }
0x2fc: {  	v23 =	vshll.u32 v23, $0x3;
	v25 =	vor.u32 v25, v15;
	v15 =	vshll.u32 v22, $0x3  }
0x2fd: {  	s20 =	sshll.u32 s23, $0xB;
	v23 =	vand.u32 $0x3C00, v23;
	v22 =	vand.u32 $0x7F, v22;
	v15 =	vand.u32 $0x3C00, v15  }
0x2fe: {  	[tilespmem:s20+$0x1C180] =	vst v21;
	v21 =	vor.u32 v22, v15;
	v22 =	vor.u32 v27, v23;
	v15 =	vbroadcast v14, $0x8  }
0x2ff: {  	v23 =	vbroadcast v14, $0xA;
	[tilespmem:s20+$0x1C190] =	vst v16;
	v16 =	vbroadcast v14, $0x9  }
0x300: {  	v28 =	vbroadcast v14, $0xB;
	v29 =	vbroadcast v14, $0xC;
	v19 =	vld.idx.msk [tilespmem:v19+s18+$0x0], $0xffff;
	v27 =	vshll.u32 v15, $0x3  }
0x301: {  	v15 =	vand.u32 $0x7F, v15;
	v17 =	vld.idx.msk [tilespmem:v17+s18+$0x0], $0xffff;
	v27 =	vand.u32 $0x3C00, v27;
	v30 =	vshll.u32 v16, $0x3  }
0x302: {  	v27 =	vor.u32 v15, v27;
	v15 =	vand.u32 $0x7F, v16;
	v16 =	vand.u32 $0x3C00, v30  }
0x303: {  	v31 =	vadd.s32 v11, v18;
	v30 =	vadd.s32 v10, v18;
	v32 =	vor.u32 v15, v16  }
0x304: {  	v18 =	vshll.u32 v28, $0x3;
	v15 =	vshll.u32 v23, $0x3;
	v16 =	vand.u32 $0x7F, v28  }
0x305: {  	v23 =	vand.u32 $0x7F, v23;
	v18 =	vand.u32 $0x3C00, v18;
	v15 =	vand.u32 $0x3C00, v15  }
0x306: {  	v23 =	vor.u32 v23, v15;
	v15 =	vshll.u32 v29, $0x3;
	[tilespmem:s20+$0x1C200] =	vst v19;
	v19 =	vor.u32 v16, v18  }
0x307: {  	v16 =	vand.u32 $0x7F, v29;
	v15 =	vand.u32 $0x3C00, v15;
	[tilespmem:s20+$0x1C210] =	vst v17;
	v17 =	vbroadcast v14, $0xD  }
0x308: {  	v18 =	vor.u32 v16, v15;
	v15 =	vbroadcast v14, $0xE;
	v14 =	vbroadcast v14, $0xF;
	v28 =	vld.idx.msk [tilespmem:v30+s18+$0x0], $0xffff  }
0x309: {  	v29 =	vld.idx.msk [tilespmem:v31+s18+$0x0], $0xffff;
	v16 =	vshll.u32 v17, $0x3  }
0x30a: {  	v17 =	vand.u32 $0x7F, v17;
	v30 =	vshll.u32 v15, $0x3;
	v16 =	vand.u32 $0x3C00, v16  }
0x30b: {  	v31 =	vadd.s32 v10, v20;
	v20 =	vadd.s32 v11, v20;
	v17 =	vor.u32 v17, v16  }
0x30c: {  	v15 =	vand.u32 $0x7F, v15;
	v16 =	vand.u32 $0x3C00, v30;
	v30 =	vshll.u32 v14, $0x3  }
0x30d: {  	v16 =	vor.u32 v15, v16;
	v15 =	vand.u32 $0x3C00, v30  }
0x30e: {  	[tilespmem:s20+$0x1C280] =	vst v28  }
0x30f: {  	[tilespmem:s20+$0x1C290] =	vst v29  }
0x310: {  	v28 =	vld.idx.msk [tilespmem:v31+s18+$0x0], $0xffff  }
0x311: {  	v20 =	vld.idx.msk [tilespmem:v20+s18+$0x0], $0xffff  }
0x312: {  	v24 =	vor.u32 v26, v24  }
0x313: {  	v26 =	vadd.s32 v10, v24;
	v24 =	vadd.s32 v11, v24;
	_ =	sdelay $0x2  }
0x314: {  	[tilespmem:s20+$0x1C300] =	vst v28  }
0x315: {  	[tilespmem:s20+$0x1C310] =	vst v20  }
0x316: {  	v20 =	vld.idx.msk [tilespmem:v26+s18+$0x0], $0xffff  }
0x317: {  	v24 =	vld.idx.msk [tilespmem:v24+s18+$0x0], $0xffff;
	_ =	sdelay $0x1  }
0x318: {  	v26 =	vadd.s32 v10, v25;
	v25 =	vadd.s32 v11, v25;
	_ =	sdelay $0x2  }
0x319: {  	[tilespmem:s20+$0x1C380] =	vst v20  }
0x31a: {  	[tilespmem:s20+$0x1C390] =	vst v24  }
0x31b: {  	v20 =	vld.idx.msk [tilespmem:v26+s18+$0x0], $0xffff  }
0x31c: {  	v24 =	vld.idx.msk [tilespmem:v25+s18+$0x0], $0xffff;
	_ =	sdelay $0x1  }
0x31d: {  	v25 =	vadd.s32 v10, v21;
	v21 =	vadd.s32 v11, v21;
	_ =	sdelay $0x2  }
0x31e: {  	[tilespmem:s20+$0x1C400] =	vst v20  }
0x31f: {  	[tilespmem:s20+$0x1C410] =	vst v24  }
0x320: {  	v20 =	vld.idx.msk [tilespmem:v25+s18+$0x0], $0xffff  }
0x321: {  	v21 =	vld.idx.msk [tilespmem:v21+s18+$0x0], $0xffff;
	_ =	sdelay $0x1  }
0x322: {  	v24 =	vadd.s32 v10, v22;
	v22 =	vadd.s32 v11, v22;
	_ =	sdelay $0x2  }
0x323: {  	[tilespmem:s20+$0x1C480] =	vst v20  }
0x324: {  	[tilespmem:s20+$0x1C490] =	vst v21  }
0x325: {  	v20 =	vld.idx.msk [tilespmem:v24+s18+$0x0], $0xffff  }
0x326: {  	v21 =	vld.idx.msk [tilespmem:v22+s18+$0x0], $0xffff;
	_ =	sdelay $0x1  }
0x327: {  	v24 =	vadd.s32 v11, v27;
	v22 =	vadd.s32 v10, v27;
	_ =	sdelay $0x2  }
0x328: {  	[tilespmem:s20+$0x1C500] =	vst v20  }
0x329: {  	[tilespmem:s20+$0x1C510] =	vst v21  }
0x32a: {  	v20 =	vld.idx.msk [tilespmem:v22+s18+$0x0], $0xffff  }
0x32b: {  	v21 =	vld.idx.msk [tilespmem:v24+s18+$0x0], $0xffff;
	_ =	sdelay $0x1  }
0x32c: {  	v22 =	vadd.s32 v10, v32;
	v24 =	vadd.s32 v11, v32;
	_ =	sdelay $0x2  }
0x32d: {  	[tilespmem:s20+$0x1C580] =	vst v20  }
0x32e: {  	[tilespmem:s20+$0x1C590] =	vst v21  }
0x32f: {  	v20 =	vld.idx.msk [tilespmem:v22+s18+$0x0], $0xffff  }
0x330: {  	v21 =	vld.idx.msk [tilespmem:v24+s18+$0x0], $0xffff;
	_ =	sdelay $0x1  }
0x331: {  	v22 =	vadd.s32 v10, v23;
	v23 =	vadd.s32 v11, v23;
	_ =	sdelay $0x2  }
0x332: {  	[tilespmem:s20+$0x1C600] =	vst v20  }
0x333: {  	[tilespmem:s20+$0x1C610] =	vst v21  }
0x334: {  	v20 =	vld.idx.msk [tilespmem:v22+s18+$0x0], $0xffff  }
0x335: {  	v21 =	vld.idx.msk [tilespmem:v23+s18+$0x0], $0xffff;
	_ =	sdelay $0x1  }
0x336: {  	v22 =	vadd.s32 v10, v19;
	v19 =	vadd.s32 v11, v19;
	_ =	sdelay $0x2  }
0x337: {  	[tilespmem:s20+$0x1C680] =	vst v20  }
0x338: {  	[tilespmem:s20+$0x1C690] =	vst v21  }
0x339: {  	v20 =	vld.idx.msk [tilespmem:v22+s18+$0x0], $0xffff  }
0x33a: {  	v19 =	vld.idx.msk [tilespmem:v19+s18+$0x0], $0xffff;
	_ =	sdelay $0x1  }
0x33b: {  	v21 =	vadd.s32 v10, v18;
	v18 =	vadd.s32 v11, v18;
	_ =	sdelay $0x2  }
0x33c: {  	[tilespmem:s20+$0x1C700] =	vst v20  }
0x33d: {  	[tilespmem:s20+$0x1C710] =	vst v19  }
0x33e: {  	v19 =	vld.idx.msk [tilespmem:v21+s18+$0x0], $0xffff  }
0x33f: {  	v18 =	vld.idx.msk [tilespmem:v18+s18+$0x0], $0xffff;
	_ =	sdelay $0x1  }
0x340: {  	v20 =	vadd.s32 v10, v17;
	v17 =	vadd.s32 v11, v17;
	_ =	sdelay $0x2  }
0x341: {  	[tilespmem:s20+$0x1C780] =	vst v19  }
0x342: {  	[tilespmem:s20+$0x1C790] =	vst v18  }
0x343: {  	v18 =	vld.idx.msk [tilespmem:v20+s18+$0x0], $0xffff  }
0x344: {  	v19 =	vld.idx.msk [tilespmem:v17+s18+$0x0], $0xffff;
	_ =	sdelay $0x1  }
.Ltmp19:
0x345: {  	v17 =	vadd.s32 v10, v16;
	v16 =	vadd.s32 v11, v16;
	(pc) =	sbr.rel @p1 .LBB2_21-.Ltmp19, $3  }
0x346: {  	_ =	sdelay $0x1  }
0x347: {  	[tilespmem:s20+$0x1C800] =	vst v18  }
0x348: {  	s25 =	sor.u32 $0x1C180, s20;
	s24 =	sadd.s32 $0x1E180, s24;
	s23 =	sadd.s32 $0x3, s23;
	[tilespmem:s20+$0x1C810] =	vst v19  }
.Ltmp20:
0x349: {  	_ = 	snop;
	(pc) =	sbr.rel .LBB2_22-.Ltmp20, $1  }
0x34a: {  	_ =	sdelay $0x3  }
.LBB2_26:
0x34b: {  	_ =	sfence.sel $0x180000  }
0x34c: {  	[bflag:$0x0] =	sbarrier.arrive $0xFFFF  }
0x34d: {  	_ =	strace $0x90000047  }
0x34e: {  	[bflag:$0x2] =	sbarrier.arrive $0xFFFF  }
0x34f: {  	p0 =	sne.s32 s0, $0x0;
	s0 =	rddreg [dreg:$0x4]  }
0x350: {  	s0 =	sadd.s32 @!p0 $0x100000, s0  }
0x351: {  	[sflag:s0] =	ssyncadd.tile.s32 @!p0 $0x1;
	_ =	shalt  }
.Lfunc_end2:
_tile_overlayer_lowered:
.L_overlay_start_2:
0x352: {  	(tag) =	ssettag $0x2  }
0x353: {  	s0 =	rddreg [dreg:$0x0];
	s2 =	stileid.u32  }
0x354: {  	s1 =	rddreg [dreg:$0x1];
	p0 =	sne.s32 s2, $0x0  }
0x355: {  	s3 =	rddreg [dreg:$0x2];
	[bflag:$0x3] =	sbarrier.arrive $0xFFFF;
	s2 =	simm.s32 @!p0 $0x1C08  }
0x356: {  	[timem:s3], [sflag:s2] =	dma.local @!p0 [hbm:s0], s1  }
0x357: {  	s0 =	simm.s32 @!p0 $0x8  }
0x358: {  	_ =	swait.ge @!p0 [sflag:s0], s1  }
0x359: {  	s1 =	ssub.s32 @!p0 $0x0, s1;
	[sflag:s0] =	ssyncset.done @!p0 $0x0  }
0x35a: {  	[sflag:s0] =	ssyncadd.s32 @!p0 s1  }
0x35b: {  	[bflag:$0x3] =	sbarrier.arrive $0xFFFF  }
0x35c: {  	_ =	shalt  }

</sc_bundles>
